<compile_context>
chip_gen: v7x
topology: tpu7x:2x2x1
jax: 0.10.2.dev20260603
libtpu: 0.0.44.dev20260713+nightly
codegen_flags: <defaults>
</compile_context>

<pallas_src>
import functools

import jax
import jax.numpy as jnp
from jax import lax
from jax.experimental import pallas as pl
from jax.experimental.pallas import tpu as pltpu
from jax.experimental.pallas import tpu_sc as plsc

N_NODES = 10000
N_EDGES = 320000
D_IN = 128
HID = 128

NC = 2
NS = 16
NW = NC * NS

CHUNK = 125
EPW = N_EDGES // NW
KCH = EPW // CHUNK
GRP = 8
NGRP = KCH // GRP
ROWS_T = 624
ROWS_LAST = N_NODES - 15 * ROWS_T
BCH = 16

NB = 5
BLK = N_NODES // NB
NUM_GRAPHS = 64


def _per_tile_zero(src_hbm, dst_sh, s):
    start = s * ROWS_T

    @pl.when(s < NS - 1)
    def _():
        pltpu.sync_copy(src_hbm.at[pl.ds(0, ROWS_T)],
                        dst_sh.at[pl.ds(start, ROWS_T)])

    @pl.when(s == NS - 1)
    def _():
        pltpu.sync_copy(src_hbm, dst_sh.at[pl.ds(start, ROWS_LAST)])


def _per_tile_drain(src_sh, dst_hbm, c, s):
    start = s * ROWS_T

    @pl.when(s < NS - 1)
    def _():
        pltpu.sync_copy(src_sh.at[pl.ds(start, ROWS_T)],
                        dst_hbm.at[c, pl.ds(start, ROWS_T)])

    @pl.when(s == NS - 1)
    def _():
        pltpu.sync_copy(src_sh.at[pl.ds(start, ROWS_LAST)],
                        dst_hbm.at[c, pl.ds(start, ROWS_LAST)])


def _make_sc_agg(feat):
    mesh = plsc.VectorSubcoreMesh(core_axis_name="c", subcore_axis_name="s")

    @functools.partial(
        pl.kernel, mesh=mesh,
        out_type=jax.ShapeDtypeStruct((NC, N_NODES, feat), jnp.float32),
        scratch_types=[
            pltpu.VMEM((2, GRP, CHUNK), jnp.int32),
            pltpu.VMEM((2, GRP, CHUNK), jnp.int32),
            pltpu.VMEM((2, CHUNK, feat), jnp.float32),
            pltpu.VMEM_SHARED((N_NODES, feat), jnp.float32),
            pltpu.SemaphoreType.DMA((2,)),
            pltpu.SemaphoreType.DMA((2,)),
            pltpu.SemaphoreType.DMA,
        ],
    )
    def body(x_hbm, src_hbm, dst_hbm, zrow_hbm, acc_out,
             srcv, dstv, rows, acc_sh, gsem, ssem, isem):
        c = lax.axis_index("c")
        s = lax.axis_index("s")
        wid = c * NS + s

        _per_tile_zero(zrow_hbm, acc_sh, s)

        plsc.subcore_barrier()

        def stage(g, b):
            return (
                pltpu.make_async_copy(src_hbm.at[wid, pl.ds(g * GRP, GRP)],
                                      srcv.at[b], isem),
                pltpu.make_async_copy(dst_hbm.at[wid, pl.ds(g * GRP, GRP)],
                                      dstv.at[b], isem),
            )

        def gath(k, p):
            g = k // GRP
            return pltpu.make_async_copy(
                x_hbm.at[srcv.at[g % 2, k % GRP]], rows.at[p], gsem.at[p])

        def scat(k, p):
            g = k // GRP
            return pltpu.make_async_copy(
                rows.at[p], acc_sh.at[dstv.at[g % 2, k % GRP]], ssem.at[p])

        for d in stage(0, 0):
            d.start()
            d.wait()
        gath(0, 0).start()

        def step(k, carry):
            p = lax.rem(k, 2)
            q = 1 - p
            g = k // GRP
            r = lax.rem(k, GRP)

            @pl.when(k >= 1)
            def _():
                scat(k - 1, q).wait()

            @pl.when(jnp.logical_and(r == 0, g < NGRP - 1))
            def _():
                for d in stage(g + 1, (g + 1) % 2):
                    d.start()

            @pl.when(k < KCH - 1)
            def _():
                @pl.when(r == GRP - 1)
                def _():
                    for d in stage(g + 1, (g + 1) % 2):
                        d.wait()

                gath(k + 1, q).start()

            gath(k, p).wait()
            scat(k, p).start(add=True)

            return carry

        lax.fori_loop(0, KCH, step, 0)
        scat(KCH - 1, (KCH - 1) % 2).wait()

        plsc.subcore_barrier()

        _per_tile_drain(acc_sh, acc_out, c, s)

    return body


_sc_agg_128 = _make_sc_agg(D_IN)


def _make_sc_deg():
    mesh = plsc.VectorSubcoreMesh(core_axis_name="c", subcore_axis_name="s")

    @functools.partial(
        pl.kernel, mesh=mesh,
        out_type=jax.ShapeDtypeStruct((NC, N_NODES, D_IN), jnp.float32),
        scratch_types=[
            pltpu.VMEM((2, GRP, CHUNK), jnp.int32),
            pltpu.VMEM((CHUNK, D_IN), jnp.float32),
            pltpu.VMEM_SHARED((N_NODES, D_IN), jnp.float32),
            pltpu.SemaphoreType.DMA((2,)),
            pltpu.SemaphoreType.DMA,
        ],
    )
    def body(dst_hbm, ones_hbm, zrow_hbm, deg_out, dstv, ones, deg_sh,
             ssem, isem):
        c = lax.axis_index("c")
        s = lax.axis_index("s")
        wid = c * NS + s

        pltpu.sync_copy(ones_hbm, ones)
        _per_tile_zero(zrow_hbm, deg_sh, s)

        plsc.subcore_barrier()

        def stage(g):
            return pltpu.make_async_copy(
                dst_hbm.at[wid, pl.ds(g * GRP, GRP)], dstv.at[g % 2], isem)

        def scat(k, p):
            g = k // GRP
            return pltpu.make_async_copy(
                ones, deg_sh.at[dstv.at[g % 2, k % GRP]], ssem.at[p])

        d = stage(0)
        d.start()
        d.wait()

        def step(k, carry):
            p = lax.rem(k, 2)
            g = k // GRP
            r = lax.rem(k, GRP)

            @pl.when(k >= 1)
            def _():
                scat(k - 1, 1 - p).wait()

            @pl.when(jnp.logical_and(r == 0, g < NGRP - 1))
            def _():
                stage(g + 1).start()

            @pl.when(jnp.logical_and(r == GRP - 1, g < NGRP - 1))
            def _():
                stage(g + 1).wait()

            scat(k, p).start(add=True)

            return carry

        lax.fori_loop(0, KCH, step, 0)
        scat(KCH - 1, (KCH - 1) % 2).wait()

        plsc.subcore_barrier()

        _per_tile_drain(deg_sh, deg_out, c, s)

    return body


_sc_deg = _make_sc_deg()


def _dot_t(a, w):
    return lax.dot_general(a, w, (((1,), (1,)), ((), ())),
                           preferred_element_type=jnp.float32)


def _l2n(v):
    n = jnp.sqrt(jnp.sum(v * v, axis=1, keepdims=True))
    return v / jnp.maximum(n, 1e-12)


def _tc1_body(x_ref, acc_ref, deg_ref, wl_ref, bl_ref, wr_ref, h_ref):
    a = acc_ref[0] + acc_ref[1]
    dg = deg_ref[0, :, 0:1] + deg_ref[1, :, 0:1]
    agg = a / jnp.maximum(dg, 1.0)
    out = _dot_t(agg, wl_ref[...]) + bl_ref[...] + _dot_t(x_ref[...], wr_ref[...])
    h_ref[...] = jnp.maximum(_l2n(out), 0.0)


def _tc2_body(h_ref, acc_ref, deg_ref, batch_ref, wl_ref, bl_ref, wr_ref,
              wlin_ref, blin_ref, out_ref, gsum, gcnt):
    i = pl.program_id(0)

    @pl.when(i == 0)
    def _():
        gsum[...] = jnp.zeros_like(gsum)
        gcnt[...] = jnp.zeros_like(gcnt)

    a = acc_ref[0] + acc_ref[1]
    dg = deg_ref[0, :, 0:1] + deg_ref[1, :, 0:1]
    agg = a / jnp.maximum(dg, 1.0)
    out = _dot_t(agg, wl_ref[...]) + bl_ref[...] + _dot_t(h_ref[...], wr_ref[...])
    h2 = _l2n(out)

    b = batch_ref[0, 0]
    gid = lax.broadcasted_iota(jnp.int32, (NUM_GRAPHS, BLK), 0)
    mask = (b[None, :] == gid).astype(jnp.float32)
    gsum[...] += jnp.dot(mask, h2, preferred_element_type=jnp.float32)
    gcnt[...] += jnp.sum(mask, axis=1, keepdims=True)

    @pl.when(i == NB - 1)
    def _():
        g = gsum[...] / jnp.maximum(gcnt[...], 1.0)
        logits = _dot_t(wlin_ref[...], g) + blin_ref[0, 0]
        out_ref[...] = jax.nn.sigmoid(logits)


_tc1 = pl.pallas_call(
    _tc1_body,
    grid=(NB,),
    in_specs=[
        pl.BlockSpec((BLK, D_IN), lambda i: (i, 0)),
        pl.BlockSpec((NC, BLK, D_IN), lambda i: (0, i, 0)),
        pl.BlockSpec((NC, BLK, D_IN), lambda i: (0, i, 0)),
        pl.BlockSpec((HID, D_IN), lambda i: (0, 0)),
        pl.BlockSpec((1, HID), lambda i: (0, 0)),
        pl.BlockSpec((HID, D_IN), lambda i: (0, 0)),
    ],
    out_specs=pl.BlockSpec((BLK, HID), lambda i: (i, 0)),
    out_shape=jax.ShapeDtypeStruct((N_NODES, HID), jnp.float32),
)

_tc2 = pl.pallas_call(
    _tc2_body,
    grid=(NB,),
    in_specs=[
        pl.BlockSpec((BLK, HID), lambda i: (i, 0)),
        pl.BlockSpec((NC, BLK, HID), lambda i: (0, i, 0)),
        pl.BlockSpec((NC, BLK, D_IN), lambda i: (0, i, 0)),
        pl.BlockSpec((1, 1, BLK), lambda i: (i, 0, 0)),
        pl.BlockSpec((2 * HID, HID), lambda i: (0, 0)),
        pl.BlockSpec((1, 2 * HID), lambda i: (0, 0)),
        pl.BlockSpec((2 * HID, HID), lambda i: (0, 0)),
        pl.BlockSpec((1, 2 * HID), lambda i: (0, 0)),
        pl.BlockSpec((1, 1), lambda i: (0, 0)),
    ],
    out_specs=pl.BlockSpec((1, NUM_GRAPHS), lambda i: (0, 0)),
    out_shape=jax.ShapeDtypeStruct((1, NUM_GRAPHS), jnp.float32),
    scratch_shapes=[
        pltpu.VMEM((NUM_GRAPHS, 2 * HID), jnp.float32),
        pltpu.VMEM((NUM_GRAPHS, 1), jnp.float32),
    ],
)


def kernel(x, edge_index, batch, Wl1, bl1, Wr1, Wl2, bl2, Wr2, Wlin, blin):
    src = edge_index[0].astype(jnp.int32).reshape(NW, KCH, CHUNK)
    dst = edge_index[1].astype(jnp.int32).reshape(NW, KCH, CHUNK)
    batch3 = batch.astype(jnp.int32).reshape(NB, 1, BLK)
    zrow = jnp.zeros((ROWS_LAST, D_IN), jnp.float32)
    ones = jnp.ones((CHUNK, D_IN), jnp.float32)

    deg = _sc_deg(dst, ones, zrow)
    acc1 = _sc_agg_128(x, src, dst, zrow)
    h = _tc1(x, acc1, deg, Wl1, bl1.reshape(1, HID), Wr1)
    acc2 = _sc_agg_128(h, src, dst, zrow)
    out = _tc2(h, acc2, deg, batch3, Wl2, bl2.reshape(1, 2 * HID), Wr2,
               Wlin, blin.reshape(1, 1))
    return out.reshape(NUM_GRAPHS, 1)

# --- scband reference (transcript-rebuilt; emitter-appended) ---
"""Pipeline reference for scband-gnn-58703613002016 (READ-ONLY COPY).

The authoritative reference and input builder live on the scoring server;
editing this copy changes nothing except your own understanding.
"""

import jax, jax.numpy as jnp
import numpy as np

N_NODES = 10000
N_EDGES = 320000
D_IN = 128
HID = 128
NUM_GRAPHS = 64


def setup_inputs(seed: int = 0) -> dict:
    key = jax.random.key(seed)
    ks = jax.random.split(key, 12)
    x = jax.random.normal(ks[0], (N_NODES, D_IN), dtype=jnp.float32)
    edge_index = jax.random.randint(ks[1], (2, N_EDGES), 0, N_NODES, dtype=jnp.int64)
    batch = jnp.sort(jax.random.randint(ks[2], (N_NODES,), 0, NUM_GRAPHS, dtype=jnp.int64))
    s1 = 1.0 / np.sqrt(D_IN)
    s2 = 1.0 / np.sqrt(HID)
    s3 = 1.0 / np.sqrt(HID * 2)
    Wl1 = jax.random.uniform(ks[3], (HID, D_IN), jnp.float32, -s1, s1)
    bl1 = jax.random.uniform(ks[4], (HID,), jnp.float32, -s1, s1)
    Wr1 = jax.random.uniform(ks[5], (HID, D_IN), jnp.float32, -s1, s1)
    Wl2 = jax.random.uniform(ks[6], (HID * 2, HID), jnp.float32, -s2, s2)
    bl2 = jax.random.uniform(ks[7], (HID * 2,), jnp.float32, -s2, s2)
    Wr2 = jax.random.uniform(ks[8], (HID * 2, HID), jnp.float32, -s2, s2)
    Wlin = jax.random.uniform(ks[9], (1, HID * 2), jnp.float32, -s3, s3)
    blin = jax.random.uniform(ks[10], (1,), jnp.float32, -s3, s3)
    return {
        'x': x, 'edge_index': edge_index, 'batch': batch,
        'Wl1': Wl1, 'bl1': bl1, 'Wr1': Wr1,
        'Wl2': Wl2, 'bl2': bl2, 'Wr2': Wr2,
        'Wlin': Wlin, 'blin': blin,
    }


def _l2_normalize(x, eps=1e-12):
    n = jnp.linalg.norm(x, ord=2, axis=-1, keepdims=True)
    return x / jnp.maximum(n, eps)


def _sage_conv(x, edge_index, Wl, bl, Wr, num_nodes):
    # PyG SAGEConv with aggr='mean', normalize=True
    src = edge_index[0]
    dst = edge_index[1]
    msgs = jnp.take(x, src, axis=0)                                  # gather
    agg_sum = jax.ops.segment_sum(msgs, dst, num_segments=num_nodes)  # scatter-add
    deg = jax.ops.segment_sum(jnp.ones((msgs.shape[0],), x.dtype), dst, num_segments=num_nodes)
    agg = agg_sum / jnp.maximum(deg, 1.0)[:, None]
    out = agg @ Wl.T + bl + x @ Wr.T  # lin_l(agg) + lin_r(x_root); lin_r has no bias
    return _l2_normalize(out)


def _global_mean_pool(x, batch, num_graphs):
    s = jax.ops.segment_sum(x, batch, num_segments=num_graphs)
    cnt = jax.ops.segment_sum(jnp.ones((x.shape[0],), x.dtype), batch, num_segments=num_graphs)
    return s / jnp.maximum(cnt, 1.0)[:, None]


def reference(x, edge_index, batch, Wl1, bl1, Wr1, Wl2, bl2, Wr2, Wlin, blin):
    h = _sage_conv(x, edge_index, Wl1, bl1, Wr1, N_NODES)
    h = jax.nn.relu(h)
    h = _sage_conv(h, edge_index, Wl2, bl2, Wr2, N_NODES)
    g = _global_mean_pool(h, batch, NUM_GRAPHS)
    out = g @ Wlin.T + blin
    return jax.nn.sigmoid(out)

if __name__ == "__main__":
    import jax
    _d = setup_inputs()
    print(jax.jit(kernel)(*tuple(_d.values())))

</pallas_src>

<mosaic_0001>
#map = affine_map<(d0, d1) -> (0, 0)>
#map1 = affine_map<(d0, d1) -> (0, 0, 0)>
module attributes {stable_mosaic.version = 14 : i64} {
  func.func @body(%arg0: i32, %arg1: i32, %arg2: memref<10000x128xf32, #tpu.memory_space<hbm>>, %arg3: memref<32x80x125xi32, #tpu.memory_space<hbm>>, %arg4: memref<32x80x125xi32, #tpu.memory_space<hbm>>, %arg5: memref<640x128xf32, #tpu.memory_space<hbm>>, %arg6: memref<2x10000x128xf32, #tpu.memory_space<hbm>>, %arg7: memref<2x8x125xi32, #tpu.memory_space<vmem>>, %arg8: memref<2x8x125xi32, #tpu.memory_space<vmem>>, %arg9: memref<2x125x128xf32, #tpu.memory_space<vmem>>, %arg10: memref<10000x128xf32, #tpu.memory_space<vmem_shared>>, %arg11: memref<2x!tpu.dma_semaphore, #tpu.memory_space<semaphore_mem>>, %arg12: memref<2x!tpu.dma_semaphore, #tpu.memory_space<semaphore_mem>>, %arg13: memref<!tpu.dma_semaphore, #tpu.memory_space<semaphore_mem>>) attributes {dimension_semantics = [#tpu.dimension_semantics<core_parallel>, #tpu.dimension_semantics<subcore_parallel>], iteration_bounds = array<i64: 2, 16>, scalar_prefetch = 0 : i64, scratch_operands = 7 : i64, tpu.core_type = #tpu.core_type<sc_vector_subcore>, window_params = [{transform_indices = #map}, {transform_indices = #map1}, {transform_indices = #map1}, {transform_indices = #map}, {transform_indices = #map1}]} {
    %mul3A = arith.constant 16 : i32
    %mul3A_0 = arith.muli %arg0, %mul3A : i32
    %add3A = arith.addi %mul3A_0, %arg1 : i32
    %mul3A_1 = arith.constant 624 : i32
    %mul3A_2 = arith.muli %arg1, %mul3A_1 : i32
    %lt3A = arith.constant 15 : i32
    %lt3A_3 = arith.cmpi slt, %arg1, %lt3A : i32
    %convert_element_type3A = arith.extui %lt3A_3 : i1 to i32
    %cond3A = arith.constant 0 : i32
    %cond3A_4 = arith.cmpi ne, %convert_element_type3A, %cond3A : i32
    scf.if %cond3A_4 {
      "tpu.region"() ({
        %run_scoped3A = tpu.sem_alloc : memref<!tpu.dma_semaphore, #tpu.memory_space<semaphore_mem>>
        %dma_start3A_125 = arith.constant 0 : i32
        %dma_start3A_126 = tpu.memref_slice %arg10[%mul3A_2, %dma_start3A_125] : memref<10000x128xf32, #tpu.memory_space<vmem_shared>> -> memref<624x128xf32, #tpu.memory_space<vmem_shared>>
        %dma_start3A_127 = arith.constant 0 : i32
        %dma_start3A_128 = arith.constant 0 : i32
        %dma_start3A_129 = tpu.memref_slice %arg5[%dma_start3A_127, %dma_start3A_128] : memref<640x128xf32, #tpu.memory_space<hbm>> -> memref<624x128xf32, #tpu.memory_space<hbm>>
        tpu.enqueue_dma source(%dma_start3A_129 : memref<624x128xf32, #tpu.memory_space<hbm>>) target(%dma_start3A_126 : memref<624x128xf32, #tpu.memory_space<vmem_shared>>) target_semaphore(%run_scoped3A : memref<!tpu.dma_semaphore, #tpu.memory_space<semaphore_mem>>)
        %dma_wait3A_130 = arith.constant 0 : i32
        %dma_wait3A_131 = tpu.memref_slice %arg10[%mul3A_2, %dma_wait3A_130] : memref<10000x128xf32, #tpu.memory_space<vmem_shared>> -> memref<624x128xf32, #tpu.memory_space<vmem_shared>>
        %dma_wait3A_132 = arith.constant 0 : i32
        %dma_wait3A_133 = arith.constant 0 : i32
        %dma_wait3A_134 = tpu.memref_slice %arg5[%dma_wait3A_132, %dma_wait3A_133] : memref<640x128xf32, #tpu.memory_space<hbm>> -> memref<624x128xf32, #tpu.memory_space<hbm>>
        tpu.wait_dma2 semaphore(%run_scoped3A : memref<!tpu.dma_semaphore, #tpu.memory_space<semaphore_mem>>) src(%dma_wait3A_134 : memref<624x128xf32, #tpu.memory_space<hbm>>) dst(%dma_wait3A_131 : memref<624x128xf32, #tpu.memory_space<vmem_shared>>)
        tpu.yield
      }) : () -> ()
    } else {
    }
    %eq3A = arith.constant 15 : i32
    %eq3A_5 = arith.cmpi eq, %arg1, %eq3A : i32
    %convert_element_type3A_6 = arith.extui %eq3A_5 : i1 to i32
    %cond3A_7 = arith.constant 0 : i32
    %cond3A_8 = arith.cmpi ne, %convert_element_type3A_6, %cond3A_7 : i32
    scf.if %cond3A_8 {
      "tpu.region"() ({
        %run_scoped3A = tpu.sem_alloc : memref<!tpu.dma_semaphore, #tpu.memory_space<semaphore_mem>>
        %dma_start3A_125 = arith.constant 0 : i32
        %dma_start3A_126 = tpu.memref_slice %arg10[%mul3A_2, %dma_start3A_125] : memref<10000x128xf32, #tpu.memory_space<vmem_shared>> -> memref<640x128xf32, #tpu.memory_space<vmem_shared>>
        tpu.enqueue_dma source(%arg5 : memref<640x128xf32, #tpu.memory_space<hbm>>) target(%dma_start3A_126 : memref<640x128xf32, #tpu.memory_space<vmem_shared>>) target_semaphore(%run_scoped3A : memref<!tpu.dma_semaphore, #tpu.memory_space<semaphore_mem>>)
        %dma_wait3A_127 = arith.constant 0 : i32
        %dma_wait3A_128 = tpu.memref_slice %arg10[%mul3A_2, %dma_wait3A_127] : memref<10000x128xf32, #tpu.memory_space<vmem_shared>> -> memref<640x128xf32, #tpu.memory_space<vmem_shared>>
        tpu.wait_dma2 semaphore(%run_scoped3A : memref<!tpu.dma_semaphore, #tpu.memory_space<semaphore_mem>>) src(%arg5 : memref<640x128xf32, #tpu.memory_space<hbm>>) dst(%dma_wait3A_128 : memref<640x128xf32, #tpu.memory_space<vmem_shared>>)
        tpu.yield
      }) : () -> ()
    } else {
    }
    %barrier3A = arith.constant 0 : index
    tpu.barrier barrier_id(%barrier3A)
    %dma_start3A = arith.constant 0 : i32
    %dma_start3A_9 = arith.constant 0 : i32
    %dma_start3A_10 = arith.constant 0 : i32
    %dma_start3A_11 = tpu.memref_slice %arg7[%dma_start3A, %dma_start3A_9, %dma_start3A_10] : memref<2x8x125xi32, #tpu.memory_space<vmem>> -> memref<1x8x125xi32, #tpu.memory_space<vmem>>
    %dma_start3A_12 = tpu.memref_squeeze %dma_start3A_11 : memref<1x8x125xi32, #tpu.memory_space<vmem>> -> memref<8x125xi32, #tpu.memory_space<vmem>>
    %dma_start3A_13 = arith.constant 0 : i32
    %dma_start3A_14 = arith.constant 0 : i32
    %dma_start3A_15 = tpu.memref_slice %arg3[%add3A, %dma_start3A_13, %dma_start3A_14] : memref<32x80x125xi32, #tpu.memory_space<hbm>> -> memref<1x8x125xi32, #tpu.memory_space<hbm>>
    %dma_start3A_16 = tpu.memref_squeeze %dma_start3A_15 : memref<1x8x125xi32, #tpu.memory_space<hbm>> -> memref<8x125xi32, #tpu.memory_space<hbm>>
    %dma_start3A_17 = arith.constant 0 : i32
    %dma_start3A_18 = arith.constant 0 : i32
    %dma_start3A_19 = tpu.memref_slice %arg7[%dma_start3A, %dma_start3A_17, %dma_start3A_18] : memref<2x8x125xi32, #tpu.memory_space<vmem>> -> memref<1x8x125xi32, #tpu.memory_space<vmem>>
    %dma_start3A_20 = tpu.memref_squeeze %dma_start3A_19 : memref<1x8x125xi32, #tpu.memory_space<vmem>> -> memref<8x125xi32, #tpu.memory_space<vmem>>
    %dma_start3A_21 = arith.constant 0 : i32
    %dma_start3A_22 = arith.constant 0 : i32
    %dma_start3A_23 = tpu.memref_slice %arg3[%add3A, %dma_start3A_21, %dma_start3A_22] : memref<32x80x125xi32, #tpu.memory_space<hbm>> -> memref<1x8x125xi32, #tpu.memory_space<hbm>>
    %dma_start3A_24 = tpu.memref_squeeze %dma_start3A_23 : memref<1x8x125xi32, #tpu.memory_space<hbm>> -> memref<8x125xi32, #tpu.memory_space<hbm>>
    tpu.enqueue_dma source(%dma_start3A_24 : memref<8x125xi32, #tpu.memory_space<hbm>>) target(%dma_start3A_20 : memref<8x125xi32, #tpu.memory_space<vmem>>) target_semaphore(%arg13 : memref<!tpu.dma_semaphore, #tpu.memory_space<semaphore_mem>>)
    %dma_wait3A = arith.constant 0 : i32
    %dma_wait3A_25 = arith.constant 0 : i32
    %dma_wait3A_26 = arith.constant 0 : i32
    %dma_wait3A_27 = tpu.memref_slice %arg7[%dma_wait3A, %dma_wait3A_25, %dma_wait3A_26] : memref<2x8x125xi32, #tpu.memory_space<vmem>> -> memref<1x8x125xi32, #tpu.memory_space<vmem>>
    %dma_wait3A_28 = tpu.memref_squeeze %dma_wait3A_27 : memref<1x8x125xi32, #tpu.memory_space<vmem>> -> memref<8x125xi32, #tpu.memory_space<vmem>>
    %dma_wait3A_29 = arith.constant 0 : i32
    %dma_wait3A_30 = arith.constant 0 : i32
    %dma_wait3A_31 = tpu.memref_slice %arg3[%add3A, %dma_wait3A_29, %dma_wait3A_30] : memref<32x80x125xi32, #tpu.memory_space<hbm>> -> memref<1x8x125xi32, #tpu.memory_space<hbm>>
    %dma_wait3A_32 = tpu.memref_squeeze %dma_wait3A_31 : memref<1x8x125xi32, #tpu.memory_space<hbm>> -> memref<8x125xi32, #tpu.memory_space<hbm>>
    %dma_wait3A_33 = arith.constant 0 : i32
    %dma_wait3A_34 = arith.constant 0 : i32
    %dma_wait3A_35 = tpu.memref_slice %arg7[%dma_wait3A, %dma_wait3A_33, %dma_wait3A_34] : memref<2x8x125xi32, #tpu.memory_space<vmem>> -> memref<1x8x125xi32, #tpu.memory_space<vmem>>
    %dma_wait3A_36 = tpu.memref_squeeze %dma_wait3A_35 : memref<1x8x125xi32, #tpu.memory_space<vmem>> -> memref<8x125xi32, #tpu.memory_space<vmem>>
    %dma_wait3A_37 = arith.constant 0 : i32
    %dma_wait3A_38 = arith.constant 0 : i32
    %dma_wait3A_39 = tpu.memref_slice %arg3[%add3A, %dma_wait3A_37, %dma_wait3A_38] : memref<32x80x125xi32, #tpu.memory_space<hbm>> -> memref<1x8x125xi32, #tpu.memory_space<hbm>>
    %dma_wait3A_40 = tpu.memref_squeeze %dma_wait3A_39 : memref<1x8x125xi32, #tpu.memory_space<hbm>> -> memref<8x125xi32, #tpu.memory_space<hbm>>
    tpu.wait_dma2 semaphore(%arg13 : memref<!tpu.dma_semaphore, #tpu.memory_space<semaphore_mem>>) src(%dma_wait3A_40 : memref<8x125xi32, #tpu.memory_space<hbm>>) dst(%dma_wait3A_36 : memref<8x125xi32, #tpu.memory_space<vmem>>)
    %dma_start3A_41 = arith.constant 0 : i32
    %dma_start3A_42 = arith.constant 0 : i32
    %dma_start3A_43 = arith.constant 0 : i32
    %dma_start3A_44 = tpu.memref_slice %arg8[%dma_start3A_41, %dma_start3A_42, %dma_start3A_43] : memref<2x8x125xi32, #tpu.memory_space<vmem>> -> memref<1x8x125xi32, #tpu.memory_space<vmem>>
    %dma_start3A_45 = tpu.memref_squeeze %dma_start3A_44 : memref<1x8x125xi32, #tpu.memory_space<vmem>> -> memref<8x125xi32, #tpu.memory_space<vmem>>
    %dma_start3A_46 = arith.constant 0 : i32
    %dma_start3A_47 = arith.constant 0 : i32
    %dma_start3A_48 = tpu.memref_slice %arg4[%add3A, %dma_start3A_46, %dma_start3A_47] : memref<32x80x125xi32, #tpu.memory_space<hbm>> -> memref<1x8x125xi32, #tpu.memory_space<hbm>>
    %dma_start3A_49 = tpu.memref_squeeze %dma_start3A_48 : memref<1x8x125xi32, #tpu.memory_space<hbm>> -> memref<8x125xi32, #tpu.memory_space<hbm>>
    %dma_start3A_50 = arith.constant 0 : i32
    %dma_start3A_51 = arith.constant 0 : i32
    %dma_start3A_52 = tpu.memref_slice %arg8[%dma_start3A_41, %dma_start3A_50, %dma_start3A_51] : memref<2x8x125xi32, #tpu.memory_space<vmem>> -> memref<1x8x125xi32, #tpu.memory_space<vmem>>
    %dma_start3A_53 = tpu.memref_squeeze %dma_start3A_52 : memref<1x8x125xi32, #tpu.memory_space<vmem>> -> memref<8x125xi32, #tpu.memory_space<vmem>>
    %dma_start3A_54 = arith.constant 0 : i32
    %dma_start3A_55 = arith.constant 0 : i32
    %dma_start3A_56 = tpu.memref_slice %arg4[%add3A, %dma_start3A_54, %dma_start3A_55] : memref<32x80x125xi32, #tpu.memory_space<hbm>> -> memref<1x8x125xi32, #tpu.memory_space<hbm>>
    %dma_start3A_57 = tpu.memref_squeeze %dma_start3A_56 : memref<1x8x125xi32, #tpu.memory_space<hbm>> -> memref<8x125xi32, #tpu.memory_space<hbm>>
    tpu.enqueue_dma source(%dma_start3A_57 : memref<8x125xi32, #tpu.memory_space<hbm>>) target(%dma_start3A_53 : memref<8x125xi32, #tpu.memory_space<vmem>>) target_semaphore(%arg13 : memref<!tpu.dma_semaphore, #tpu.memory_space<semaphore_mem>>)
    %dma_wait3A_58 = arith.constant 0 : i32
    %dma_wait3A_59 = arith.constant 0 : i32
    %dma_wait3A_60 = arith.constant 0 : i32
    %dma_wait3A_61 = tpu.memref_slice %arg8[%dma_wait3A_58, %dma_wait3A_59, %dma_wait3A_60] : memref<2x8x125xi32, #tpu.memory_space<vmem>> -> memref<1x8x125xi32, #tpu.memory_space<vmem>>
    %dma_wait3A_62 = tpu.memref_squeeze %dma_wait3A_61 : memref<1x8x125xi32, #tpu.memory_space<vmem>> -> memref<8x125xi32, #tpu.memory_space<vmem>>
    %dma_wait3A_63 = arith.constant 0 : i32
    %dma_wait3A_64 = arith.constant 0 : i32
    %dma_wait3A_65 = tpu.memref_slice %arg4[%add3A, %dma_wait3A_63, %dma_wait3A_64] : memref<32x80x125xi32, #tpu.memory_space<hbm>> -> memref<1x8x125xi32, #tpu.memory_space<hbm>>
    %dma_wait3A_66 = tpu.memref_squeeze %dma_wait3A_65 : memref<1x8x125xi32, #tpu.memory_space<hbm>> -> memref<8x125xi32, #tpu.memory_space<hbm>>
    %dma_wait3A_67 = arith.constant 0 : i32
    %dma_wait3A_68 = arith.constant 0 : i32
    %dma_wait3A_69 = tpu.memref_slice %arg8[%dma_wait3A_58, %dma_wait3A_67, %dma_wait3A_68] : memref<2x8x125xi32, #tpu.memory_space<vmem>> -> memref<1x8x125xi32, #tpu.memory_space<vmem>>
    %dma_wait3A_70 = tpu.memref_squeeze %dma_wait3A_69 : memref<1x8x125xi32, #tpu.memory_space<vmem>> -> memref<8x125xi32, #tpu.memory_space<vmem>>
    %dma_wait3A_71 = arith.constant 0 : i32
    %dma_wait3A_72 = arith.constant 0 : i32
    %dma_wait3A_73 = tpu.memref_slice %arg4[%add3A, %dma_wait3A_71, %dma_wait3A_72] : memref<32x80x125xi32, #tpu.memory_space<hbm>> -> memref<1x8x125xi32, #tpu.memory_space<hbm>>
    %dma_wait3A_74 = tpu.memref_squeeze %dma_wait3A_73 : memref<1x8x125xi32, #tpu.memory_space<hbm>> -> memref<8x125xi32, #tpu.memory_space<hbm>>
    tpu.wait_dma2 semaphore(%arg13 : memref<!tpu.dma_semaphore, #tpu.memory_space<semaphore_mem>>) src(%dma_wait3A_74 : memref<8x125xi32, #tpu.memory_space<hbm>>) dst(%dma_wait3A_70 : memref<8x125xi32, #tpu.memory_space<vmem>>)
    %dma_start3A_75 = arith.constant 0 : i32
    %dma_start3A_76 = arith.constant 0 : i32
    %dma_start3A_77 = arith.constant 0 : i32
    %dma_start3A_78 = arith.constant 0 : i32
    %dma_start3A_79 = arith.constant 0 : i32
    %dma_start3A_80 = arith.constant 0 : i32
    %dma_start3A_81 = tpu.memref_slice %arg9[%dma_start3A_77, %dma_start3A_79, %dma_start3A_80] : memref<2x125x128xf32, #tpu.memory_space<vmem>> -> memref<1x125x128xf32, #tpu.memory_space<vmem>>
    %dma_start3A_82 = tpu.memref_squeeze %dma_start3A_81 : memref<1x125x128xf32, #tpu.memory_space<vmem>> -> memref<125x128xf32, #tpu.memory_space<vmem>>
    %dma_start3A_83 = arith.constant 0 : i32
    %dma_start3A_84 = tpu.memref_slice %arg7[%dma_start3A_75, %dma_start3A_76, %dma_start3A_83] : memref<2x8x125xi32, #tpu.memory_space<vmem>> -> memref<1x1x125xi32, #tpu.memory_space<vmem>>
    %dma_start3A_85 = tpu.memref_squeeze %dma_start3A_84 : memref<1x1x125xi32, #tpu.memory_space<vmem>> -> memref<125xi32, #tpu.memory_space<vmem>>
    %dma_start3A_86 = arith.constant 0 : i32
    %dma_start3A_87 = arith.constant 0 : i32
    %dma_start3A_88 = tpu.memref_slice %arg2[%dma_start3A_86, %dma_start3A_87] : memref<10000x128xf32, #tpu.memory_space<hbm>> -> memref<10000x128xf32, #tpu.memory_space<hbm>>
    %dma_start3A_89 = tpu.memref_slice %arg11[%dma_start3A_78] : memref<2x!tpu.dma_semaphore, #tpu.memory_space<semaphore_mem>> -> memref<1x!tpu.dma_semaphore, #tpu.memory_space<semaphore_mem>>
    %dma_start3A_90 = tpu.memref_squeeze %dma_start3A_89 : memref<1x!tpu.dma_semaphore, #tpu.memory_space<semaphore_mem>> -> memref<!tpu.dma_semaphore, #tpu.memory_space<semaphore_mem>>
    tpu.enqueue_indirect_dma source(%dma_start3A_88 : memref<10000x128xf32, #tpu.memory_space<hbm>>) target(%dma_start3A_82 : memref<125x128xf32, #tpu.memory_space<vmem>>) offsets(%dma_start3A_85 : memref<125xi32, #tpu.memory_space<vmem>>) semaphore(%dma_start3A_90 : memref<!tpu.dma_semaphore, #tpu.memory_space<semaphore_mem>>)
    %scan3A = arith.constant 0 : i32
    %scan3A_91 = arith.constant 0 : i32
    %scan3A_92 = arith.constant 80 : i32
    %scan3A_93 = arith.addi %scan3A_91, %scan3A_92 : i32
    %scan3A_94 = arith.constant 1 : i32
    scf.for %scan3A_125 = %scan3A_91 to %scan3A_93 step %scan3A_94  : i32 {
      %rem3A = arith.constant 2 : i32
      %rem3A_126 = arith.remsi %scan3A_125, %rem3A : i32
      %sub3A = arith.constant 1 : i32
      %sub3A_127 = arith.subi %sub3A, %rem3A_126 : i32
      %jit3A = arith.constant 8 : i32
      %div3A = arith.divsi %scan3A_125, %jit3A : i32
      %sign3A = arith.constant 0 : i32
      %sign3A_128 = arith.cmpi sgt, %scan3A_125, %sign3A : i32
      %sign3A_129 = arith.extui %sign3A_128 : i1 to i32
      %sign3A_130 = arith.constant 0 : i32
      %sign3A_131 = arith.cmpi slt, %scan3A_125, %sign3A_130 : i32
      %sign3A_132 = arith.extui %sign3A_131 : i1 to i32
      %sign3A_133 = arith.subi %sign3A_129, %sign3A_132 : i32
      %sign3A_134 = arith.constant 0 : i32
      %sign3A_135 = arith.cmpi sgt, %jit3A, %sign3A_134 : i32
      %sign3A_136 = arith.extui %sign3A_135 : i1 to i32
      %sign3A_137 = arith.constant 0 : i32
      %sign3A_138 = arith.cmpi slt, %jit3A, %sign3A_137 : i32
      %sign3A_139 = arith.extui %sign3A_138 : i1 to i32
      %sign3A_140 = arith.subi %sign3A_136, %sign3A_139 : i32
      %ne3A = arith.cmpi ne, %sign3A_133, %sign3A_140 : i32
      %rem3A_141 = arith.remsi %scan3A_125, %jit3A : i32
      %ne3A_142 = arith.constant 0 : i32
      %ne3A_143 = arith.cmpi ne, %rem3A_141, %ne3A_142 : i32
      %and3A = arith.andi %ne3A, %ne3A_143 : i1
      %sub3A_144 = arith.constant 1 : i32
      %sub3A_145 = arith.subi %div3A, %sub3A_144 : i32
      %select_n3A = arith.select %and3A, %sub3A_145, %div3A : i32
      %rem3A_146 = arith.constant 8 : i32
      %rem3A_147 = arith.remsi %scan3A_125, %rem3A_146 : i32
      %ge3A = arith.constant 1 : i32
      %ge3A_148 = arith.cmpi sge, %scan3A_125, %ge3A : i32
      %convert_element_type3A_149 = arith.extui %ge3A_148 : i1 to i32
      %cond3A_150 = arith.constant 0 : i32
      %cond3A_151 = arith.cmpi ne, %convert_element_type3A_149, %cond3A_150 : i32
      scf.if %cond3A_151 {
        %sub3A_301 = arith.constant 1 : i32
        %sub3A_302 = arith.subi %scan3A_125, %sub3A_301 : i32
        %jit3A_303 = arith.constant 8 : i32
        %div3A_304 = arith.divsi %sub3A_302, %jit3A_303 : i32
        %sign3A_305 = arith.constant 0 : i32
        %sign3A_306 = arith.cmpi sgt, %sub3A_302, %sign3A_305 : i32
        %sign3A_307 = arith.extui %sign3A_306 : i1 to i32
        %sign3A_308 = arith.constant 0 : i32
        %sign3A_309 = arith.cmpi slt, %sub3A_302, %sign3A_308 : i32
        %sign3A_310 = arith.extui %sign3A_309 : i1 to i32
        %sign3A_311 = arith.subi %sign3A_307, %sign3A_310 : i32
        %sign3A_312 = arith.constant 0 : i32
        %sign3A_313 = arith.cmpi sgt, %jit3A_303, %sign3A_312 : i32
        %sign3A_314 = arith.extui %sign3A_313 : i1 to i32
        %sign3A_315 = arith.constant 0 : i32
        %sign3A_316 = arith.cmpi slt, %jit3A_303, %sign3A_315 : i32
        %sign3A_317 = arith.extui %sign3A_316 : i1 to i32
        %sign3A_318 = arith.subi %sign3A_314, %sign3A_317 : i32
        %ne3A_319 = arith.cmpi ne, %sign3A_311, %sign3A_318 : i32
        %rem3A_320 = arith.remsi %sub3A_302, %jit3A_303 : i32
        %ne3A_321 = arith.constant 0 : i32
        %ne3A_322 = arith.cmpi ne, %rem3A_320, %ne3A_321 : i32
        %and3A_323 = arith.andi %ne3A_319, %ne3A_322 : i1
        %sub3A_324 = arith.constant 1 : i32
        %sub3A_325 = arith.subi %div3A_304, %sub3A_324 : i32
        %select_n3A_326 = arith.select %and3A_323, %sub3A_325, %div3A_304 : i32
        %jit3A_327 = arith.constant 2 : i32
        %eq3A_328 = arith.constant 0 : i32
        %eq3A_329 = arith.cmpi eq, %jit3A_327, %eq3A_328 : i32
        %jit3A_330 = arith.constant 1 : i32
        %select_n3A_331 = arith.select %eq3A_329, %jit3A_330, %jit3A_327 : i32
        %rem3A_332 = arith.remsi %select_n3A_326, %select_n3A_331 : i32
        %ne3A_333 = arith.constant 0 : i32
        %ne3A_334 = arith.cmpi ne, %rem3A_332, %ne3A_333 : i32
        %lt3A_335 = arith.constant 0 : i32
        %lt3A_336 = arith.cmpi slt, %rem3A_332, %lt3A_335 : i32
        %lt3A_337 = arith.constant 0 : i32
        %lt3A_338 = arith.cmpi slt, %select_n3A_331, %lt3A_337 : i32
        %ne3A_339 = arith.xori %lt3A_336, %lt3A_338 : i1
        %and3A_340 = arith.andi %ne3A_339, %ne3A_334 : i1
        %add3A_341 = arith.addi %rem3A_332, %select_n3A_331 : i32
        %select_n3A_342 = arith.select %and3A_340, %add3A_341, %rem3A_332 : i32
        %jit3A_343 = arith.constant 8 : i32
        %eq3A_344 = arith.constant 0 : i32
        %eq3A_345 = arith.cmpi eq, %jit3A_343, %eq3A_344 : i32
        %jit3A_346 = arith.constant 1 : i32
        %select_n3A_347 = arith.select %eq3A_345, %jit3A_346, %jit3A_343 : i32
        %rem3A_348 = arith.remsi %sub3A_302, %select_n3A_347 : i32
        %ne3A_349 = arith.constant 0 : i32
        %ne3A_350 = arith.cmpi ne, %rem3A_348, %ne3A_349 : i32
        %lt3A_351 = arith.constant 0 : i32
        %lt3A_352 = arith.cmpi slt, %rem3A_348, %lt3A_351 : i32
        %lt3A_353 = arith.constant 0 : i32
        %lt3A_354 = arith.cmpi slt, %select_n3A_347, %lt3A_353 : i32
        %ne3A_355 = arith.xori %lt3A_352, %lt3A_354 : i1
        %and3A_356 = arith.andi %ne3A_355, %ne3A_350 : i1
        %add3A_357 = arith.addi %rem3A_348, %select_n3A_347 : i32
        %select_n3A_358 = arith.select %and3A_356, %add3A_357, %rem3A_348 : i32
        %dma_wait3A_359 = arith.constant 0 : i32
        %dma_wait3A_360 = arith.constant 0 : i32
        %dma_wait3A_361 = tpu.memref_slice %arg9[%sub3A_127, %dma_wait3A_359, %dma_wait3A_360] : memref<2x125x128xf32, #tpu.memory_space<vmem>> -> memref<1x125x128xf32, #tpu.memory_space<vmem>>
        %dma_wait3A_362 = tpu.memref_squeeze %dma_wait3A_361 : memref<1x125x128xf32, #tpu.memory_space<vmem>> -> memref<125x128xf32, #tpu.memory_space<vmem>>
        %dma_wait3A_363 = arith.constant 0 : i32
        %dma_wait3A_364 = tpu.memref_slice %arg8[%select_n3A_342, %select_n3A_358, %dma_wait3A_363] : memref<2x8x125xi32, #tpu.memory_space<vmem>> -> memref<1x1x125xi32, #tpu.memory_space<vmem>>
        %dma_wait3A_365 = tpu.memref_squeeze %dma_wait3A_364 : memref<1x1x125xi32, #tpu.memory_space<vmem>> -> memref<125xi32, #tpu.memory_space<vmem>>
        %dma_wait3A_366 = arith.constant 0 : i32
        %dma_wait3A_367 = arith.constant 0 : i32
        %dma_wait3A_368 = tpu.memref_slice %arg10[%dma_wait3A_366, %dma_wait3A_367] : memref<10000x128xf32, #tpu.memory_space<vmem_shared>> -> memref<10000x128xf32, #tpu.memory_space<vmem_shared>>
        %dma_wait3A_369 = tpu.memref_slice %arg12[%sub3A_127] : memref<2x!tpu.dma_semaphore, #tpu.memory_space<semaphore_mem>> -> memref<1x!tpu.dma_semaphore, #tpu.memory_space<semaphore_mem>>
        %dma_wait3A_370 = tpu.memref_squeeze %dma_wait3A_369 : memref<1x!tpu.dma_semaphore, #tpu.memory_space<semaphore_mem>> -> memref<!tpu.dma_semaphore, #tpu.memory_space<semaphore_mem>>
        tpu.wait_indirect_dma semaphore(%dma_wait3A_370 : memref<!tpu.dma_semaphore, #tpu.memory_space<semaphore_mem>>) src(%dma_wait3A_362 : memref<125x128xf32, #tpu.memory_space<vmem>>) dst(%dma_wait3A_368 : memref<10000x128xf32, #tpu.memory_space<vmem_shared>>)
      } else {
      }
      %eq3A_152 = arith.constant 0 : i32
      %eq3A_153 = arith.cmpi eq, %rem3A_147, %eq3A_152 : i32
      %lt3A_154 = arith.constant 9 : i32
      %lt3A_155 = arith.cmpi slt, %select_n3A, %lt3A_154 : i32
      %and3A_156 = arith.andi %eq3A_153, %lt3A_155 : i1
      %convert_element_type3A_157 = arith.extui %and3A_156 : i1 to i32
      %cond3A_158 = arith.constant 0 : i32
      %cond3A_159 = arith.cmpi ne, %convert_element_type3A_157, %cond3A_158 : i32
      scf.if %cond3A_159 {
        %add3A_301 = arith.constant 1 : i32
        %add3A_302 = arith.addi %select_n3A, %add3A_301 : i32
        %add3A_303 = arith.constant 1 : i32
        %add3A_304 = arith.addi %select_n3A, %add3A_303 : i32
        %jit3A_305 = arith.constant 2 : i32
        %eq3A_306 = arith.constant 0 : i32
        %eq3A_307 = arith.cmpi eq, %jit3A_305, %eq3A_306 : i32
        %jit3A_308 = arith.constant 1 : i32
        %select_n3A_309 = arith.select %eq3A_307, %jit3A_308, %jit3A_305 : i32
        %rem3A_310 = arith.remsi %add3A_304, %select_n3A_309 : i32
        %ne3A_311 = arith.constant 0 : i32
        %ne3A_312 = arith.cmpi ne, %rem3A_310, %ne3A_311 : i32
        %lt3A_313 = arith.constant 0 : i32
        %lt3A_314 = arith.cmpi slt, %rem3A_310, %lt3A_313 : i32
        %lt3A_315 = arith.constant 0 : i32
        %lt3A_316 = arith.cmpi slt, %select_n3A_309, %lt3A_315 : i32
        %ne3A_317 = arith.xori %lt3A_314, %lt3A_316 : i1
        %and3A_318 = arith.andi %ne3A_317, %ne3A_312 : i1
        %add3A_319 = arith.addi %rem3A_310, %select_n3A_309 : i32
        %select_n3A_320 = arith.select %and3A_318, %add3A_319, %rem3A_310 : i32
        %mul3A_321 = arith.constant 8 : i32
        %mul3A_322 = arith.muli %add3A_302, %mul3A_321 : i32
        %mul3A_323 = arith.constant 8 : i32
        %mul3A_324 = arith.muli %add3A_302, %mul3A_323 : i32
        %dma_start3A_325 = arith.constant 0 : i32
        %dma_start3A_326 = arith.constant 0 : i32
        %dma_start3A_327 = tpu.memref_slice %arg7[%select_n3A_320, %dma_start3A_325, %dma_start3A_326] : memref<2x8x125xi32, #tpu.memory_space<vmem>> -> memref<1x8x125xi32, #tpu.memory_space<vmem>>
        %dma_start3A_328 = tpu.memref_squeeze %dma_start3A_327 : memref<1x8x125xi32, #tpu.memory_space<vmem>> -> memref<8x125xi32, #tpu.memory_space<vmem>>
        %dma_start3A_329 = arith.constant 0 : i32
        %dma_start3A_330 = tpu.memref_slice %arg3[%add3A, %mul3A_322, %dma_start3A_329] : memref<32x80x125xi32, #tpu.memory_space<hbm>> -> memref<1x8x125xi32, #tpu.memory_space<hbm>>
        %dma_start3A_331 = tpu.memref_squeeze %dma_start3A_330 : memref<1x8x125xi32, #tpu.memory_space<hbm>> -> memref<8x125xi32, #tpu.memory_space<hbm>>
        %dma_start3A_332 = arith.constant 0 : i32
        %dma_start3A_333 = arith.constant 0 : i32
        %dma_start3A_334 = tpu.memref_slice %arg7[%select_n3A_320, %dma_start3A_332, %dma_start3A_333] : memref<2x8x125xi32, #tpu.memory_space<vmem>> -> memref<1x8x125xi32, #tpu.memory_space<vmem>>
        %dma_start3A_335 = tpu.memref_squeeze %dma_start3A_334 : memref<1x8x125xi32, #tpu.memory_space<vmem>> -> memref<8x125xi32, #tpu.memory_space<vmem>>
        %dma_start3A_336 = arith.constant 0 : i32
        %dma_start3A_337 = tpu.memref_slice %arg3[%add3A, %mul3A_322, %dma_start3A_336] : memref<32x80x125xi32, #tpu.memory_space<hbm>> -> memref<1x8x125xi32, #tpu.memory_space<hbm>>
        %dma_start3A_338 = tpu.memref_squeeze %dma_start3A_337 : memref<1x8x125xi32, #tpu.memory_space<hbm>> -> memref<8x125xi32, #tpu.memory_space<hbm>>
        tpu.enqueue_dma source(%dma_start3A_338 : memref<8x125xi32, #tpu.memory_space<hbm>>) target(%dma_start3A_335 : memref<8x125xi32, #tpu.memory_space<vmem>>) target_semaphore(%arg13 : memref<!tpu.dma_semaphore, #tpu.memory_space<semaphore_mem>>)
        %dma_start3A_339 = arith.constant 0 : i32
        %dma_start3A_340 = arith.constant 0 : i32
        %dma_start3A_341 = tpu.memref_slice %arg8[%select_n3A_320, %dma_start3A_339, %dma_start3A_340] : memref<2x8x125xi32, #tpu.memory_space<vmem>> -> memref<1x8x125xi32, #tpu.memory_space<vmem>>
        %dma_start3A_342 = tpu.memref_squeeze %dma_start3A_341 : memref<1x8x125xi32, #tpu.memory_space<vmem>> -> memref<8x125xi32, #tpu.memory_space<vmem>>
        %dma_start3A_343 = arith.constant 0 : i32
        %dma_start3A_344 = tpu.memref_slice %arg4[%add3A, %mul3A_324, %dma_start3A_343] : memref<32x80x125xi32, #tpu.memory_space<hbm>> -> memref<1x8x125xi32, #tpu.memory_space<hbm>>
        %dma_start3A_345 = tpu.memref_squeeze %dma_start3A_344 : memref<1x8x125xi32, #tpu.memory_space<hbm>> -> memref<8x125xi32, #tpu.memory_space<hbm>>
        %dma_start3A_346 = arith.constant 0 : i32
        %dma_start3A_347 = arith.constant 0 : i32
        %dma_start3A_348 = tpu.memref_slice %arg8[%select_n3A_320, %dma_start3A_346, %dma_start3A_347] : memref<2x8x125xi32, #tpu.memory_space<vmem>> -> memref<1x8x125xi32, #tpu.memory_space<vmem>>
        %dma_start3A_349 = tpu.memref_squeeze %dma_start3A_348 : memref<1x8x125xi32, #tpu.memory_space<vmem>> -> memref<8x125xi32, #tpu.memory_space<vmem>>
        %dma_start3A_350 = arith.constant 0 : i32
        %dma_start3A_351 = tpu.memref_slice %arg4[%add3A, %mul3A_324, %dma_start3A_350] : memref<32x80x125xi32, #tpu.memory_space<hbm>> -> memref<1x8x125xi32, #tpu.memory_space<hbm>>
        %dma_start3A_352 = tpu.memref_squeeze %dma_start3A_351 : memref<1x8x125xi32, #tpu.memory_space<hbm>> -> memref<8x125xi32, #tpu.memory_space<hbm>>
        tpu.enqueue_dma source(%dma_start3A_352 : memref<8x125xi32, #tpu.memory_space<hbm>>) target(%dma_start3A_349 : memref<8x125xi32, #tpu.memory_space<vmem>>) target_semaphore(%arg13 : memref<!tpu.dma_semaphore, #tpu.memory_space<semaphore_mem>>)
      } else {
      }
      %lt3A_160 = arith.constant 79 : i32
      %lt3A_161 = arith.cmpi slt, %scan3A_125, %lt3A_160 : i32
      %convert_element_type3A_162 = arith.extui %lt3A_161 : i1 to i32
      %cond3A_163 = arith.constant 0 : i32
      %cond3A_164 = arith.cmpi ne, %convert_element_type3A_162, %cond3A_163 : i32
      scf.if %cond3A_164 {
        %eq3A_301 = arith.constant 7 : i32
        %eq3A_302 = arith.cmpi eq, %rem3A_147, %eq3A_301 : i32
        %convert_element_type3A_303 = arith.extui %eq3A_302 : i1 to i32
        %cond3A_304 = arith.constant 0 : i32
        %cond3A_305 = arith.cmpi ne, %convert_element_type3A_303, %cond3A_304 : i32
        scf.if %cond3A_305 {
          %add3A_376 = arith.constant 1 : i32
          %add3A_377 = arith.addi %select_n3A, %add3A_376 : i32
          %add3A_378 = arith.constant 1 : i32
          %add3A_379 = arith.addi %select_n3A, %add3A_378 : i32
          %jit3A_380 = arith.constant 2 : i32
          %eq3A_381 = arith.constant 0 : i32
          %eq3A_382 = arith.cmpi eq, %jit3A_380, %eq3A_381 : i32
          %jit3A_383 = arith.constant 1 : i32
          %select_n3A_384 = arith.select %eq3A_382, %jit3A_383, %jit3A_380 : i32
          %rem3A_385 = arith.remsi %add3A_379, %select_n3A_384 : i32
          %ne3A_386 = arith.constant 0 : i32
          %ne3A_387 = arith.cmpi ne, %rem3A_385, %ne3A_386 : i32
          %lt3A_388 = arith.constant 0 : i32
          %lt3A_389 = arith.cmpi slt, %rem3A_385, %lt3A_388 : i32
          %lt3A_390 = arith.constant 0 : i32
          %lt3A_391 = arith.cmpi slt, %select_n3A_384, %lt3A_390 : i32
          %ne3A_392 = arith.xori %lt3A_389, %lt3A_391 : i1
          %and3A_393 = arith.andi %ne3A_392, %ne3A_387 : i1
          %add3A_394 = arith.addi %rem3A_385, %select_n3A_384 : i32
          %select_n3A_395 = arith.select %and3A_393, %add3A_394, %rem3A_385 : i32
          %mul3A_396 = arith.constant 8 : i32
          %mul3A_397 = arith.muli %add3A_377, %mul3A_396 : i32
          %mul3A_398 = arith.constant 8 : i32
          %mul3A_399 = arith.muli %add3A_377, %mul3A_398 : i32
          %dma_wait3A_400 = arith.constant 0 : i32
          %dma_wait3A_401 = arith.constant 0 : i32
          %dma_wait3A_402 = tpu.memref_slice %arg7[%select_n3A_395, %dma_wait3A_400, %dma_wait3A_401] : memref<2x8x125xi32, #tpu.memory_space<vmem>> -> memref<1x8x125xi32, #tpu.memory_space<vmem>>
          %dma_wait3A_403 = tpu.memref_squeeze %dma_wait3A_402 : memref<1x8x125xi32, #tpu.memory_space<vmem>> -> memref<8x125xi32, #tpu.memory_space<vmem>>
          %dma_wait3A_404 = arith.constant 0 : i32
          %dma_wait3A_405 = tpu.memref_slice %arg3[%add3A, %mul3A_397, %dma_wait3A_404] : memref<32x80x125xi32, #tpu.memory_space<hbm>> -> memref<1x8x125xi32, #tpu.memory_space<hbm>>
          %dma_wait3A_406 = tpu.memref_squeeze %dma_wait3A_405 : memref<1x8x125xi32, #tpu.memory_space<hbm>> -> memref<8x125xi32, #tpu.memory_space<hbm>>
          %dma_wait3A_407 = arith.constant 0 : i32
          %dma_wait3A_408 = arith.constant 0 : i32
          %dma_wait3A_409 = tpu.memref_slice %arg7[%select_n3A_395, %dma_wait3A_407, %dma_wait3A_408] : memref<2x8x125xi32, #tpu.memory_space<vmem>> -> memref<1x8x125xi32, #tpu.memory_space<vmem>>
          %dma_wait3A_410 = tpu.memref_squeeze %dma_wait3A_409 : memref<1x8x125xi32, #tpu.memory_space<vmem>> -> memref<8x125xi32, #tpu.memory_space<vmem>>
          %dma_wait3A_411 = arith.constant 0 : i32
          %dma_wait3A_412 = tpu.memref_slice %arg3[%add3A, %mul3A_397, %dma_wait3A_411] : memref<32x80x125xi32, #tpu.memory_space<hbm>> -> memref<1x8x125xi32, #tpu.memory_space<hbm>>
          %dma_wait3A_413 = tpu.memref_squeeze %dma_wait3A_412 : memref<1x8x125xi32, #tpu.memory_space<hbm>> -> memref<8x125xi32, #tpu.memory_space<hbm>>
          tpu.wait_dma2 semaphore(%arg13 : memref<!tpu.dma_semaphore, #tpu.memory_space<semaphore_mem>>) src(%dma_wait3A_413 : memref<8x125xi32, #tpu.memory_space<hbm>>) dst(%dma_wait3A_410 : memref<8x125xi32, #tpu.memory_space<vmem>>)
          %dma_wait3A_414 = arith.constant 0 : i32
          %dma_wait3A_415 = arith.constant 0 : i32
          %dma_wait3A_416 = tpu.memref_slice %arg8[%select_n3A_395, %dma_wait3A_414, %dma_wait3A_415] : memref<2x8x125xi32, #tpu.memory_space<vmem>> -> memref<1x8x125xi32, #tpu.memory_space<vmem>>
          %dma_wait3A_417 = tpu.memref_squeeze %dma_wait3A_416 : memref<1x8x125xi32, #tpu.memory_space<vmem>> -> memref<8x125xi32, #tpu.memory_space<vmem>>
          %dma_wait3A_418 = arith.constant 0 : i32
          %dma_wait3A_419 = tpu.memref_slice %arg4[%add3A, %mul3A_399, %dma_wait3A_418] : memref<32x80x125xi32, #tpu.memory_space<hbm>> -> memref<1x8x125xi32, #tpu.memory_space<hbm>>
          %dma_wait3A_420 = tpu.memref_squeeze %dma_wait3A_419 : memref<1x8x125xi32, #tpu.memory_space<hbm>> -> memref<8x125xi32, #tpu.memory_space<hbm>>
          %dma_wait3A_421 = arith.constant 0 : i32
          %dma_wait3A_422 = arith.constant 0 : i32
          %dma_wait3A_423 = tpu.memref_slice %arg8[%select_n3A_395, %dma_wait3A_421, %dma_wait3A_422] : memref<2x8x125xi32, #tpu.memory_space<vmem>> -> memref<1x8x125xi32, #tpu.memory_space<vmem>>
          %dma_wait3A_424 = tpu.memref_squeeze %dma_wait3A_423 : memref<1x8x125xi32, #tpu.memory_space<vmem>> -> memref<8x125xi32, #tpu.memory_space<vmem>>
          %dma_wait3A_425 = arith.constant 0 : i32
          %dma_wait3A_426 = tpu.memref_slice %arg4[%add3A, %mul3A_399, %dma_wait3A_425] : memref<32x80x125xi32, #tpu.memory_space<hbm>> -> memref<1x8x125xi32, #tpu.memory_space<hbm>>
          %dma_wait3A_427 = tpu.memref_squeeze %dma_wait3A_426 : memref<1x8x125xi32, #tpu.memory_space<hbm>> -> memref<8x125xi32, #tpu.memory_space<hbm>>
          tpu.wait_dma2 semaphore(%arg13 : memref<!tpu.dma_semaphore, #tpu.memory_space<semaphore_mem>>) src(%dma_wait3A_427 : memref<8x125xi32, #tpu.memory_space<hbm>>) dst(%dma_wait3A_424 : memref<8x125xi32, #tpu.memory_space<vmem>>)
        } else {
        }
        %add3A_306 = arith.constant 1 : i32
        %add3A_307 = arith.addi %scan3A_125, %add3A_306 : i32
        %jit3A_308 = arith.constant 8 : i32
        %div3A_309 = arith.divsi %add3A_307, %jit3A_308 : i32
        %sign3A_310 = arith.constant 0 : i32
        %sign3A_311 = arith.cmpi sgt, %add3A_307, %sign3A_310 : i32
        %sign3A_312 = arith.extui %sign3A_311 : i1 to i32
        %sign3A_313 = arith.constant 0 : i32
        %sign3A_314 = arith.cmpi slt, %add3A_307, %sign3A_313 : i32
        %sign3A_315 = arith.extui %sign3A_314 : i1 to i32
        %sign3A_316 = arith.subi %sign3A_312, %sign3A_315 : i32
        %sign3A_317 = arith.constant 0 : i32
        %sign3A_318 = arith.cmpi sgt, %jit3A_308, %sign3A_317 : i32
        %sign3A_319 = arith.extui %sign3A_318 : i1 to i32
        %sign3A_320 = arith.constant 0 : i32
        %sign3A_321 = arith.cmpi slt, %jit3A_308, %sign3A_320 : i32
        %sign3A_322 = arith.extui %sign3A_321 : i1 to i32
        %sign3A_323 = arith.subi %sign3A_319, %sign3A_322 : i32
        %ne3A_324 = arith.cmpi ne, %sign3A_316, %sign3A_323 : i32
        %rem3A_325 = arith.remsi %add3A_307, %jit3A_308 : i32
        %ne3A_326 = arith.constant 0 : i32
        %ne3A_327 = arith.cmpi ne, %rem3A_325, %ne3A_326 : i32
        %and3A_328 = arith.andi %ne3A_324, %ne3A_327 : i1
        %sub3A_329 = arith.constant 1 : i32
        %sub3A_330 = arith.subi %div3A_309, %sub3A_329 : i32
        %select_n3A_331 = arith.select %and3A_328, %sub3A_330, %div3A_309 : i32
        %jit3A_332 = arith.constant 2 : i32
        %eq3A_333 = arith.constant 0 : i32
        %eq3A_334 = arith.cmpi eq, %jit3A_332, %eq3A_333 : i32
        %jit3A_335 = arith.constant 1 : i32
        %select_n3A_336 = arith.select %eq3A_334, %jit3A_335, %jit3A_332 : i32
        %rem3A_337 = arith.remsi %select_n3A_331, %select_n3A_336 : i32
        %ne3A_338 = arith.constant 0 : i32
        %ne3A_339 = arith.cmpi ne, %rem3A_337, %ne3A_338 : i32
        %lt3A_340 = arith.constant 0 : i32
        %lt3A_341 = arith.cmpi slt, %rem3A_337, %lt3A_340 : i32
        %lt3A_342 = arith.constant 0 : i32
        %lt3A_343 = arith.cmpi slt, %select_n3A_336, %lt3A_342 : i32
        %ne3A_344 = arith.xori %lt3A_341, %lt3A_343 : i1
        %and3A_345 = arith.andi %ne3A_344, %ne3A_339 : i1
        %add3A_346 = arith.addi %rem3A_337, %select_n3A_336 : i32
        %select_n3A_347 = arith.select %and3A_345, %add3A_346, %rem3A_337 : i32
        %jit3A_348 = arith.constant 8 : i32
        %eq3A_349 = arith.constant 0 : i32
        %eq3A_350 = arith.cmpi eq, %jit3A_348, %eq3A_349 : i32
        %jit3A_351 = arith.constant 1 : i32
        %select_n3A_352 = arith.select %eq3A_350, %jit3A_351, %jit3A_348 : i32
        %rem3A_353 = arith.remsi %add3A_307, %select_n3A_352 : i32
        %ne3A_354 = arith.constant 0 : i32
        %ne3A_355 = arith.cmpi ne, %rem3A_353, %ne3A_354 : i32
        %lt3A_356 = arith.constant 0 : i32
        %lt3A_357 = arith.cmpi slt, %rem3A_353, %lt3A_356 : i32
        %lt3A_358 = arith.constant 0 : i32
        %lt3A_359 = arith.cmpi slt, %select_n3A_352, %lt3A_358 : i32
        %ne3A_360 = arith.xori %lt3A_357, %lt3A_359 : i1
        %and3A_361 = arith.andi %ne3A_360, %ne3A_355 : i1
        %add3A_362 = arith.addi %rem3A_353, %select_n3A_352 : i32
        %select_n3A_363 = arith.select %and3A_361, %add3A_362, %rem3A_353 : i32
        %dma_start3A_364 = arith.constant 0 : i32
        %dma_start3A_365 = arith.constant 0 : i32
        %dma_start3A_366 = tpu.memref_slice %arg9[%sub3A_127, %dma_start3A_364, %dma_start3A_365] : memref<2x125x128xf32, #tpu.memory_space<vmem>> -> memref<1x125x128xf32, #tpu.memory_space<vmem>>
        %dma_start3A_367 = tpu.memref_squeeze %dma_start3A_366 : memref<1x125x128xf32, #tpu.memory_space<vmem>> -> memref<125x128xf32, #tpu.memory_space<vmem>>
        %dma_start3A_368 = arith.constant 0 : i32
        %dma_start3A_369 = tpu.memref_slice %arg7[%select_n3A_347, %select_n3A_363, %dma_start3A_368] : memref<2x8x125xi32, #tpu.memory_space<vmem>> -> memref<1x1x125xi32, #tpu.memory_space<vmem>>
        %dma_start3A_370 = tpu.memref_squeeze %dma_start3A_369 : memref<1x1x125xi32, #tpu.memory_space<vmem>> -> memref<125xi32, #tpu.memory_space<vmem>>
        %dma_start3A_371 = arith.constant 0 : i32
        %dma_start3A_372 = arith.constant 0 : i32
        %dma_start3A_373 = tpu.memref_slice %arg2[%dma_start3A_371, %dma_start3A_372] : memref<10000x128xf32, #tpu.memory_space<hbm>> -> memref<10000x128xf32, #tpu.memory_space<hbm>>
        %dma_start3A_374 = tpu.memref_slice %arg11[%sub3A_127] : memref<2x!tpu.dma_semaphore, #tpu.memory_space<semaphore_mem>> -> memref<1x!tpu.dma_semaphore, #tpu.memory_space<semaphore_mem>>
        %dma_start3A_375 = tpu.memref_squeeze %dma_start3A_374 : memref<1x!tpu.dma_semaphore, #tpu.memory_space<semaphore_mem>> -> memref<!tpu.dma_semaphore, #tpu.memory_space<semaphore_mem>>
        tpu.enqueue_indirect_dma source(%dma_start3A_373 : memref<10000x128xf32, #tpu.memory_space<hbm>>) target(%dma_start3A_367 : memref<125x128xf32, #tpu.memory_space<vmem>>) offsets(%dma_start3A_370 : memref<125xi32, #tpu.memory_space<vmem>>) semaphore(%dma_start3A_375 : memref<!tpu.dma_semaphore, #tpu.memory_space<semaphore_mem>>)
      } else {
      }
      %jit3A_165 = arith.constant 8 : i32
      %div3A_166 = arith.divsi %scan3A_125, %jit3A_165 : i32
      %sign3A_167 = arith.constant 0 : i32
      %sign3A_168 = arith.cmpi sgt, %scan3A_125, %sign3A_167 : i32
      %sign3A_169 = arith.extui %sign3A_168 : i1 to i32
      %sign3A_170 = arith.constant 0 : i32
      %sign3A_171 = arith.cmpi slt, %scan3A_125, %sign3A_170 : i32
      %sign3A_172 = arith.extui %sign3A_171 : i1 to i32
      %sign3A_173 = arith.subi %sign3A_169, %sign3A_172 : i32
      %sign3A_174 = arith.constant 0 : i32
      %sign3A_175 = arith.cmpi sgt, %jit3A_165, %sign3A_174 : i32
      %sign3A_176 = arith.extui %sign3A_175 : i1 to i32
      %sign3A_177 = arith.constant 0 : i32
      %sign3A_178 = arith.cmpi slt, %jit3A_165, %sign3A_177 : i32
      %sign3A_179 = arith.extui %sign3A_178 : i1 to i32
      %sign3A_180 = arith.subi %sign3A_176, %sign3A_179 : i32
      %ne3A_181 = arith.cmpi ne, %sign3A_173, %sign3A_180 : i32
      %rem3A_182 = arith.remsi %scan3A_125, %jit3A_165 : i32
      %ne3A_183 = arith.constant 0 : i32
      %ne3A_184 = arith.cmpi ne, %rem3A_182, %ne3A_183 : i32
      %and3A_185 = arith.andi %ne3A_181, %ne3A_184 : i1
      %sub3A_186 = arith.constant 1 : i32
      %sub3A_187 = arith.subi %div3A_166, %sub3A_186 : i32
      %select_n3A_188 = arith.select %and3A_185, %sub3A_187, %div3A_166 : i32
      %jit3A_189 = arith.constant 2 : i32
      %eq3A_190 = arith.constant 0 : i32
      %eq3A_191 = arith.cmpi eq, %jit3A_189, %eq3A_190 : i32
      %jit3A_192 = arith.constant 1 : i32
      %select_n3A_193 = arith.select %eq3A_191, %jit3A_192, %jit3A_189 : i32
      %rem3A_194 = arith.remsi %select_n3A_188, %select_n3A_193 : i32
      %ne3A_195 = arith.constant 0 : i32
      %ne3A_196 = arith.cmpi ne, %rem3A_194, %ne3A_195 : i32
      %lt3A_197 = arith.constant 0 : i32
      %lt3A_198 = arith.cmpi slt, %rem3A_194, %lt3A_197 : i32
      %lt3A_199 = arith.constant 0 : i32
      %lt3A_200 = arith.cmpi slt, %select_n3A_193, %lt3A_199 : i32
      %ne3A_201 = arith.xori %lt3A_198, %lt3A_200 : i1
      %and3A_202 = arith.andi %ne3A_201, %ne3A_196 : i1
      %add3A_203 = arith.addi %rem3A_194, %select_n3A_193 : i32
      %select_n3A_204 = arith.select %and3A_202, %add3A_203, %rem3A_194 : i32
      %jit3A_205 = arith.constant 8 : i32
      %eq3A_206 = arith.constant 0 : i32
      %eq3A_207 = arith.cmpi eq, %jit3A_205, %eq3A_206 : i32
      %jit3A_208 = arith.constant 1 : i32
      %select_n3A_209 = arith.select %eq3A_207, %jit3A_208, %jit3A_205 : i32
      %rem3A_210 = arith.remsi %scan3A_125, %select_n3A_209 : i32
      %ne3A_211 = arith.constant 0 : i32
      %ne3A_212 = arith.cmpi ne, %rem3A_210, %ne3A_211 : i32
      %lt3A_213 = arith.constant 0 : i32
      %lt3A_214 = arith.cmpi slt, %rem3A_210, %lt3A_213 : i32
      %lt3A_215 = arith.constant 0 : i32
      %lt3A_216 = arith.cmpi slt, %select_n3A_209, %lt3A_215 : i32
      %ne3A_217 = arith.xori %lt3A_214, %lt3A_216 : i1
      %and3A_218 = arith.andi %ne3A_217, %ne3A_212 : i1
      %add3A_219 = arith.addi %rem3A_210, %select_n3A_209 : i32
      %select_n3A_220 = arith.select %and3A_218, %add3A_219, %rem3A_210 : i32
      %dma_wait3A_221 = arith.constant 0 : i32
      %dma_wait3A_222 = arith.constant 0 : i32
      %dma_wait3A_223 = tpu.memref_slice %arg9[%rem3A_126, %dma_wait3A_221, %dma_wait3A_222] : memref<2x125x128xf32, #tpu.memory_space<vmem>> -> memref<1x125x128xf32, #tpu.memory_space<vmem>>
      %dma_wait3A_224 = tpu.memref_squeeze %dma_wait3A_223 : memref<1x125x128xf32, #tpu.memory_space<vmem>> -> memref<125x128xf32, #tpu.memory_space<vmem>>
      %dma_wait3A_225 = arith.constant 0 : i32
      %dma_wait3A_226 = tpu.memref_slice %arg7[%select_n3A_204, %select_n3A_220, %dma_wait3A_225] : memref<2x8x125xi32, #tpu.memory_space<vmem>> -> memref<1x1x125xi32, #tpu.memory_space<vmem>>
      %dma_wait3A_227 = tpu.memref_squeeze %dma_wait3A_226 : memref<1x1x125xi32, #tpu.memory_space<vmem>> -> memref<125xi32, #tpu.memory_space<vmem>>
      %dma_wait3A_228 = arith.constant 0 : i32
      %dma_wait3A_229 = arith.constant 0 : i32
      %dma_wait3A_230 = tpu.memref_slice %arg2[%dma_wait3A_228, %dma_wait3A_229] : memref<10000x128xf32, #tpu.memory_space<hbm>> -> memref<10000x128xf32, #tpu.memory_space<hbm>>
      %dma_wait3A_231 = tpu.memref_slice %arg11[%rem3A_126] : memref<2x!tpu.dma_semaphore, #tpu.memory_space<semaphore_mem>> -> memref<1x!tpu.dma_semaphore, #tpu.memory_space<semaphore_mem>>
      %dma_wait3A_232 = tpu.memref_squeeze %dma_wait3A_231 : memref<1x!tpu.dma_semaphore, #tpu.memory_space<semaphore_mem>> -> memref<!tpu.dma_semaphore, #tpu.memory_space<semaphore_mem>>
      tpu.wait_indirect_dma semaphore(%dma_wait3A_232 : memref<!tpu.dma_semaphore, #tpu.memory_space<semaphore_mem>>) src(%dma_wait3A_230 : memref<10000x128xf32, #tpu.memory_space<hbm>>) dst(%dma_wait3A_224 : memref<125x128xf32, #tpu.memory_space<vmem>>)
      %jit3A_233 = arith.constant 8 : i32
      %div3A_234 = arith.divsi %scan3A_125, %jit3A_233 : i32
      %sign3A_235 = arith.constant 0 : i32
      %sign3A_236 = arith.cmpi sgt, %scan3A_125, %sign3A_235 : i32
      %sign3A_237 = arith.extui %sign3A_236 : i1 to i32
      %sign3A_238 = arith.constant 0 : i32
      %sign3A_239 = arith.cmpi slt, %scan3A_125, %sign3A_238 : i32
      %sign3A_240 = arith.extui %sign3A_239 : i1 to i32
      %sign3A_241 = arith.subi %sign3A_237, %sign3A_240 : i32
      %sign3A_242 = arith.constant 0 : i32
      %sign3A_243 = arith.cmpi sgt, %jit3A_233, %sign3A_242 : i32
      %sign3A_244 = arith.extui %sign3A_243 : i1 to i32
      %sign3A_245 = arith.constant 0 : i32
      %sign3A_246 = arith.cmpi slt, %jit3A_233, %sign3A_245 : i32
      %sign3A_247 = arith.extui %sign3A_246 : i1 to i32
      %sign3A_248 = arith.subi %sign3A_244, %sign3A_247 : i32
      %ne3A_249 = arith.cmpi ne, %sign3A_241, %sign3A_248 : i32
      %rem3A_250 = arith.remsi %scan3A_125, %jit3A_233 : i32
      %ne3A_251 = arith.constant 0 : i32
      %ne3A_252 = arith.cmpi ne, %rem3A_250, %ne3A_251 : i32
      %and3A_253 = arith.andi %ne3A_249, %ne3A_252 : i1
      %sub3A_254 = arith.constant 1 : i32
      %sub3A_255 = arith.subi %div3A_234, %sub3A_254 : i32
      %select_n3A_256 = arith.select %and3A_253, %sub3A_255, %div3A_234 : i32
      %jit3A_257 = arith.constant 2 : i32
      %eq3A_258 = arith.constant 0 : i32
      %eq3A_259 = arith.cmpi eq, %jit3A_257, %eq3A_258 : i32
      %jit3A_260 = arith.constant 1 : i32
      %select_n3A_261 = arith.select %eq3A_259, %jit3A_260, %jit3A_257 : i32
      %rem3A_262 = arith.remsi %select_n3A_256, %select_n3A_261 : i32
      %ne3A_263 = arith.constant 0 : i32
      %ne3A_264 = arith.cmpi ne, %rem3A_262, %ne3A_263 : i32
      %lt3A_265 = arith.constant 0 : i32
      %lt3A_266 = arith.cmpi slt, %rem3A_262, %lt3A_265 : i32
      %lt3A_267 = arith.constant 0 : i32
      %lt3A_268 = arith.cmpi slt, %select_n3A_261, %lt3A_267 : i32
      %ne3A_269 = arith.xori %lt3A_266, %lt3A_268 : i1
      %and3A_270 = arith.andi %ne3A_269, %ne3A_264 : i1
      %add3A_271 = arith.addi %rem3A_262, %select_n3A_261 : i32
      %select_n3A_272 = arith.select %and3A_270, %add3A_271, %rem3A_262 : i32
      %jit3A_273 = arith.constant 8 : i32
      %eq3A_274 = arith.constant 0 : i32
      %eq3A_275 = arith.cmpi eq, %jit3A_273, %eq3A_274 : i32
      %jit3A_276 = arith.constant 1 : i32
      %select_n3A_277 = arith.select %eq3A_275, %jit3A_276, %jit3A_273 : i32
      %rem3A_278 = arith.remsi %scan3A_125, %select_n3A_277 : i32
      %ne3A_279 = arith.constant 0 : i32
      %ne3A_280 = arith.cmpi ne, %rem3A_278, %ne3A_279 : i32
      %lt3A_281 = arith.constant 0 : i32
      %lt3A_282 = arith.cmpi slt, %rem3A_278, %lt3A_281 : i32
      %lt3A_283 = arith.constant 0 : i32
      %lt3A_284 = arith.cmpi slt, %select_n3A_277, %lt3A_283 : i32
      %ne3A_285 = arith.xori %lt3A_282, %lt3A_284 : i1
      %and3A_286 = arith.andi %ne3A_285, %ne3A_280 : i1
      %add3A_287 = arith.addi %rem3A_278, %select_n3A_277 : i32
      %select_n3A_288 = arith.select %and3A_286, %add3A_287, %rem3A_278 : i32
      %dma_start3A_289 = arith.constant 0 : i32
      %dma_start3A_290 = arith.constant 0 : i32
      %dma_start3A_291 = tpu.memref_slice %arg9[%rem3A_126, %dma_start3A_289, %dma_start3A_290] : memref<2x125x128xf32, #tpu.memory_space<vmem>> -> memref<1x125x128xf32, #tpu.memory_space<vmem>>
      %dma_start3A_292 = tpu.memref_squeeze %dma_start3A_291 : memref<1x125x128xf32, #tpu.memory_space<vmem>> -> memref<125x128xf32, #tpu.memory_space<vmem>>
      %dma_start3A_293 = arith.constant 0 : i32
      %dma_start3A_294 = tpu.memref_slice %arg8[%select_n3A_272, %select_n3A_288, %dma_start3A_293] : memref<2x8x125xi32, #tpu.memory_space<vmem>> -> memref<1x1x125xi32, #tpu.memory_space<vmem>>
      %dma_start3A_295 = tpu.memref_squeeze %dma_start3A_294 : memref<1x1x125xi32, #tpu.memory_space<vmem>> -> memref<125xi32, #tpu.memory_space<vmem>>
      %dma_start3A_296 = arith.constant 0 : i32
      %dma_start3A_297 = arith.constant 0 : i32
      %dma_start3A_298 = tpu.memref_slice %arg10[%dma_start3A_296, %dma_start3A_297] : memref<10000x128xf32, #tpu.memory_space<vmem_shared>> -> memref<10000x128xf32, #tpu.memory_space<vmem_shared>>
      %dma_start3A_299 = tpu.memref_slice %arg12[%rem3A_126] : memref<2x!tpu.dma_semaphore, #tpu.memory_space<semaphore_mem>> -> memref<1x!tpu.dma_semaphore, #tpu.memory_space<semaphore_mem>>
      %dma_start3A_300 = tpu.memref_squeeze %dma_start3A_299 : memref<1x!tpu.dma_semaphore, #tpu.memory_space<semaphore_mem>> -> memref<!tpu.dma_semaphore, #tpu.memory_space<semaphore_mem>>
      tpu.enqueue_indirect_dma source(%dma_start3A_292 : memref<125x128xf32, #tpu.memory_space<vmem>>) target(%dma_start3A_298 : memref<10000x128xf32, #tpu.memory_space<vmem_shared>>) offsets(%dma_start3A_295 : memref<125xi32, #tpu.memory_space<vmem>>) semaphore(%dma_start3A_300 : memref<!tpu.dma_semaphore, #tpu.memory_space<semaphore_mem>>) {add = true}
    }
    %scan3A_95 = arith.constant 80 : i32
    %dma_wait3A_96 = arith.constant 1 : i32
    %dma_wait3A_97 = arith.constant 1 : i32
    %dma_wait3A_98 = arith.constant 7 : i32
    %dma_wait3A_99 = arith.constant 1 : i32
    %dma_wait3A_100 = arith.constant 0 : i32
    %dma_wait3A_101 = arith.constant 0 : i32
    %dma_wait3A_102 = tpu.memref_slice %arg9[%dma_wait3A_96, %dma_wait3A_100, %dma_wait3A_101] : memref<2x125x128xf32, #tpu.memory_space<vmem>> -> memref<1x125x128xf32, #tpu.memory_space<vmem>>
    %dma_wait3A_103 = tpu.memref_squeeze %dma_wait3A_102 : memref<1x125x128xf32, #tpu.memory_space<vmem>> -> memref<125x128xf32, #tpu.memory_space<vmem>>
    %dma_wait3A_104 = arith.constant 0 : i32
    %dma_wait3A_105 = tpu.memref_slice %arg8[%dma_wait3A_97, %dma_wait3A_98, %dma_wait3A_104] : memref<2x8x125xi32, #tpu.memory_space<vmem>> -> memref<1x1x125xi32, #tpu.memory_space<vmem>>
    %dma_wait3A_106 = tpu.memref_squeeze %dma_wait3A_105 : memref<1x1x125xi32, #tpu.memory_space<vmem>> -> memref<125xi32, #tpu.memory_space<vmem>>
    %dma_wait3A_107 = arith.constant 0 : i32
    %dma_wait3A_108 = arith.constant 0 : i32
    %dma_wait3A_109 = tpu.memref_slice %arg10[%dma_wait3A_107, %dma_wait3A_108] : memref<10000x128xf32, #tpu.memory_space<vmem_shared>> -> memref<10000x128xf32, #tpu.memory_space<vmem_shared>>
    %dma_wait3A_110 = tpu.memref_slice %arg12[%dma_wait3A_99] : memref<2x!tpu.dma_semaphore, #tpu.memory_space<semaphore_mem>> -> memref<1x!tpu.dma_semaphore, #tpu.memory_space<semaphore_mem>>
    %dma_wait3A_111 = tpu.memref_squeeze %dma_wait3A_110 : memref<1x!tpu.dma_semaphore, #tpu.memory_space<semaphore_mem>> -> memref<!tpu.dma_semaphore, #tpu.memory_space<semaphore_mem>>
    tpu.wait_indirect_dma semaphore(%dma_wait3A_111 : memref<!tpu.dma_semaphore, #tpu.memory_space<semaphore_mem>>) src(%dma_wait3A_103 : memref<125x128xf32, #tpu.memory_space<vmem>>) dst(%dma_wait3A_109 : memref<10000x128xf32, #tpu.memory_space<vmem_shared>>)
    %barrier3A_112 = arith.constant 0 : index
    tpu.barrier barrier_id(%barrier3A_112)
    %mul3A_113 = arith.constant 624 : i32
    %mul3A_114 = arith.muli %arg1, %mul3A_113 : i32
    %lt3A_115 = arith.constant 15 : i32
    %lt3A_116 = arith.cmpi slt, %arg1, %lt3A_115 : i32
    %convert_element_type3A_117 = arith.extui %lt3A_116 : i1 to i32
    %cond3A_118 = arith.constant 0 : i32
    %cond3A_119 = arith.cmpi ne, %convert_element_type3A_117, %cond3A_118 : i32
    scf.if %cond3A_119 {
      "tpu.region"() ({
        %run_scoped3A = tpu.sem_alloc : memref<!tpu.dma_semaphore, #tpu.memory_space<semaphore_mem>>
        %dma_start3A_125 = arith.constant 0 : i32
        %dma_start3A_126 = tpu.memref_slice %arg6[%arg0, %mul3A_114, %dma_start3A_125] : memref<2x10000x128xf32, #tpu.memory_space<hbm>> -> memref<1x624x128xf32, #tpu.memory_space<hbm>>
        %dma_start3A_127 = tpu.memref_squeeze %dma_start3A_126 : memref<1x624x128xf32, #tpu.memory_space<hbm>> -> memref<624x128xf32, #tpu.memory_space<hbm>>
        %dma_start3A_128 = arith.constant 0 : i32
        %dma_start3A_129 = tpu.memref_slice %arg10[%mul3A_114, %dma_start3A_128] : memref<10000x128xf32, #tpu.memory_space<vmem_shared>> -> memref<624x128xf32, #tpu.memory_space<vmem_shared>>
        tpu.enqueue_dma source(%dma_start3A_129 : memref<624x128xf32, #tpu.memory_space<vmem_shared>>) target(%dma_start3A_127 : memref<624x128xf32, #tpu.memory_space<hbm>>) target_semaphore(%run_scoped3A : memref<!tpu.dma_semaphore, #tpu.memory_space<semaphore_mem>>)
        %dma_wait3A_130 = arith.constant 0 : i32
        %dma_wait3A_131 = tpu.memref_slice %arg6[%arg0, %mul3A_114, %dma_wait3A_130] : memref<2x10000x128xf32, #tpu.memory_space<hbm>> -> memref<1x624x128xf32, #tpu.memory_space<hbm>>
        %dma_wait3A_132 = tpu.memref_squeeze %dma_wait3A_131 : memref<1x624x128xf32, #tpu.memory_space<hbm>> -> memref<624x128xf32, #tpu.memory_space<hbm>>
        %dma_wait3A_133 = arith.constant 0 : i32
        %dma_wait3A_134 = tpu.memref_slice %arg10[%mul3A_114, %dma_wait3A_133] : memref<10000x128xf32, #tpu.memory_space<vmem_shared>> -> memref<624x128xf32, #tpu.memory_space<vmem_shared>>
        tpu.wait_dma2 semaphore(%run_scoped3A : memref<!tpu.dma_semaphore, #tpu.memory_space<semaphore_mem>>) src(%dma_wait3A_134 : memref<624x128xf32, #tpu.memory_space<vmem_shared>>) dst(%dma_wait3A_132 : memref<624x128xf32, #tpu.memory_space<hbm>>)
        tpu.yield
      }) : () -> ()
    } else {
    }
    %eq3A_120 = arith.constant 15 : i32
    %eq3A_121 = arith.cmpi eq, %arg1, %eq3A_120 : i32
    %convert_element_type3A_122 = arith.extui %eq3A_121 : i1 to i32
    %cond3A_123 = arith.constant 0 : i32
    %cond3A_124 = arith.cmpi ne, %convert_element_type3A_122, %cond3A_123 : i32
    scf.if %cond3A_124 {
      "tpu.region"() ({
        %run_scoped3A = tpu.sem_alloc : memref<!tpu.dma_semaphore, #tpu.memory_space<semaphore_mem>>
        %dma_start3A_125 = arith.constant 0 : i32
        %dma_start3A_126 = tpu.memref_slice %arg6[%arg0, %mul3A_114, %dma_start3A_125] : memref<2x10000x128xf32, #tpu.memory_space<hbm>> -> memref<1x640x128xf32, #tpu.memory_space<hbm>>
        %dma_start3A_127 = tpu.memref_squeeze %dma_start3A_126 : memref<1x640x128xf32, #tpu.memory_space<hbm>> -> memref<640x128xf32, #tpu.memory_space<hbm>>
        %dma_start3A_128 = arith.constant 0 : i32
        %dma_start3A_129 = tpu.memref_slice %arg10[%mul3A_114, %dma_start3A_128] : memref<10000x128xf32, #tpu.memory_space<vmem_shared>> -> memref<640x128xf32, #tpu.memory_space<vmem_shared>>
        tpu.enqueue_dma source(%dma_start3A_129 : memref<640x128xf32, #tpu.memory_space<vmem_shared>>) target(%dma_start3A_127 : memref<640x128xf32, #tpu.memory_space<hbm>>) target_semaphore(%run_scoped3A : memref<!tpu.dma_semaphore, #tpu.memory_space<semaphore_mem>>)
        %dma_wait3A_130 = arith.constant 0 : i32
        %dma_wait3A_131 = tpu.memref_slice %arg6[%arg0, %mul3A_114, %dma_wait3A_130] : memref<2x10000x128xf32, #tpu.memory_space<hbm>> -> memref<1x640x128xf32, #tpu.memory_space<hbm>>
        %dma_wait3A_132 = tpu.memref_squeeze %dma_wait3A_131 : memref<1x640x128xf32, #tpu.memory_space<hbm>> -> memref<640x128xf32, #tpu.memory_space<hbm>>
        %dma_wait3A_133 = arith.constant 0 : i32
        %dma_wait3A_134 = tpu.memref_slice %arg10[%mul3A_114, %dma_wait3A_133] : memref<10000x128xf32, #tpu.memory_space<vmem_shared>> -> memref<640x128xf32, #tpu.memory_space<vmem_shared>>
        tpu.wait_dma2 semaphore(%run_scoped3A : memref<!tpu.dma_semaphore, #tpu.memory_space<semaphore_mem>>) src(%dma_wait3A_134 : memref<640x128xf32, #tpu.memory_space<vmem_shared>>) dst(%dma_wait3A_132 : memref<640x128xf32, #tpu.memory_space<hbm>>)
        tpu.yield
      }) : () -> ()
    } else {
    }
    return
  }
}

#map = affine_map<(d0, d1) -> (0, 0, 0)>
#map1 = affine_map<(d0, d1) -> (0, 0)>
module attributes {stable_mosaic.version = 14 : i64} {
  func.func @body(%arg0: i32, %arg1: i32, %arg2: memref<32x80x125xi32, #tpu.memory_space<hbm>>, %arg3: memref<125x128xf32, #tpu.memory_space<hbm>>, %arg4: memref<640x128xf32, #tpu.memory_space<hbm>>, %arg5: memref<2x10000x128xf32, #tpu.memory_space<hbm>>, %arg6: memref<2x8x125xi32, #tpu.memory_space<vmem>>, %arg7: memref<125x128xf32, #tpu.memory_space<vmem>>, %arg8: memref<10000x128xf32, #tpu.memory_space<vmem_shared>>, %arg9: memref<2x!tpu.dma_semaphore, #tpu.memory_space<semaphore_mem>>, %arg10: memref<!tpu.dma_semaphore, #tpu.memory_space<semaphore_mem>>) attributes {dimension_semantics = [#tpu.dimension_semantics<core_parallel>, #tpu.dimension_semantics<subcore_parallel>], iteration_bounds = array<i64: 2, 16>, scalar_prefetch = 0 : i64, scratch_operands = 5 : i64, tpu.core_type = #tpu.core_type<sc_vector_subcore>, window_params = [{transform_indices = #map}, {transform_indices = #map1}, {transform_indices = #map1}, {transform_indices = #map}]} {
    %mul3A = arith.constant 16 : i32
    %mul3A_0 = arith.muli %arg0, %mul3A : i32
    %add3A = arith.addi %mul3A_0, %arg1 : i32
    "tpu.region"() ({
      %run_scoped3A = tpu.sem_alloc : memref<!tpu.dma_semaphore, #tpu.memory_space<semaphore_mem>>
      tpu.enqueue_dma source(%arg3 : memref<125x128xf32, #tpu.memory_space<hbm>>) target(%arg7 : memref<125x128xf32, #tpu.memory_space<vmem>>) target_semaphore(%run_scoped3A : memref<!tpu.dma_semaphore, #tpu.memory_space<semaphore_mem>>)
      tpu.wait_dma2 semaphore(%run_scoped3A : memref<!tpu.dma_semaphore, #tpu.memory_space<semaphore_mem>>) src(%arg3 : memref<125x128xf32, #tpu.memory_space<hbm>>) dst(%arg7 : memref<125x128xf32, #tpu.memory_space<vmem>>)
      tpu.yield
    }) : () -> ()
    %mul3A_1 = arith.constant 624 : i32
    %mul3A_2 = arith.muli %arg1, %mul3A_1 : i32
    %lt3A = arith.constant 15 : i32
    %lt3A_3 = arith.cmpi slt, %arg1, %lt3A : i32
    %convert_element_type3A = arith.extui %lt3A_3 : i1 to i32
    %cond3A = arith.constant 0 : i32
    %cond3A_4 = arith.cmpi ne, %convert_element_type3A, %cond3A : i32
    scf.if %cond3A_4 {
      "tpu.region"() ({
        %run_scoped3A = tpu.sem_alloc : memref<!tpu.dma_semaphore, #tpu.memory_space<semaphore_mem>>
        %dma_start3A_70 = arith.constant 0 : i32
        %dma_start3A_71 = tpu.memref_slice %arg8[%mul3A_2, %dma_start3A_70] : memref<10000x128xf32, #tpu.memory_space<vmem_shared>> -> memref<624x128xf32, #tpu.memory_space<vmem_shared>>
        %dma_start3A_72 = arith.constant 0 : i32
        %dma_start3A_73 = arith.constant 0 : i32
        %dma_start3A_74 = tpu.memref_slice %arg4[%dma_start3A_72, %dma_start3A_73] : memref<640x128xf32, #tpu.memory_space<hbm>> -> memref<624x128xf32, #tpu.memory_space<hbm>>
        tpu.enqueue_dma source(%dma_start3A_74 : memref<624x128xf32, #tpu.memory_space<hbm>>) target(%dma_start3A_71 : memref<624x128xf32, #tpu.memory_space<vmem_shared>>) target_semaphore(%run_scoped3A : memref<!tpu.dma_semaphore, #tpu.memory_space<semaphore_mem>>)
        %dma_wait3A_75 = arith.constant 0 : i32
        %dma_wait3A_76 = tpu.memref_slice %arg8[%mul3A_2, %dma_wait3A_75] : memref<10000x128xf32, #tpu.memory_space<vmem_shared>> -> memref<624x128xf32, #tpu.memory_space<vmem_shared>>
        %dma_wait3A_77 = arith.constant 0 : i32
        %dma_wait3A_78 = arith.constant 0 : i32
        %dma_wait3A_79 = tpu.memref_slice %arg4[%dma_wait3A_77, %dma_wait3A_78] : memref<640x128xf32, #tpu.memory_space<hbm>> -> memref<624x128xf32, #tpu.memory_space<hbm>>
        tpu.wait_dma2 semaphore(%run_scoped3A : memref<!tpu.dma_semaphore, #tpu.memory_space<semaphore_mem>>) src(%dma_wait3A_79 : memref<624x128xf32, #tpu.memory_space<hbm>>) dst(%dma_wait3A_76 : memref<624x128xf32, #tpu.memory_space<vmem_shared>>)
        tpu.yield
      }) : () -> ()
    } else {
    }
    %eq3A = arith.constant 15 : i32
    %eq3A_5 = arith.cmpi eq, %arg1, %eq3A : i32
    %convert_element_type3A_6 = arith.extui %eq3A_5 : i1 to i32
    %cond3A_7 = arith.constant 0 : i32
    %cond3A_8 = arith.cmpi ne, %convert_element_type3A_6, %cond3A_7 : i32
    scf.if %cond3A_8 {
      "tpu.region"() ({
        %run_scoped3A = tpu.sem_alloc : memref<!tpu.dma_semaphore, #tpu.memory_space<semaphore_mem>>
        %dma_start3A_70 = arith.constant 0 : i32
        %dma_start3A_71 = tpu.memref_slice %arg8[%mul3A_2, %dma_start3A_70] : memref<10000x128xf32, #tpu.memory_space<vmem_shared>> -> memref<640x128xf32, #tpu.memory_space<vmem_shared>>
        tpu.enqueue_dma source(%arg4 : memref<640x128xf32, #tpu.memory_space<hbm>>) target(%dma_start3A_71 : memref<640x128xf32, #tpu.memory_space<vmem_shared>>) target_semaphore(%run_scoped3A : memref<!tpu.dma_semaphore, #tpu.memory_space<semaphore_mem>>)
        %dma_wait3A_72 = arith.constant 0 : i32
        %dma_wait3A_73 = tpu.memref_slice %arg8[%mul3A_2, %dma_wait3A_72] : memref<10000x128xf32, #tpu.memory_space<vmem_shared>> -> memref<640x128xf32, #tpu.memory_space<vmem_shared>>
        tpu.wait_dma2 semaphore(%run_scoped3A : memref<!tpu.dma_semaphore, #tpu.memory_space<semaphore_mem>>) src(%arg4 : memref<640x128xf32, #tpu.memory_space<hbm>>) dst(%dma_wait3A_73 : memref<640x128xf32, #tpu.memory_space<vmem_shared>>)
        tpu.yield
      }) : () -> ()
    } else {
    }
    %barrier3A = arith.constant 0 : index
    tpu.barrier barrier_id(%barrier3A)
    %dma_start3A = arith.constant 0 : i32
    %dma_start3A_9 = arith.constant 0 : i32
    %dma_start3A_10 = arith.constant 0 : i32
    %dma_start3A_11 = tpu.memref_slice %arg6[%dma_start3A, %dma_start3A_9, %dma_start3A_10] : memref<2x8x125xi32, #tpu.memory_space<vmem>> -> memref<1x8x125xi32, #tpu.memory_space<vmem>>
    %dma_start3A_12 = tpu.memref_squeeze %dma_start3A_11 : memref<1x8x125xi32, #tpu.memory_space<vmem>> -> memref<8x125xi32, #tpu.memory_space<vmem>>
    %dma_start3A_13 = arith.constant 0 : i32
    %dma_start3A_14 = arith.constant 0 : i32
    %dma_start3A_15 = tpu.memref_slice %arg2[%add3A, %dma_start3A_13, %dma_start3A_14] : memref<32x80x125xi32, #tpu.memory_space<hbm>> -> memref<1x8x125xi32, #tpu.memory_space<hbm>>
    %dma_start3A_16 = tpu.memref_squeeze %dma_start3A_15 : memref<1x8x125xi32, #tpu.memory_space<hbm>> -> memref<8x125xi32, #tpu.memory_space<hbm>>
    %dma_start3A_17 = arith.constant 0 : i32
    %dma_start3A_18 = arith.constant 0 : i32
    %dma_start3A_19 = tpu.memref_slice %arg6[%dma_start3A, %dma_start3A_17, %dma_start3A_18] : memref<2x8x125xi32, #tpu.memory_space<vmem>> -> memref<1x8x125xi32, #tpu.memory_space<vmem>>
    %dma_start3A_20 = tpu.memref_squeeze %dma_start3A_19 : memref<1x8x125xi32, #tpu.memory_space<vmem>> -> memref<8x125xi32, #tpu.memory_space<vmem>>
    %dma_start3A_21 = arith.constant 0 : i32
    %dma_start3A_22 = arith.constant 0 : i32
    %dma_start3A_23 = tpu.memref_slice %arg2[%add3A, %dma_start3A_21, %dma_start3A_22] : memref<32x80x125xi32, #tpu.memory_space<hbm>> -> memref<1x8x125xi32, #tpu.memory_space<hbm>>
    %dma_start3A_24 = tpu.memref_squeeze %dma_start3A_23 : memref<1x8x125xi32, #tpu.memory_space<hbm>> -> memref<8x125xi32, #tpu.memory_space<hbm>>
    tpu.enqueue_dma source(%dma_start3A_24 : memref<8x125xi32, #tpu.memory_space<hbm>>) target(%dma_start3A_20 : memref<8x125xi32, #tpu.memory_space<vmem>>) target_semaphore(%arg10 : memref<!tpu.dma_semaphore, #tpu.memory_space<semaphore_mem>>)
    %dma_wait3A = arith.constant 0 : i32
    %dma_wait3A_25 = arith.constant 0 : i32
    %dma_wait3A_26 = arith.constant 0 : i32
    %dma_wait3A_27 = tpu.memref_slice %arg6[%dma_wait3A, %dma_wait3A_25, %dma_wait3A_26] : memref<2x8x125xi32, #tpu.memory_space<vmem>> -> memref<1x8x125xi32, #tpu.memory_space<vmem>>
    %dma_wait3A_28 = tpu.memref_squeeze %dma_wait3A_27 : memref<1x8x125xi32, #tpu.memory_space<vmem>> -> memref<8x125xi32, #tpu.memory_space<vmem>>
    %dma_wait3A_29 = arith.constant 0 : i32
    %dma_wait3A_30 = arith.constant 0 : i32
    %dma_wait3A_31 = tpu.memref_slice %arg2[%add3A, %dma_wait3A_29, %dma_wait3A_30] : memref<32x80x125xi32, #tpu.memory_space<hbm>> -> memref<1x8x125xi32, #tpu.memory_space<hbm>>
    %dma_wait3A_32 = tpu.memref_squeeze %dma_wait3A_31 : memref<1x8x125xi32, #tpu.memory_space<hbm>> -> memref<8x125xi32, #tpu.memory_space<hbm>>
    %dma_wait3A_33 = arith.constant 0 : i32
    %dma_wait3A_34 = arith.constant 0 : i32
    %dma_wait3A_35 = tpu.memref_slice %arg6[%dma_wait3A, %dma_wait3A_33, %dma_wait3A_34] : memref<2x8x125xi32, #tpu.memory_space<vmem>> -> memref<1x8x125xi32, #tpu.memory_space<vmem>>
    %dma_wait3A_36 = tpu.memref_squeeze %dma_wait3A_35 : memref<1x8x125xi32, #tpu.memory_space<vmem>> -> memref<8x125xi32, #tpu.memory_space<vmem>>
    %dma_wait3A_37 = arith.constant 0 : i32
    %dma_wait3A_38 = arith.constant 0 : i32
    %dma_wait3A_39 = tpu.memref_slice %arg2[%add3A, %dma_wait3A_37, %dma_wait3A_38] : memref<32x80x125xi32, #tpu.memory_space<hbm>> -> memref<1x8x125xi32, #tpu.memory_space<hbm>>
    %dma_wait3A_40 = tpu.memref_squeeze %dma_wait3A_39 : memref<1x8x125xi32, #tpu.memory_space<hbm>> -> memref<8x125xi32, #tpu.memory_space<hbm>>
    tpu.wait_dma2 semaphore(%arg10 : memref<!tpu.dma_semaphore, #tpu.memory_space<semaphore_mem>>) src(%dma_wait3A_40 : memref<8x125xi32, #tpu.memory_space<hbm>>) dst(%dma_wait3A_36 : memref<8x125xi32, #tpu.memory_space<vmem>>)
    %scan3A = arith.constant 0 : i32
    %scan3A_41 = arith.constant 0 : i32
    %scan3A_42 = arith.constant 80 : i32
    %scan3A_43 = arith.addi %scan3A_41, %scan3A_42 : i32
    %scan3A_44 = arith.constant 1 : i32
    scf.for %scan3A_70 = %scan3A_41 to %scan3A_43 step %scan3A_44  : i32 {
      %rem3A = arith.constant 2 : i32
      %rem3A_71 = arith.remsi %scan3A_70, %rem3A : i32
      %jit3A = arith.constant 8 : i32
      %div3A = arith.divsi %scan3A_70, %jit3A : i32
      %sign3A = arith.constant 0 : i32
      %sign3A_72 = arith.cmpi sgt, %scan3A_70, %sign3A : i32
      %sign3A_73 = arith.extui %sign3A_72 : i1 to i32
      %sign3A_74 = arith.constant 0 : i32
      %sign3A_75 = arith.cmpi slt, %scan3A_70, %sign3A_74 : i32
      %sign3A_76 = arith.extui %sign3A_75 : i1 to i32
      %sign3A_77 = arith.subi %sign3A_73, %sign3A_76 : i32
      %sign3A_78 = arith.constant 0 : i32
      %sign3A_79 = arith.cmpi sgt, %jit3A, %sign3A_78 : i32
      %sign3A_80 = arith.extui %sign3A_79 : i1 to i32
      %sign3A_81 = arith.constant 0 : i32
      %sign3A_82 = arith.cmpi slt, %jit3A, %sign3A_81 : i32
      %sign3A_83 = arith.extui %sign3A_82 : i1 to i32
      %sign3A_84 = arith.subi %sign3A_80, %sign3A_83 : i32
      %ne3A = arith.cmpi ne, %sign3A_77, %sign3A_84 : i32
      %rem3A_85 = arith.remsi %scan3A_70, %jit3A : i32
      %ne3A_86 = arith.constant 0 : i32
      %ne3A_87 = arith.cmpi ne, %rem3A_85, %ne3A_86 : i32
      %and3A = arith.andi %ne3A, %ne3A_87 : i1
      %sub3A = arith.constant 1 : i32
      %sub3A_88 = arith.subi %div3A, %sub3A : i32
      %select_n3A = arith.select %and3A, %sub3A_88, %div3A : i32
      %rem3A_89 = arith.constant 8 : i32
      %rem3A_90 = arith.remsi %scan3A_70, %rem3A_89 : i32
      %ge3A = arith.constant 1 : i32
      %ge3A_91 = arith.cmpi sge, %scan3A_70, %ge3A : i32
      %convert_element_type3A_92 = arith.extui %ge3A_91 : i1 to i32
      %cond3A_93 = arith.constant 0 : i32
      %cond3A_94 = arith.cmpi ne, %convert_element_type3A_92, %cond3A_93 : i32
      scf.if %cond3A_94 {
        %sub3A_175 = arith.constant 1 : i32
        %sub3A_176 = arith.subi %scan3A_70, %sub3A_175 : i32
        %sub3A_177 = arith.constant 1 : i32
        %sub3A_178 = arith.subi %sub3A_177, %rem3A_71 : i32
        %jit3A_179 = arith.constant 8 : i32
        %div3A_180 = arith.divsi %sub3A_176, %jit3A_179 : i32
        %sign3A_181 = arith.constant 0 : i32
        %sign3A_182 = arith.cmpi sgt, %sub3A_176, %sign3A_181 : i32
        %sign3A_183 = arith.extui %sign3A_182 : i1 to i32
        %sign3A_184 = arith.constant 0 : i32
        %sign3A_185 = arith.cmpi slt, %sub3A_176, %sign3A_184 : i32
        %sign3A_186 = arith.extui %sign3A_185 : i1 to i32
        %sign3A_187 = arith.subi %sign3A_183, %sign3A_186 : i32
        %sign3A_188 = arith.constant 0 : i32
        %sign3A_189 = arith.cmpi sgt, %jit3A_179, %sign3A_188 : i32
        %sign3A_190 = arith.extui %sign3A_189 : i1 to i32
        %sign3A_191 = arith.constant 0 : i32
        %sign3A_192 = arith.cmpi slt, %jit3A_179, %sign3A_191 : i32
        %sign3A_193 = arith.extui %sign3A_192 : i1 to i32
        %sign3A_194 = arith.subi %sign3A_190, %sign3A_193 : i32
        %ne3A_195 = arith.cmpi ne, %sign3A_187, %sign3A_194 : i32
        %rem3A_196 = arith.remsi %sub3A_176, %jit3A_179 : i32
        %ne3A_197 = arith.constant 0 : i32
        %ne3A_198 = arith.cmpi ne, %rem3A_196, %ne3A_197 : i32
        %and3A_199 = arith.andi %ne3A_195, %ne3A_198 : i1
        %sub3A_200 = arith.constant 1 : i32
        %sub3A_201 = arith.subi %div3A_180, %sub3A_200 : i32
        %select_n3A_202 = arith.select %and3A_199, %sub3A_201, %div3A_180 : i32
        %jit3A_203 = arith.constant 2 : i32
        %eq3A_204 = arith.constant 0 : i32
        %eq3A_205 = arith.cmpi eq, %jit3A_203, %eq3A_204 : i32
        %jit3A_206 = arith.constant 1 : i32
        %select_n3A_207 = arith.select %eq3A_205, %jit3A_206, %jit3A_203 : i32
        %rem3A_208 = arith.remsi %select_n3A_202, %select_n3A_207 : i32
        %ne3A_209 = arith.constant 0 : i32
        %ne3A_210 = arith.cmpi ne, %rem3A_208, %ne3A_209 : i32
        %lt3A_211 = arith.constant 0 : i32
        %lt3A_212 = arith.cmpi slt, %rem3A_208, %lt3A_211 : i32
        %lt3A_213 = arith.constant 0 : i32
        %lt3A_214 = arith.cmpi slt, %select_n3A_207, %lt3A_213 : i32
        %ne3A_215 = arith.xori %lt3A_212, %lt3A_214 : i1
        %and3A_216 = arith.andi %ne3A_215, %ne3A_210 : i1
        %add3A_217 = arith.addi %rem3A_208, %select_n3A_207 : i32
        %select_n3A_218 = arith.select %and3A_216, %add3A_217, %rem3A_208 : i32
        %jit3A_219 = arith.constant 8 : i32
        %eq3A_220 = arith.constant 0 : i32
        %eq3A_221 = arith.cmpi eq, %jit3A_219, %eq3A_220 : i32
        %jit3A_222 = arith.constant 1 : i32
        %select_n3A_223 = arith.select %eq3A_221, %jit3A_222, %jit3A_219 : i32
        %rem3A_224 = arith.remsi %sub3A_176, %select_n3A_223 : i32
        %ne3A_225 = arith.constant 0 : i32
        %ne3A_226 = arith.cmpi ne, %rem3A_224, %ne3A_225 : i32
        %lt3A_227 = arith.constant 0 : i32
        %lt3A_228 = arith.cmpi slt, %rem3A_224, %lt3A_227 : i32
        %lt3A_229 = arith.constant 0 : i32
        %lt3A_230 = arith.cmpi slt, %select_n3A_223, %lt3A_229 : i32
        %ne3A_231 = arith.xori %lt3A_228, %lt3A_230 : i1
        %and3A_232 = arith.andi %ne3A_231, %ne3A_226 : i1
        %add3A_233 = arith.addi %rem3A_224, %select_n3A_223 : i32
        %select_n3A_234 = arith.select %and3A_232, %add3A_233, %rem3A_224 : i32
        %dma_wait3A_235 = arith.constant 0 : i32
        %dma_wait3A_236 = tpu.memref_slice %arg6[%select_n3A_218, %select_n3A_234, %dma_wait3A_235] : memref<2x8x125xi32, #tpu.memory_space<vmem>> -> memref<1x1x125xi32, #tpu.memory_space<vmem>>
        %dma_wait3A_237 = tpu.memref_squeeze %dma_wait3A_236 : memref<1x1x125xi32, #tpu.memory_space<vmem>> -> memref<125xi32, #tpu.memory_space<vmem>>
        %dma_wait3A_238 = arith.constant 0 : i32
        %dma_wait3A_239 = arith.constant 0 : i32
        %dma_wait3A_240 = tpu.memref_slice %arg8[%dma_wait3A_238, %dma_wait3A_239] : memref<10000x128xf32, #tpu.memory_space<vmem_shared>> -> memref<10000x128xf32, #tpu.memory_space<vmem_shared>>
        %dma_wait3A_241 = tpu.memref_slice %arg9[%sub3A_178] : memref<2x!tpu.dma_semaphore, #tpu.memory_space<semaphore_mem>> -> memref<1x!tpu.dma_semaphore, #tpu.memory_space<semaphore_mem>>
        %dma_wait3A_242 = tpu.memref_squeeze %dma_wait3A_241 : memref<1x!tpu.dma_semaphore, #tpu.memory_space<semaphore_mem>> -> memref<!tpu.dma_semaphore, #tpu.memory_space<semaphore_mem>>
        tpu.wait_indirect_dma semaphore(%dma_wait3A_242 : memref<!tpu.dma_semaphore, #tpu.memory_space<semaphore_mem>>) src(%arg7 : memref<125x128xf32, #tpu.memory_space<vmem>>) dst(%dma_wait3A_240 : memref<10000x128xf32, #tpu.memory_space<vmem_shared>>)
      } else {
      }
      %eq3A_95 = arith.constant 0 : i32
      %eq3A_96 = arith.cmpi eq, %rem3A_90, %eq3A_95 : i32
      %lt3A_97 = arith.constant 9 : i32
      %lt3A_98 = arith.cmpi slt, %select_n3A, %lt3A_97 : i32
      %and3A_99 = arith.andi %eq3A_96, %lt3A_98 : i1
      %convert_element_type3A_100 = arith.extui %and3A_99 : i1 to i32
      %cond3A_101 = arith.constant 0 : i32
      %cond3A_102 = arith.cmpi ne, %convert_element_type3A_100, %cond3A_101 : i32
      scf.if %cond3A_102 {
        %add3A_175 = arith.constant 1 : i32
        %add3A_176 = arith.addi %select_n3A, %add3A_175 : i32
        %mul3A_177 = arith.constant 8 : i32
        %mul3A_178 = arith.muli %add3A_176, %mul3A_177 : i32
        %jit3A_179 = arith.constant 2 : i32
        %eq3A_180 = arith.constant 0 : i32
        %eq3A_181 = arith.cmpi eq, %jit3A_179, %eq3A_180 : i32
        %jit3A_182 = arith.constant 1 : i32
        %select_n3A_183 = arith.select %eq3A_181, %jit3A_182, %jit3A_179 : i32
        %rem3A_184 = arith.remsi %add3A_176, %select_n3A_183 : i32
        %ne3A_185 = arith.constant 0 : i32
        %ne3A_186 = arith.cmpi ne, %rem3A_184, %ne3A_185 : i32
        %lt3A_187 = arith.constant 0 : i32
        %lt3A_188 = arith.cmpi slt, %rem3A_184, %lt3A_187 : i32
        %lt3A_189 = arith.constant 0 : i32
        %lt3A_190 = arith.cmpi slt, %select_n3A_183, %lt3A_189 : i32
        %ne3A_191 = arith.xori %lt3A_188, %lt3A_190 : i1
        %and3A_192 = arith.andi %ne3A_191, %ne3A_186 : i1
        %add3A_193 = arith.addi %rem3A_184, %select_n3A_183 : i32
        %select_n3A_194 = arith.select %and3A_192, %add3A_193, %rem3A_184 : i32
        %dma_start3A_195 = arith.constant 0 : i32
        %dma_start3A_196 = arith.constant 0 : i32
        %dma_start3A_197 = tpu.memref_slice %arg6[%select_n3A_194, %dma_start3A_195, %dma_start3A_196] : memref<2x8x125xi32, #tpu.memory_space<vmem>> -> memref<1x8x125xi32, #tpu.memory_space<vmem>>
        %dma_start3A_198 = tpu.memref_squeeze %dma_start3A_197 : memref<1x8x125xi32, #tpu.memory_space<vmem>> -> memref<8x125xi32, #tpu.memory_space<vmem>>
        %dma_start3A_199 = arith.constant 0 : i32
        %dma_start3A_200 = tpu.memref_slice %arg2[%add3A, %mul3A_178, %dma_start3A_199] : memref<32x80x125xi32, #tpu.memory_space<hbm>> -> memref<1x8x125xi32, #tpu.memory_space<hbm>>
        %dma_start3A_201 = tpu.memref_squeeze %dma_start3A_200 : memref<1x8x125xi32, #tpu.memory_space<hbm>> -> memref<8x125xi32, #tpu.memory_space<hbm>>
        %dma_start3A_202 = arith.constant 0 : i32
        %dma_start3A_203 = arith.constant 0 : i32
        %dma_start3A_204 = tpu.memref_slice %arg6[%select_n3A_194, %dma_start3A_202, %dma_start3A_203] : memref<2x8x125xi32, #tpu.memory_space<vmem>> -> memref<1x8x125xi32, #tpu.memory_space<vmem>>
        %dma_start3A_205 = tpu.memref_squeeze %dma_start3A_204 : memref<1x8x125xi32, #tpu.memory_space<vmem>> -> memref<8x125xi32, #tpu.memory_space<vmem>>
        %dma_start3A_206 = arith.constant 0 : i32
        %dma_start3A_207 = tpu.memref_slice %arg2[%add3A, %mul3A_178, %dma_start3A_206] : memref<32x80x125xi32, #tpu.memory_space<hbm>> -> memref<1x8x125xi32, #tpu.memory_space<hbm>>
        %dma_start3A_208 = tpu.memref_squeeze %dma_start3A_207 : memref<1x8x125xi32, #tpu.memory_space<hbm>> -> memref<8x125xi32, #tpu.memory_space<hbm>>
        tpu.enqueue_dma source(%dma_start3A_208 : memref<8x125xi32, #tpu.memory_space<hbm>>) target(%dma_start3A_205 : memref<8x125xi32, #tpu.memory_space<vmem>>) target_semaphore(%arg10 : memref<!tpu.dma_semaphore, #tpu.memory_space<semaphore_mem>>)
      } else {
      }
      %eq3A_103 = arith.constant 7 : i32
      %eq3A_104 = arith.cmpi eq, %rem3A_90, %eq3A_103 : i32
      %lt3A_105 = arith.constant 9 : i32
      %lt3A_106 = arith.cmpi slt, %select_n3A, %lt3A_105 : i32
      %and3A_107 = arith.andi %eq3A_104, %lt3A_106 : i1
      %convert_element_type3A_108 = arith.extui %and3A_107 : i1 to i32
      %cond3A_109 = arith.constant 0 : i32
      %cond3A_110 = arith.cmpi ne, %convert_element_type3A_108, %cond3A_109 : i32
      scf.if %cond3A_110 {
        %add3A_175 = arith.constant 1 : i32
        %add3A_176 = arith.addi %select_n3A, %add3A_175 : i32
        %mul3A_177 = arith.constant 8 : i32
        %mul3A_178 = arith.muli %add3A_176, %mul3A_177 : i32
        %jit3A_179 = arith.constant 2 : i32
        %eq3A_180 = arith.constant 0 : i32
        %eq3A_181 = arith.cmpi eq, %jit3A_179, %eq3A_180 : i32
        %jit3A_182 = arith.constant 1 : i32
        %select_n3A_183 = arith.select %eq3A_181, %jit3A_182, %jit3A_179 : i32
        %rem3A_184 = arith.remsi %add3A_176, %select_n3A_183 : i32
        %ne3A_185 = arith.constant 0 : i32
        %ne3A_186 = arith.cmpi ne, %rem3A_184, %ne3A_185 : i32
        %lt3A_187 = arith.constant 0 : i32
        %lt3A_188 = arith.cmpi slt, %rem3A_184, %lt3A_187 : i32
        %lt3A_189 = arith.constant 0 : i32
        %lt3A_190 = arith.cmpi slt, %select_n3A_183, %lt3A_189 : i32
        %ne3A_191 = arith.xori %lt3A_188, %lt3A_190 : i1
        %and3A_192 = arith.andi %ne3A_191, %ne3A_186 : i1
        %add3A_193 = arith.addi %rem3A_184, %select_n3A_183 : i32
        %select_n3A_194 = arith.select %and3A_192, %add3A_193, %rem3A_184 : i32
        %dma_wait3A_195 = arith.constant 0 : i32
        %dma_wait3A_196 = arith.constant 0 : i32
        %dma_wait3A_197 = tpu.memref_slice %arg6[%select_n3A_194, %dma_wait3A_195, %dma_wait3A_196] : memref<2x8x125xi32, #tpu.memory_space<vmem>> -> memref<1x8x125xi32, #tpu.memory_space<vmem>>
        %dma_wait3A_198 = tpu.memref_squeeze %dma_wait3A_197 : memref<1x8x125xi32, #tpu.memory_space<vmem>> -> memref<8x125xi32, #tpu.memory_space<vmem>>
        %dma_wait3A_199 = arith.constant 0 : i32
        %dma_wait3A_200 = tpu.memref_slice %arg2[%add3A, %mul3A_178, %dma_wait3A_199] : memref<32x80x125xi32, #tpu.memory_space<hbm>> -> memref<1x8x125xi32, #tpu.memory_space<hbm>>
        %dma_wait3A_201 = tpu.memref_squeeze %dma_wait3A_200 : memref<1x8x125xi32, #tpu.memory_space<hbm>> -> memref<8x125xi32, #tpu.memory_space<hbm>>
        %dma_wait3A_202 = arith.constant 0 : i32
        %dma_wait3A_203 = arith.constant 0 : i32
        %dma_wait3A_204 = tpu.memref_slice %arg6[%select_n3A_194, %dma_wait3A_202, %dma_wait3A_203] : memref<2x8x125xi32, #tpu.memory_space<vmem>> -> memref<1x8x125xi32, #tpu.memory_space<vmem>>
        %dma_wait3A_205 = tpu.memref_squeeze %dma_wait3A_204 : memref<1x8x125xi32, #tpu.memory_space<vmem>> -> memref<8x125xi32, #tpu.memory_space<vmem>>
        %dma_wait3A_206 = arith.constant 0 : i32
        %dma_wait3A_207 = tpu.memref_slice %arg2[%add3A, %mul3A_178, %dma_wait3A_206] : memref<32x80x125xi32, #tpu.memory_space<hbm>> -> memref<1x8x125xi32, #tpu.memory_space<hbm>>
        %dma_wait3A_208 = tpu.memref_squeeze %dma_wait3A_207 : memref<1x8x125xi32, #tpu.memory_space<hbm>> -> memref<8x125xi32, #tpu.memory_space<hbm>>
        tpu.wait_dma2 semaphore(%arg10 : memref<!tpu.dma_semaphore, #tpu.memory_space<semaphore_mem>>) src(%dma_wait3A_208 : memref<8x125xi32, #tpu.memory_space<hbm>>) dst(%dma_wait3A_205 : memref<8x125xi32, #tpu.memory_space<vmem>>)
      } else {
      }
      %jit3A_111 = arith.constant 8 : i32
      %div3A_112 = arith.divsi %scan3A_70, %jit3A_111 : i32
      %sign3A_113 = arith.constant 0 : i32
      %sign3A_114 = arith.cmpi sgt, %scan3A_70, %sign3A_113 : i32
      %sign3A_115 = arith.extui %sign3A_114 : i1 to i32
      %sign3A_116 = arith.constant 0 : i32
      %sign3A_117 = arith.cmpi slt, %scan3A_70, %sign3A_116 : i32
      %sign3A_118 = arith.extui %sign3A_117 : i1 to i32
      %sign3A_119 = arith.subi %sign3A_115, %sign3A_118 : i32
      %sign3A_120 = arith.constant 0 : i32
      %sign3A_121 = arith.cmpi sgt, %jit3A_111, %sign3A_120 : i32
      %sign3A_122 = arith.extui %sign3A_121 : i1 to i32
      %sign3A_123 = arith.constant 0 : i32
      %sign3A_124 = arith.cmpi slt, %jit3A_111, %sign3A_123 : i32
      %sign3A_125 = arith.extui %sign3A_124 : i1 to i32
      %sign3A_126 = arith.subi %sign3A_122, %sign3A_125 : i32
      %ne3A_127 = arith.cmpi ne, %sign3A_119, %sign3A_126 : i32
      %rem3A_128 = arith.remsi %scan3A_70, %jit3A_111 : i32
      %ne3A_129 = arith.constant 0 : i32
      %ne3A_130 = arith.cmpi ne, %rem3A_128, %ne3A_129 : i32
      %and3A_131 = arith.andi %ne3A_127, %ne3A_130 : i1
      %sub3A_132 = arith.constant 1 : i32
      %sub3A_133 = arith.subi %div3A_112, %sub3A_132 : i32
      %select_n3A_134 = arith.select %and3A_131, %sub3A_133, %div3A_112 : i32
      %jit3A_135 = arith.constant 2 : i32
      %eq3A_136 = arith.constant 0 : i32
      %eq3A_137 = arith.cmpi eq, %jit3A_135, %eq3A_136 : i32
      %jit3A_138 = arith.constant 1 : i32
      %select_n3A_139 = arith.select %eq3A_137, %jit3A_138, %jit3A_135 : i32
      %rem3A_140 = arith.remsi %select_n3A_134, %select_n3A_139 : i32
      %ne3A_141 = arith.constant 0 : i32
      %ne3A_142 = arith.cmpi ne, %rem3A_140, %ne3A_141 : i32
      %lt3A_143 = arith.constant 0 : i32
      %lt3A_144 = arith.cmpi slt, %rem3A_140, %lt3A_143 : i32
      %lt3A_145 = arith.constant 0 : i32
      %lt3A_146 = arith.cmpi slt, %select_n3A_139, %lt3A_145 : i32
      %ne3A_147 = arith.xori %lt3A_144, %lt3A_146 : i1
      %and3A_148 = arith.andi %ne3A_147, %ne3A_142 : i1
      %add3A_149 = arith.addi %rem3A_140, %select_n3A_139 : i32
      %select_n3A_150 = arith.select %and3A_148, %add3A_149, %rem3A_140 : i32
      %jit3A_151 = arith.constant 8 : i32
      %eq3A_152 = arith.constant 0 : i32
      %eq3A_153 = arith.cmpi eq, %jit3A_151, %eq3A_152 : i32
      %jit3A_154 = arith.constant 1 : i32
      %select_n3A_155 = arith.select %eq3A_153, %jit3A_154, %jit3A_151 : i32
      %rem3A_156 = arith.remsi %scan3A_70, %select_n3A_155 : i32
      %ne3A_157 = arith.constant 0 : i32
      %ne3A_158 = arith.cmpi ne, %rem3A_156, %ne3A_157 : i32
      %lt3A_159 = arith.constant 0 : i32
      %lt3A_160 = arith.cmpi slt, %rem3A_156, %lt3A_159 : i32
      %lt3A_161 = arith.constant 0 : i32
      %lt3A_162 = arith.cmpi slt, %select_n3A_155, %lt3A_161 : i32
      %ne3A_163 = arith.xori %lt3A_160, %lt3A_162 : i1
      %and3A_164 = arith.andi %ne3A_163, %ne3A_158 : i1
      %add3A_165 = arith.addi %rem3A_156, %select_n3A_155 : i32
      %select_n3A_166 = arith.select %and3A_164, %add3A_165, %rem3A_156 : i32
      %dma_start3A_167 = arith.constant 0 : i32
      %dma_start3A_168 = tpu.memref_slice %arg6[%select_n3A_150, %select_n3A_166, %dma_start3A_167] : memref<2x8x125xi32, #tpu.memory_space<vmem>> -> memref<1x1x125xi32, #tpu.memory_space<vmem>>
      %dma_start3A_169 = tpu.memref_squeeze %dma_start3A_168 : memref<1x1x125xi32, #tpu.memory_space<vmem>> -> memref<125xi32, #tpu.memory_space<vmem>>
      %dma_start3A_170 = arith.constant 0 : i32
      %dma_start3A_171 = arith.constant 0 : i32
      %dma_start3A_172 = tpu.memref_slice %arg8[%dma_start3A_170, %dma_start3A_171] : memref<10000x128xf32, #tpu.memory_space<vmem_shared>> -> memref<10000x128xf32, #tpu.memory_space<vmem_shared>>
      %dma_start3A_173 = tpu.memref_slice %arg9[%rem3A_71] : memref<2x!tpu.dma_semaphore, #tpu.memory_space<semaphore_mem>> -> memref<1x!tpu.dma_semaphore, #tpu.memory_space<semaphore_mem>>
      %dma_start3A_174 = tpu.memref_squeeze %dma_start3A_173 : memref<1x!tpu.dma_semaphore, #tpu.memory_space<semaphore_mem>> -> memref<!tpu.dma_semaphore, #tpu.memory_space<semaphore_mem>>
      tpu.enqueue_indirect_dma source(%arg7 : memref<125x128xf32, #tpu.memory_space<vmem>>) target(%dma_start3A_172 : memref<10000x128xf32, #tpu.memory_space<vmem_shared>>) offsets(%dma_start3A_169 : memref<125xi32, #tpu.memory_space<vmem>>) semaphore(%dma_start3A_174 : memref<!tpu.dma_semaphore, #tpu.memory_space<semaphore_mem>>) {add = true}
    }
    %scan3A_45 = arith.constant 80 : i32
    %dma_wait3A_46 = arith.constant 1 : i32
    %dma_wait3A_47 = arith.constant 7 : i32
    %dma_wait3A_48 = arith.constant 1 : i32
    %dma_wait3A_49 = arith.constant 0 : i32
    %dma_wait3A_50 = tpu.memref_slice %arg6[%dma_wait3A_46, %dma_wait3A_47, %dma_wait3A_49] : memref<2x8x125xi32, #tpu.memory_space<vmem>> -> memref<1x1x125xi32, #tpu.memory_space<vmem>>
    %dma_wait3A_51 = tpu.memref_squeeze %dma_wait3A_50 : memref<1x1x125xi32, #tpu.memory_space<vmem>> -> memref<125xi32, #tpu.memory_space<vmem>>
    %dma_wait3A_52 = arith.constant 0 : i32
    %dma_wait3A_53 = arith.constant 0 : i32
    %dma_wait3A_54 = tpu.memref_slice %arg8[%dma_wait3A_52, %dma_wait3A_53] : memref<10000x128xf32, #tpu.memory_space<vmem_shared>> -> memref<10000x128xf32, #tpu.memory_space<vmem_shared>>
    %dma_wait3A_55 = tpu.memref_slice %arg9[%dma_wait3A_48] : memref<2x!tpu.dma_semaphore, #tpu.memory_space<semaphore_mem>> -> memref<1x!tpu.dma_semaphore, #tpu.memory_space<semaphore_mem>>
    %dma_wait3A_56 = tpu.memref_squeeze %dma_wait3A_55 : memref<1x!tpu.dma_semaphore, #tpu.memory_space<semaphore_mem>> -> memref<!tpu.dma_semaphore, #tpu.memory_space<semaphore_mem>>
    tpu.wait_indirect_dma semaphore(%dma_wait3A_56 : memref<!tpu.dma_semaphore, #tpu.memory_space<semaphore_mem>>) src(%arg7 : memref<125x128xf32, #tpu.memory_space<vmem>>) dst(%dma_wait3A_54 : memref<10000x128xf32, #tpu.memory_space<vmem_shared>>)
    %barrier3A_57 = arith.constant 0 : index
    tpu.barrier barrier_id(%barrier3A_57)
    %mul3A_58 = arith.constant 624 : i32
    %mul3A_59 = arith.muli %arg1, %mul3A_58 : i32
    %lt3A_60 = arith.constant 15 : i32
    %lt3A_61 = arith.cmpi slt, %arg1, %lt3A_60 : i32
    %convert_element_type3A_62 = arith.extui %lt3A_61 : i1 to i32
    %cond3A_63 = arith.constant 0 : i32
    %cond3A_64 = arith.cmpi ne, %convert_element_type3A_62, %cond3A_63 : i32
    scf.if %cond3A_64 {
      "tpu.region"() ({
        %run_scoped3A = tpu.sem_alloc : memref<!tpu.dma_semaphore, #tpu.memory_space<semaphore_mem>>
        %dma_start3A_70 = arith.constant 0 : i32
        %dma_start3A_71 = tpu.memref_slice %arg5[%arg0, %mul3A_59, %dma_start3A_70] : memref<2x10000x128xf32, #tpu.memory_space<hbm>> -> memref<1x624x128xf32, #tpu.memory_space<hbm>>
        %dma_start3A_72 = tpu.memref_squeeze %dma_start3A_71 : memref<1x624x128xf32, #tpu.memory_space<hbm>> -> memref<624x128xf32, #tpu.memory_space<hbm>>
        %dma_start3A_73 = arith.constant 0 : i32
        %dma_start3A_74 = tpu.memref_slice %arg8[%mul3A_59, %dma_start3A_73] : memref<10000x128xf32, #tpu.memory_space<vmem_shared>> -> memref<624x128xf32, #tpu.memory_space<vmem_shared>>
        tpu.enqueue_dma source(%dma_start3A_74 : memref<624x128xf32, #tpu.memory_space<vmem_shared>>) target(%dma_start3A_72 : memref<624x128xf32, #tpu.memory_space<hbm>>) target_semaphore(%run_scoped3A : memref<!tpu.dma_semaphore, #tpu.memory_space<semaphore_mem>>)
        %dma_wait3A_75 = arith.constant 0 : i32
        %dma_wait3A_76 = tpu.memref_slice %arg5[%arg0, %mul3A_59, %dma_wait3A_75] : memref<2x10000x128xf32, #tpu.memory_space<hbm>> -> memref<1x624x128xf32, #tpu.memory_space<hbm>>
        %dma_wait3A_77 = tpu.memref_squeeze %dma_wait3A_76 : memref<1x624x128xf32, #tpu.memory_space<hbm>> -> memref<624x128xf32, #tpu.memory_space<hbm>>
        %dma_wait3A_78 = arith.constant 0 : i32
        %dma_wait3A_79 = tpu.memref_slice %arg8[%mul3A_59, %dma_wait3A_78] : memref<10000x128xf32, #tpu.memory_space<vmem_shared>> -> memref<624x128xf32, #tpu.memory_space<vmem_shared>>
        tpu.wait_dma2 semaphore(%run_scoped3A : memref<!tpu.dma_semaphore, #tpu.memory_space<semaphore_mem>>) src(%dma_wait3A_79 : memref<624x128xf32, #tpu.memory_space<vmem_shared>>) dst(%dma_wait3A_77 : memref<624x128xf32, #tpu.memory_space<hbm>>)
        tpu.yield
      }) : () -> ()
    } else {
    }
    %eq3A_65 = arith.constant 15 : i32
    %eq3A_66 = arith.cmpi eq, %arg1, %eq3A_65 : i32
    %convert_element_type3A_67 = arith.extui %eq3A_66 : i1 to i32
    %cond3A_68 = arith.constant 0 : i32
    %cond3A_69 = arith.cmpi ne, %convert_element_type3A_67, %cond3A_68 : i32
    scf.if %cond3A_69 {
      "tpu.region"() ({
        %run_scoped3A = tpu.sem_alloc : memref<!tpu.dma_semaphore, #tpu.memory_space<semaphore_mem>>
        %dma_start3A_70 = arith.constant 0 : i32
        %dma_start3A_71 = tpu.memref_slice %arg5[%arg0, %mul3A_59, %dma_start3A_70] : memref<2x10000x128xf32, #tpu.memory_space<hbm>> -> memref<1x640x128xf32, #tpu.memory_space<hbm>>
        %dma_start3A_72 = tpu.memref_squeeze %dma_start3A_71 : memref<1x640x128xf32, #tpu.memory_space<hbm>> -> memref<640x128xf32, #tpu.memory_space<hbm>>
        %dma_start3A_73 = arith.constant 0 : i32
        %dma_start3A_74 = tpu.memref_slice %arg8[%mul3A_59, %dma_start3A_73] : memref<10000x128xf32, #tpu.memory_space<vmem_shared>> -> memref<640x128xf32, #tpu.memory_space<vmem_shared>>
        tpu.enqueue_dma source(%dma_start3A_74 : memref<640x128xf32, #tpu.memory_space<vmem_shared>>) target(%dma_start3A_72 : memref<640x128xf32, #tpu.memory_space<hbm>>) target_semaphore(%run_scoped3A : memref<!tpu.dma_semaphore, #tpu.memory_space<semaphore_mem>>)
        %dma_wait3A_75 = arith.constant 0 : i32
        %dma_wait3A_76 = tpu.memref_slice %arg5[%arg0, %mul3A_59, %dma_wait3A_75] : memref<2x10000x128xf32, #tpu.memory_space<hbm>> -> memref<1x640x128xf32, #tpu.memory_space<hbm>>
        %dma_wait3A_77 = tpu.memref_squeeze %dma_wait3A_76 : memref<1x640x128xf32, #tpu.memory_space<hbm>> -> memref<640x128xf32, #tpu.memory_space<hbm>>
        %dma_wait3A_78 = arith.constant 0 : i32
        %dma_wait3A_79 = tpu.memref_slice %arg8[%mul3A_59, %dma_wait3A_78] : memref<10000x128xf32, #tpu.memory_space<vmem_shared>> -> memref<640x128xf32, #tpu.memory_space<vmem_shared>>
        tpu.wait_dma2 semaphore(%run_scoped3A : memref<!tpu.dma_semaphore, #tpu.memory_space<semaphore_mem>>) src(%dma_wait3A_79 : memref<640x128xf32, #tpu.memory_space<vmem_shared>>) dst(%dma_wait3A_77 : memref<640x128xf32, #tpu.memory_space<hbm>>)
        tpu.yield
      }) : () -> ()
    } else {
    }
    return
  }
}

#map = affine_map<(d0, d1) -> (0, 0)>
#map1 = affine_map<(d0, d1) -> (0, 0, 0)>
module attributes {stable_mosaic.version = 14 : i64} {
  func.func @body(%arg0: i32, %arg1: i32, %arg2: memref<10000x128xf32, #tpu.memory_space<hbm>>, %arg3: memref<32x80x125xi32, #tpu.memory_space<hbm>>, %arg4: memref<32x80x125xi32, #tpu.memory_space<hbm>>, %arg5: memref<640x128xf32, #tpu.memory_space<hbm>>, %arg6: memref<2x10000x128xf32, #tpu.memory_space<hbm>>, %arg7: memref<2x8x125xi32, #tpu.memory_space<vmem>>, %arg8: memref<2x8x125xi32, #tpu.memory_space<vmem>>, %arg9: memref<2x125x128xf32, #tpu.memory_space<vmem>>, %arg10: memref<10000x128xf32, #tpu.memory_space<vmem_shared>>, %arg11: memref<2x!tpu.dma_semaphore, #tpu.memory_space<semaphore_mem>>, %arg12: memref<2x!tpu.dma_semaphore, #tpu.memory_space<semaphore_mem>>, %arg13: memref<!tpu.dma_semaphore, #tpu.memory_space<semaphore_mem>>) attributes {dimension_semantics = [#tpu.dimension_semantics<core_parallel>, #tpu.dimension_semantics<subcore_parallel>], iteration_bounds = array<i64: 2, 16>, scalar_prefetch = 0 : i64, scratch_operands = 7 : i64, tpu.core_type = #tpu.core_type<sc_vector_subcore>, window_params = [{transform_indices = #map}, {transform_indices = #map1}, {transform_indices = #map1}, {transform_indices = #map}, {transform_indices = #map1}]} {
    %mul3A = arith.constant 16 : i32
    %mul3A_0 = arith.muli %arg0, %mul3A : i32
    %add3A = arith.addi %mul3A_0, %arg1 : i32
    %mul3A_1 = arith.constant 624 : i32
    %mul3A_2 = arith.muli %arg1, %mul3A_1 : i32
    %lt3A = arith.constant 15 : i32
    %lt3A_3 = arith.cmpi slt, %arg1, %lt3A : i32
    %convert_element_type3A = arith.extui %lt3A_3 : i1 to i32
    %cond3A = arith.constant 0 : i32
    %cond3A_4 = arith.cmpi ne, %convert_element_type3A, %cond3A : i32
    scf.if %cond3A_4 {
      "tpu.region"() ({
        %run_scoped3A = tpu.sem_alloc : memref<!tpu.dma_semaphore, #tpu.memory_space<semaphore_mem>>
        %dma_start3A_125 = arith.constant 0 : i32
        %dma_start3A_126 = tpu.memref_slice %arg10[%mul3A_2, %dma_start3A_125] : memref<10000x128xf32, #tpu.memory_space<vmem_shared>> -> memref<624x128xf32, #tpu.memory_space<vmem_shared>>
        %dma_start3A_127 = arith.constant 0 : i32
        %dma_start3A_128 = arith.constant 0 : i32
        %dma_start3A_129 = tpu.memref_slice %arg5[%dma_start3A_127, %dma_start3A_128] : memref<640x128xf32, #tpu.memory_space<hbm>> -> memref<624x128xf32, #tpu.memory_space<hbm>>
        tpu.enqueue_dma source(%dma_start3A_129 : memref<624x128xf32, #tpu.memory_space<hbm>>) target(%dma_start3A_126 : memref<624x128xf32, #tpu.memory_space<vmem_shared>>) target_semaphore(%run_scoped3A : memref<!tpu.dma_semaphore, #tpu.memory_space<semaphore_mem>>)
        %dma_wait3A_130 = arith.constant 0 : i32
        %dma_wait3A_131 = tpu.memref_slice %arg10[%mul3A_2, %dma_wait3A_130] : memref<10000x128xf32, #tpu.memory_space<vmem_shared>> -> memref<624x128xf32, #tpu.memory_space<vmem_shared>>
        %dma_wait3A_132 = arith.constant 0 : i32
        %dma_wait3A_133 = arith.constant 0 : i32
        %dma_wait3A_134 = tpu.memref_slice %arg5[%dma_wait3A_132, %dma_wait3A_133] : memref<640x128xf32, #tpu.memory_space<hbm>> -> memref<624x128xf32, #tpu.memory_space<hbm>>
        tpu.wait_dma2 semaphore(%run_scoped3A : memref<!tpu.dma_semaphore, #tpu.memory_space<semaphore_mem>>) src(%dma_wait3A_134 : memref<624x128xf32, #tpu.memory_space<hbm>>) dst(%dma_wait3A_131 : memref<624x128xf32, #tpu.memory_space<vmem_shared>>)
        tpu.yield
      }) : () -> ()
    } else {
    }
    %eq3A = arith.constant 15 : i32
    %eq3A_5 = arith.cmpi eq, %arg1, %eq3A : i32
    %convert_element_type3A_6 = arith.extui %eq3A_5 : i1 to i32
    %cond3A_7 = arith.constant 0 : i32
    %cond3A_8 = arith.cmpi ne, %convert_element_type3A_6, %cond3A_7 : i32
    scf.if %cond3A_8 {
      "tpu.region"() ({
        %run_scoped3A = tpu.sem_alloc : memref<!tpu.dma_semaphore, #tpu.memory_space<semaphore_mem>>
        %dma_start3A_125 = arith.constant 0 : i32
        %dma_start3A_126 = tpu.memref_slice %arg10[%mul3A_2, %dma_start3A_125] : memref<10000x128xf32, #tpu.memory_space<vmem_shared>> -> memref<640x128xf32, #tpu.memory_space<vmem_shared>>
        tpu.enqueue_dma source(%arg5 : memref<640x128xf32, #tpu.memory_space<hbm>>) target(%dma_start3A_126 : memref<640x128xf32, #tpu.memory_space<vmem_shared>>) target_semaphore(%run_scoped3A : memref<!tpu.dma_semaphore, #tpu.memory_space<semaphore_mem>>)
        %dma_wait3A_127 = arith.constant 0 : i32
        %dma_wait3A_128 = tpu.memref_slice %arg10[%mul3A_2, %dma_wait3A_127] : memref<10000x128xf32, #tpu.memory_space<vmem_shared>> -> memref<640x128xf32, #tpu.memory_space<vmem_shared>>
        tpu.wait_dma2 semaphore(%run_scoped3A : memref<!tpu.dma_semaphore, #tpu.memory_space<semaphore_mem>>) src(%arg5 : memref<640x128xf32, #tpu.memory_space<hbm>>) dst(%dma_wait3A_128 : memref<640x128xf32, #tpu.memory_space<vmem_shared>>)
        tpu.yield
      }) : () -> ()
    } else {
    }
    %barrier3A = arith.constant 0 : index
    tpu.barrier barrier_id(%barrier3A)
    %dma_start3A = arith.constant 0 : i32
    %dma_start3A_9 = arith.constant 0 : i32
    %dma_start3A_10 = arith.constant 0 : i32
    %dma_start3A_11 = tpu.memref_slice %arg7[%dma_start3A, %dma_start3A_9, %dma_start3A_10] : memref<2x8x125xi32, #tpu.memory_space<vmem>> -> memref<1x8x125xi32, #tpu.memory_space<vmem>>
    %dma_start3A_12 = tpu.memref_squeeze %dma_start3A_11 : memref<1x8x125xi32, #tpu.memory_space<vmem>> -> memref<8x125xi32, #tpu.memory_space<vmem>>
    %dma_start3A_13 = arith.constant 0 : i32
    %dma_start3A_14 = arith.constant 0 : i32
    %dma_start3A_15 = tpu.memref_slice %arg3[%add3A, %dma_start3A_13, %dma_start3A_14] : memref<32x80x125xi32, #tpu.memory_space<hbm>> -> memref<1x8x125xi32, #tpu.memory_space<hbm>>
    %dma_start3A_16 = tpu.memref_squeeze %dma_start3A_15 : memref<1x8x125xi32, #tpu.memory_space<hbm>> -> memref<8x125xi32, #tpu.memory_space<hbm>>
    %dma_start3A_17 = arith.constant 0 : i32
    %dma_start3A_18 = arith.constant 0 : i32
    %dma_start3A_19 = tpu.memref_slice %arg7[%dma_start3A, %dma_start3A_17, %dma_start3A_18] : memref<2x8x125xi32, #tpu.memory_space<vmem>> -> memref<1x8x125xi32, #tpu.memory_space<vmem>>
    %dma_start3A_20 = tpu.memref_squeeze %dma_start3A_19 : memref<1x8x125xi32, #tpu.memory_space<vmem>> -> memref<8x125xi32, #tpu.memory_space<vmem>>
    %dma_start3A_21 = arith.constant 0 : i32
    %dma_start3A_22 = arith.constant 0 : i32
    %dma_start3A_23 = tpu.memref_slice %arg3[%add3A, %dma_start3A_21, %dma_start3A_22] : memref<32x80x125xi32, #tpu.memory_space<hbm>> -> memref<1x8x125xi32, #tpu.memory_space<hbm>>
    %dma_start3A_24 = tpu.memref_squeeze %dma_start3A_23 : memref<1x8x125xi32, #tpu.memory_space<hbm>> -> memref<8x125xi32, #tpu.memory_space<hbm>>
    tpu.enqueue_dma source(%dma_start3A_24 : memref<8x125xi32, #tpu.memory_space<hbm>>) target(%dma_start3A_20 : memref<8x125xi32, #tpu.memory_space<vmem>>) target_semaphore(%arg13 : memref<!tpu.dma_semaphore, #tpu.memory_space<semaphore_mem>>)
    %dma_wait3A = arith.constant 0 : i32
    %dma_wait3A_25 = arith.constant 0 : i32
    %dma_wait3A_26 = arith.constant 0 : i32
    %dma_wait3A_27 = tpu.memref_slice %arg7[%dma_wait3A, %dma_wait3A_25, %dma_wait3A_26] : memref<2x8x125xi32, #tpu.memory_space<vmem>> -> memref<1x8x125xi32, #tpu.memory_space<vmem>>
    %dma_wait3A_28 = tpu.memref_squeeze %dma_wait3A_27 : memref<1x8x125xi32, #tpu.memory_space<vmem>> -> memref<8x125xi32, #tpu.memory_space<vmem>>
    %dma_wait3A_29 = arith.constant 0 : i32
    %dma_wait3A_30 = arith.constant 0 : i32
    %dma_wait3A_31 = tpu.memref_slice %arg3[%add3A, %dma_wait3A_29, %dma_wait3A_30] : memref<32x80x125xi32, #tpu.memory_space<hbm>> -> memref<1x8x125xi32, #tpu.memory_space<hbm>>
    %dma_wait3A_32 = tpu.memref_squeeze %dma_wait3A_31 : memref<1x8x125xi32, #tpu.memory_space<hbm>> -> memref<8x125xi32, #tpu.memory_space<hbm>>
    %dma_wait3A_33 = arith.constant 0 : i32
    %dma_wait3A_34 = arith.constant 0 : i32
    %dma_wait3A_35 = tpu.memref_slice %arg7[%dma_wait3A, %dma_wait3A_33, %dma_wait3A_34] : memref<2x8x125xi32, #tpu.memory_space<vmem>> -> memref<1x8x125xi32, #tpu.memory_space<vmem>>
    %dma_wait3A_36 = tpu.memref_squeeze %dma_wait3A_35 : memref<1x8x125xi32, #tpu.memory_space<vmem>> -> memref<8x125xi32, #tpu.memory_space<vmem>>
    %dma_wait3A_37 = arith.constant 0 : i32
    %dma_wait3A_38 = arith.constant 0 : i32
    %dma_wait3A_39 = tpu.memref_slice %arg3[%add3A, %dma_wait3A_37, %dma_wait3A_38] : memref<32x80x125xi32, #tpu.memory_space<hbm>> -> memref<1x8x125xi32, #tpu.memory_space<hbm>>
    %dma_wait3A_40 = tpu.memref_squeeze %dma_wait3A_39 : memref<1x8x125xi32, #tpu.memory_space<hbm>> -> memref<8x125xi32, #tpu.memory_space<hbm>>
    tpu.wait_dma2 semaphore(%arg13 : memref<!tpu.dma_semaphore, #tpu.memory_space<semaphore_mem>>) src(%dma_wait3A_40 : memref<8x125xi32, #tpu.memory_space<hbm>>) dst(%dma_wait3A_36 : memref<8x125xi32, #tpu.memory_space<vmem>>)
    %dma_start3A_41 = arith.constant 0 : i32
    %dma_start3A_42 = arith.constant 0 : i32
    %dma_start3A_43 = arith.constant 0 : i32
    %dma_start3A_44 = tpu.memref_slice %arg8[%dma_start3A_41, %dma_start3A_42, %dma_start3A_43] : memref<2x8x125xi32, #tpu.memory_space<vmem>> -> memref<1x8x125xi32, #tpu.memory_space<vmem>>
    %dma_start3A_45 = tpu.memref_squeeze %dma_start3A_44 : memref<1x8x125xi32, #tpu.memory_space<vmem>> -> memref<8x125xi32, #tpu.memory_space<vmem>>
    %dma_start3A_46 = arith.constant 0 : i32
    %dma_start3A_47 = arith.constant 0 : i32
    %dma_start3A_48 = tpu.memref_slice %arg4[%add3A, %dma_start3A_46, %dma_start3A_47] : memref<32x80x125xi32, #tpu.memory_space<hbm>> -> memref<1x8x125xi32, #tpu.memory_space<hbm>>
    %dma_start3A_49 = tpu.memref_squeeze %dma_start3A_48 : memref<1x8x125xi32, #tpu.memory_space<hbm>> -> memref<8x125xi32, #tpu.memory_space<hbm>>
    %dma_start3A_50 = arith.constant 0 : i32
    %dma_start3A_51 = arith.constant 0 : i32
    %dma_start3A_52 = tpu.memref_slice %arg8[%dma_start3A_41, %dma_start3A_50, %dma_start3A_51] : memref<2x8x125xi32, #tpu.memory_space<vmem>> -> memref<1x8x125xi32, #tpu.memory_space<vmem>>
    %dma_start3A_53 = tpu.memref_squeeze %dma_start3A_52 : memref<1x8x125xi32, #tpu.memory_space<vmem>> -> memref<8x125xi32, #tpu.memory_space<vmem>>
    %dma_start3A_54 = arith.constant 0 : i32
    %dma_start3A_55 = arith.constant 0 : i32
    %dma_start3A_56 = tpu.memref_slice %arg4[%add3A, %dma_start3A_54, %dma_start3A_55] : memref<32x80x125xi32, #tpu.memory_space<hbm>> -> memref<1x8x125xi32, #tpu.memory_space<hbm>>
    %dma_start3A_57 = tpu.memref_squeeze %dma_start3A_56 : memref<1x8x125xi32, #tpu.memory_space<hbm>> -> memref<8x125xi32, #tpu.memory_space<hbm>>
    tpu.enqueue_dma source(%dma_start3A_57 : memref<8x125xi32, #tpu.memory_space<hbm>>) target(%dma_start3A_53 : memref<8x125xi32, #tpu.memory_space<vmem>>) target_semaphore(%arg13 : memref<!tpu.dma_semaphore, #tpu.memory_space<semaphore_mem>>)
    %dma_wait3A_58 = arith.constant 0 : i32
    %dma_wait3A_59 = arith.constant 0 : i32
    %dma_wait3A_60 = arith.constant 0 : i32
    %dma_wait3A_61 = tpu.memref_slice %arg8[%dma_wait3A_58, %dma_wait3A_59, %dma_wait3A_60] : memref<2x8x125xi32, #tpu.memory_space<vmem>> -> memref<1x8x125xi32, #tpu.memory_space<vmem>>
    %dma_wait3A_62 = tpu.memref_squeeze %dma_wait3A_61 : memref<1x8x125xi32, #tpu.memory_space<vmem>> -> memref<8x125xi32, #tpu.memory_space<vmem>>
    %dma_wait3A_63 = arith.constant 0 : i32
    %dma_wait3A_64 = arith.constant 0 : i32
    %dma_wait3A_65 = tpu.memref_slice %arg4[%add3A, %dma_wait3A_63, %dma_wait3A_64] : memref<32x80x125xi32, #tpu.memory_space<hbm>> -> memref<1x8x125xi32, #tpu.memory_space<hbm>>
    %dma_wait3A_66 = tpu.memref_squeeze %dma_wait3A_65 : memref<1x8x125xi32, #tpu.memory_space<hbm>> -> memref<8x125xi32, #tpu.memory_space<hbm>>
    %dma_wait3A_67 = arith.constant 0 : i32
    %dma_wait3A_68 = arith.constant 0 : i32
    %dma_wait3A_69 = tpu.memref_slice %arg8[%dma_wait3A_58, %dma_wait3A_67, %dma_wait3A_68] : memref<2x8x125xi32, #tpu.memory_space<vmem>> -> memref<1x8x125xi32, #tpu.memory_space<vmem>>
    %dma_wait3A_70 = tpu.memref_squeeze %dma_wait3A_69 : memref<1x8x125xi32, #tpu.memory_space<vmem>> -> memref<8x125xi32, #tpu.memory_space<vmem>>
    %dma_wait3A_71 = arith.constant 0 : i32
    %dma_wait3A_72 = arith.constant 0 : i32
    %dma_wait3A_73 = tpu.memref_slice %arg4[%add3A, %dma_wait3A_71, %dma_wait3A_72] : memref<32x80x125xi32, #tpu.memory_space<hbm>> -> memref<1x8x125xi32, #tpu.memory_space<hbm>>
    %dma_wait3A_74 = tpu.memref_squeeze %dma_wait3A_73 : memref<1x8x125xi32, #tpu.memory_space<hbm>> -> memref<8x125xi32, #tpu.memory_space<hbm>>
    tpu.wait_dma2 semaphore(%arg13 : memref<!tpu.dma_semaphore, #tpu.memory_space<semaphore_mem>>) src(%dma_wait3A_74 : memref<8x125xi32, #tpu.memory_space<hbm>>) dst(%dma_wait3A_70 : memref<8x125xi32, #tpu.memory_space<vmem>>)
    %dma_start3A_75 = arith.constant 0 : i32
    %dma_start3A_76 = arith.constant 0 : i32
    %dma_start3A_77 = arith.constant 0 : i32
    %dma_start3A_78 = arith.constant 0 : i32
    %dma_start3A_79 = arith.constant 0 : i32
    %dma_start3A_80 = arith.constant 0 : i32
    %dma_start3A_81 = tpu.memref_slice %arg9[%dma_start3A_77, %dma_start3A_79, %dma_start3A_80] : memref<2x125x128xf32, #tpu.memory_space<vmem>> -> memref<1x125x128xf32, #tpu.memory_space<vmem>>
    %dma_start3A_82 = tpu.memref_squeeze %dma_start3A_81 : memref<1x125x128xf32, #tpu.memory_space<vmem>> -> memref<125x128xf32, #tpu.memory_space<vmem>>
    %dma_start3A_83 = arith.constant 0 : i32
    %dma_start3A_84 = tpu.memref_slice %arg7[%dma_start3A_75, %dma_start3A_76, %dma_start3A_83] : memref<2x8x125xi32, #tpu.memory_space<vmem>> -> memref<1x1x125xi32, #tpu.memory_space<vmem>>
    %dma_start3A_85 = tpu.memref_squeeze %dma_start3A_84 : memref<1x1x125xi32, #tpu.memory_space<vmem>> -> memref<125xi32, #tpu.memory_space<vmem>>
    %dma_start3A_86 = arith.constant 0 : i32
    %dma_start3A_87 = arith.constant 0 : i32
    %dma_start3A_88 = tpu.memref_slice %arg2[%dma_start3A_86, %dma_start3A_87] : memref<10000x128xf32, #tpu.memory_space<hbm>> -> memref<10000x128xf32, #tpu.memory_space<hbm>>
    %dma_start3A_89 = tpu.memref_slice %arg11[%dma_start3A_78] : memref<2x!tpu.dma_semaphore, #tpu.memory_space<semaphore_mem>> -> memref<1x!tpu.dma_semaphore, #tpu.memory_space<semaphore_mem>>
    %dma_start3A_90 = tpu.memref_squeeze %dma_start3A_89 : memref<1x!tpu.dma_semaphore, #tpu.memory_space<semaphore_mem>> -> memref<!tpu.dma_semaphore, #tpu.memory_space<semaphore_mem>>
    tpu.enqueue_indirect_dma source(%dma_start3A_88 : memref<10000x128xf32, #tpu.memory_space<hbm>>) target(%dma_start3A_82 : memref<125x128xf32, #tpu.memory_space<vmem>>) offsets(%dma_start3A_85 : memref<125xi32, #tpu.memory_space<vmem>>) semaphore(%dma_start3A_90 : memref<!tpu.dma_semaphore, #tpu.memory_space<semaphore_mem>>)
    %scan3A = arith.constant 0 : i32
    %scan3A_91 = arith.constant 0 : i32
    %scan3A_92 = arith.constant 80 : i32
    %scan3A_93 = arith.addi %scan3A_91, %scan3A_92 : i32
    %scan3A_94 = arith.constant 1 : i32
    scf.for %scan3A_125 = %scan3A_91 to %scan3A_93 step %scan3A_94  : i32 {
      %rem3A = arith.constant 2 : i32
      %rem3A_126 = arith.remsi %scan3A_125, %rem3A : i32
      %sub3A = arith.constant 1 : i32
      %sub3A_127 = arith.subi %sub3A, %rem3A_126 : i32
      %jit3A = arith.constant 8 : i32
      %div3A = arith.divsi %scan3A_125, %jit3A : i32
      %sign3A = arith.constant 0 : i32
      %sign3A_128 = arith.cmpi sgt, %scan3A_125, %sign3A : i32
      %sign3A_129 = arith.extui %sign3A_128 : i1 to i32
      %sign3A_130 = arith.constant 0 : i32
      %sign3A_131 = arith.cmpi slt, %scan3A_125, %sign3A_130 : i32
      %sign3A_132 = arith.extui %sign3A_131 : i1 to i32
      %sign3A_133 = arith.subi %sign3A_129, %sign3A_132 : i32
      %sign3A_134 = arith.constant 0 : i32
      %sign3A_135 = arith.cmpi sgt, %jit3A, %sign3A_134 : i32
      %sign3A_136 = arith.extui %sign3A_135 : i1 to i32
      %sign3A_137 = arith.constant 0 : i32
      %sign3A_138 = arith.cmpi slt, %jit3A, %sign3A_137 : i32
      %sign3A_139 = arith.extui %sign3A_138 : i1 to i32
      %sign3A_140 = arith.subi %sign3A_136, %sign3A_139 : i32
      %ne3A = arith.cmpi ne, %sign3A_133, %sign3A_140 : i32
      %rem3A_141 = arith.remsi %scan3A_125, %jit3A : i32
      %ne3A_142 = arith.constant 0 : i32
      %ne3A_143 = arith.cmpi ne, %rem3A_141, %ne3A_142 : i32
      %and3A = arith.andi %ne3A, %ne3A_143 : i1
      %sub3A_144 = arith.constant 1 : i32
      %sub3A_145 = arith.subi %div3A, %sub3A_144 : i32
      %select_n3A = arith.select %and3A, %sub3A_145, %div3A : i32
      %rem3A_146 = arith.constant 8 : i32
      %rem3A_147 = arith.remsi %scan3A_125, %rem3A_146 : i32
      %ge3A = arith.constant 1 : i32
      %ge3A_148 = arith.cmpi sge, %scan3A_125, %ge3A : i32
      %convert_element_type3A_149 = arith.extui %ge3A_148 : i1 to i32
      %cond3A_150 = arith.constant 0 : i32
      %cond3A_151 = arith.cmpi ne, %convert_element_type3A_149, %cond3A_150 : i32
      scf.if %cond3A_151 {
        %sub3A_301 = arith.constant 1 : i32
        %sub3A_302 = arith.subi %scan3A_125, %sub3A_301 : i32
        %jit3A_303 = arith.constant 8 : i32
        %div3A_304 = arith.divsi %sub3A_302, %jit3A_303 : i32
        %sign3A_305 = arith.constant 0 : i32
        %sign3A_306 = arith.cmpi sgt, %sub3A_302, %sign3A_305 : i32
        %sign3A_307 = arith.extui %sign3A_306 : i1 to i32
        %sign3A_308 = arith.constant 0 : i32
        %sign3A_309 = arith.cmpi slt, %sub3A_302, %sign3A_308 : i32
        %sign3A_310 = arith.extui %sign3A_309 : i1 to i32
        %sign3A_311 = arith.subi %sign3A_307, %sign3A_310 : i32
        %sign3A_312 = arith.constant 0 : i32
        %sign3A_313 = arith.cmpi sgt, %jit3A_303, %sign3A_312 : i32
        %sign3A_314 = arith.extui %sign3A_313 : i1 to i32
        %sign3A_315 = arith.constant 0 : i32
        %sign3A_316 = arith.cmpi slt, %jit3A_303, %sign3A_315 : i32
        %sign3A_317 = arith.extui %sign3A_316 : i1 to i32
        %sign3A_318 = arith.subi %sign3A_314, %sign3A_317 : i32
        %ne3A_319 = arith.cmpi ne, %sign3A_311, %sign3A_318 : i32
        %rem3A_320 = arith.remsi %sub3A_302, %jit3A_303 : i32
        %ne3A_321 = arith.constant 0 : i32
        %ne3A_322 = arith.cmpi ne, %rem3A_320, %ne3A_321 : i32
        %and3A_323 = arith.andi %ne3A_319, %ne3A_322 : i1
        %sub3A_324 = arith.constant 1 : i32
        %sub3A_325 = arith.subi %div3A_304, %sub3A_324 : i32
        %select_n3A_326 = arith.select %and3A_323, %sub3A_325, %div3A_304 : i32
        %jit3A_327 = arith.constant 2 : i32
        %eq3A_328 = arith.constant 0 : i32
        %eq3A_329 = arith.cmpi eq, %jit3A_327, %eq3A_328 : i32
        %jit3A_330 = arith.constant 1 : i32
        %select_n3A_331 = arith.select %eq3A_329, %jit3A_330, %jit3A_327 : i32
        %rem3A_332 = arith.remsi %select_n3A_326, %select_n3A_331 : i32
        %ne3A_333 = arith.constant 0 : i32
        %ne3A_334 = arith.cmpi ne, %rem3A_332, %ne3A_333 : i32
        %lt3A_335 = arith.constant 0 : i32
        %lt3A_336 = arith.cmpi slt, %rem3A_332, %lt3A_335 : i32
        %lt3A_337 = arith.constant 0 : i32
        %lt3A_338 = arith.cmpi slt, %select_n3A_331, %lt3A_337 : i32
        %ne3A_339 = arith.xori %lt3A_336, %lt3A_338 : i1
        %and3A_340 = arith.andi %ne3A_339, %ne3A_334 : i1
        %add3A_341 = arith.addi %rem3A_332, %select_n3A_331 : i32
        %select_n3A_342 = arith.select %and3A_340, %add3A_341, %rem3A_332 : i32
        %jit3A_343 = arith.constant 8 : i32
        %eq3A_344 = arith.constant 0 : i32
        %eq3A_345 = arith.cmpi eq, %jit3A_343, %eq3A_344 : i32
        %jit3A_346 = arith.constant 1 : i32
        %select_n3A_347 = arith.select %eq3A_345, %jit3A_346, %jit3A_343 : i32
        %rem3A_348 = arith.remsi %sub3A_302, %select_n3A_347 : i32
        %ne3A_349 = arith.constant 0 : i32
        %ne3A_350 = arith.cmpi ne, %rem3A_348, %ne3A_349 : i32
        %lt3A_351 = arith.constant 0 : i32
        %lt3A_352 = arith.cmpi slt, %rem3A_348, %lt3A_351 : i32
        %lt3A_353 = arith.constant 0 : i32
        %lt3A_354 = arith.cmpi slt, %select_n3A_347, %lt3A_353 : i32
        %ne3A_355 = arith.xori %lt3A_352, %lt3A_354 : i1
        %and3A_356 = arith.andi %ne3A_355, %ne3A_350 : i1
        %add3A_357 = arith.addi %rem3A_348, %select_n3A_347 : i32
        %select_n3A_358 = arith.select %and3A_356, %add3A_357, %rem3A_348 : i32
        %dma_wait3A_359 = arith.constant 0 : i32
        %dma_wait3A_360 = arith.constant 0 : i32
        %dma_wait3A_361 = tpu.memref_slice %arg9[%sub3A_127, %dma_wait3A_359, %dma_wait3A_360] : memref<2x125x128xf32, #tpu.memory_space<vmem>> -> memref<1x125x128xf32, #tpu.memory_space<vmem>>
        %dma_wait3A_362 = tpu.memref_squeeze %dma_wait3A_361 : memref<1x125x128xf32, #tpu.memory_space<vmem>> -> memref<125x128xf32, #tpu.memory_space<vmem>>
        %dma_wait3A_363 = arith.constant 0 : i32
        %dma_wait3A_364 = tpu.memref_slice %arg8[%select_n3A_342, %select_n3A_358, %dma_wait3A_363] : memref<2x8x125xi32, #tpu.memory_space<vmem>> -> memref<1x1x125xi32, #tpu.memory_space<vmem>>
        %dma_wait3A_365 = tpu.memref_squeeze %dma_wait3A_364 : memref<1x1x125xi32, #tpu.memory_space<vmem>> -> memref<125xi32, #tpu.memory_space<vmem>>
        %dma_wait3A_366 = arith.constant 0 : i32
        %dma_wait3A_367 = arith.constant 0 : i32
        %dma_wait3A_368 = tpu.memref_slice %arg10[%dma_wait3A_366, %dma_wait3A_367] : memref<10000x128xf32, #tpu.memory_space<vmem_shared>> -> memref<10000x128xf32, #tpu.memory_space<vmem_shared>>
        %dma_wait3A_369 = tpu.memref_slice %arg12[%sub3A_127] : memref<2x!tpu.dma_semaphore, #tpu.memory_space<semaphore_mem>> -> memref<1x!tpu.dma_semaphore, #tpu.memory_space<semaphore_mem>>
        %dma_wait3A_370 = tpu.memref_squeeze %dma_wait3A_369 : memref<1x!tpu.dma_semaphore, #tpu.memory_space<semaphore_mem>> -> memref<!tpu.dma_semaphore, #tpu.memory_space<semaphore_mem>>
        tpu.wait_indirect_dma semaphore(%dma_wait3A_370 : memref<!tpu.dma_semaphore, #tpu.memory_space<semaphore_mem>>) src(%dma_wait3A_362 : memref<125x128xf32, #tpu.memory_space<vmem>>) dst(%dma_wait3A_368 : memref<10000x128xf32, #tpu.memory_space<vmem_shared>>)
      } else {
      }
      %eq3A_152 = arith.constant 0 : i32
      %eq3A_153 = arith.cmpi eq, %rem3A_147, %eq3A_152 : i32
      %lt3A_154 = arith.constant 9 : i32
      %lt3A_155 = arith.cmpi slt, %select_n3A, %lt3A_154 : i32
      %and3A_156 = arith.andi %eq3A_153, %lt3A_155 : i1
      %convert_element_type3A_157 = arith.extui %and3A_156 : i1 to i32
      %cond3A_158 = arith.constant 0 : i32
      %cond3A_159 = arith.cmpi ne, %convert_element_type3A_157, %cond3A_158 : i32
      scf.if %cond3A_159 {
        %add3A_301 = arith.constant 1 : i32
        %add3A_302 = arith.addi %select_n3A, %add3A_301 : i32
        %add3A_303 = arith.constant 1 : i32
        %add3A_304 = arith.addi %select_n3A, %add3A_303 : i32
        %jit3A_305 = arith.constant 2 : i32
        %eq3A_306 = arith.constant 0 : i32
        %eq3A_307 = arith.cmpi eq, %jit3A_305, %eq3A_306 : i32
        %jit3A_308 = arith.constant 1 : i32
        %select_n3A_309 = arith.select %eq3A_307, %jit3A_308, %jit3A_305 : i32
        %rem3A_310 = arith.remsi %add3A_304, %select_n3A_309 : i32
        %ne3A_311 = arith.constant 0 : i32
        %ne3A_312 = arith.cmpi ne, %rem3A_310, %ne3A_311 : i32
        %lt3A_313 = arith.constant 0 : i32
        %lt3A_314 = arith.cmpi slt, %rem3A_310, %lt3A_313 : i32
        %lt3A_315 = arith.constant 0 : i32
        %lt3A_316 = arith.cmpi slt, %select_n3A_309, %lt3A_315 : i32
        %ne3A_317 = arith.xori %lt3A_314, %lt3A_316 : i1
        %and3A_318 = arith.andi %ne3A_317, %ne3A_312 : i1
        %add3A_319 = arith.addi %rem3A_310, %select_n3A_309 : i32
        %select_n3A_320 = arith.select %and3A_318, %add3A_319, %rem3A_310 : i32
        %mul3A_321 = arith.constant 8 : i32
        %mul3A_322 = arith.muli %add3A_302, %mul3A_321 : i32
        %mul3A_323 = arith.constant 8 : i32
        %mul3A_324 = arith.muli %add3A_302, %mul3A_323 : i32
        %dma_start3A_325 = arith.constant 0 : i32
        %dma_start3A_326 = arith.constant 0 : i32
        %dma_start3A_327 = tpu.memref_slice %arg7[%select_n3A_320, %dma_start3A_325, %dma_start3A_326] : memref<2x8x125xi32, #tpu.memory_space<vmem>> -> memref<1x8x125xi32, #tpu.memory_space<vmem>>
        %dma_start3A_328 = tpu.memref_squeeze %dma_start3A_327 : memref<1x8x125xi32, #tpu.memory_space<vmem>> -> memref<8x125xi32, #tpu.memory_space<vmem>>
        %dma_start3A_329 = arith.constant 0 : i32
        %dma_start3A_330 = tpu.memref_slice %arg3[%add3A, %mul3A_322, %dma_start3A_329] : memref<32x80x125xi32, #tpu.memory_space<hbm>> -> memref<1x8x125xi32, #tpu.memory_space<hbm>>
        %dma_start3A_331 = tpu.memref_squeeze %dma_start3A_330 : memref<1x8x125xi32, #tpu.memory_space<hbm>> -> memref<8x125xi32, #tpu.memory_space<hbm>>
        %dma_start3A_332 = arith.constant 0 : i32
        %dma_start3A_333 = arith.constant 0 : i32
        %dma_start3A_334 = tpu.memref_slice %arg7[%select_n3A_320, %dma_start3A_332, %dma_start3A_333] : memref<2x8x125xi32, #tpu.memory_space<vmem>> -> memref<1x8x125xi32, #tpu.memory_space<vmem>>
        %dma_start3A_335 = tpu.memref_squeeze %dma_start3A_334 : memref<1x8x125xi32, #tpu.memory_space<vmem>> -> memref<8x125xi32, #tpu.memory_space<vmem>>
        %dma_start3A_336 = arith.constant 0 : i32
        %dma_start3A_337 = tpu.memref_slice %arg3[%add3A, %mul3A_322, %dma_start3A_336] : memref<32x80x125xi32, #tpu.memory_space<hbm>> -> memref<1x8x125xi32, #tpu.memory_space<hbm>>
        %dma_start3A_338 = tpu.memref_squeeze %dma_start3A_337 : memref<1x8x125xi32, #tpu.memory_space<hbm>> -> memref<8x125xi32, #tpu.memory_space<hbm>>
        tpu.enqueue_dma source(%dma_start3A_338 : memref<8x125xi32, #tpu.memory_space<hbm>>) target(%dma_start3A_335 : memref<8x125xi32, #tpu.memory_space<vmem>>) target_semaphore(%arg13 : memref<!tpu.dma_semaphore, #tpu.memory_space<semaphore_mem>>)
        %dma_start3A_339 = arith.constant 0 : i32
        %dma_start3A_340 = arith.constant 0 : i32
        %dma_start3A_341 = tpu.memref_slice %arg8[%select_n3A_320, %dma_start3A_339, %dma_start3A_340] : memref<2x8x125xi32, #tpu.memory_space<vmem>> -> memref<1x8x125xi32, #tpu.memory_space<vmem>>
        %dma_start3A_342 = tpu.memref_squeeze %dma_start3A_341 : memref<1x8x125xi32, #tpu.memory_space<vmem>> -> memref<8x125xi32, #tpu.memory_space<vmem>>
        %dma_start3A_343 = arith.constant 0 : i32
        %dma_start3A_344 = tpu.memref_slice %arg4[%add3A, %mul3A_324, %dma_start3A_343] : memref<32x80x125xi32, #tpu.memory_space<hbm>> -> memref<1x8x125xi32, #tpu.memory_space<hbm>>
        %dma_start3A_345 = tpu.memref_squeeze %dma_start3A_344 : memref<1x8x125xi32, #tpu.memory_space<hbm>> -> memref<8x125xi32, #tpu.memory_space<hbm>>
        %dma_start3A_346 = arith.constant 0 : i32
        %dma_start3A_347 = arith.constant 0 : i32
        %dma_start3A_348 = tpu.memref_slice %arg8[%select_n3A_320, %dma_start3A_346, %dma_start3A_347] : memref<2x8x125xi32, #tpu.memory_space<vmem>> -> memref<1x8x125xi32, #tpu.memory_space<vmem>>
        %dma_start3A_349 = tpu.memref_squeeze %dma_start3A_348 : memref<1x8x125xi32, #tpu.memory_space<vmem>> -> memref<8x125xi32, #tpu.memory_space<vmem>>
        %dma_start3A_350 = arith.constant 0 : i32
        %dma_start3A_351 = tpu.memref_slice %arg4[%add3A, %mul3A_324, %dma_start3A_350] : memref<32x80x125xi32, #tpu.memory_space<hbm>> -> memref<1x8x125xi32, #tpu.memory_space<hbm>>
        %dma_start3A_352 = tpu.memref_squeeze %dma_start3A_351 : memref<1x8x125xi32, #tpu.memory_space<hbm>> -> memref<8x125xi32, #tpu.memory_space<hbm>>
        tpu.enqueue_dma source(%dma_start3A_352 : memref<8x125xi32, #tpu.memory_space<hbm>>) target(%dma_start3A_349 : memref<8x125xi32, #tpu.memory_space<vmem>>) target_semaphore(%arg13 : memref<!tpu.dma_semaphore, #tpu.memory_space<semaphore_mem>>)
      } else {
      }
      %lt3A_160 = arith.constant 79 : i32
      %lt3A_161 = arith.cmpi slt, %scan3A_125, %lt3A_160 : i32
      %convert_element_type3A_162 = arith.extui %lt3A_161 : i1 to i32
      %cond3A_163 = arith.constant 0 : i32
      %cond3A_164 = arith.cmpi ne, %convert_element_type3A_162, %cond3A_163 : i32
      scf.if %cond3A_164 {
        %eq3A_301 = arith.constant 7 : i32
        %eq3A_302 = arith.cmpi eq, %rem3A_147, %eq3A_301 : i32
        %convert_element_type3A_303 = arith.extui %eq3A_302 : i1 to i32
        %cond3A_304 = arith.constant 0 : i32
        %cond3A_305 = arith.cmpi ne, %convert_element_type3A_303, %cond3A_304 : i32
        scf.if %cond3A_305 {
          %add3A_376 = arith.constant 1 : i32
          %add3A_377 = arith.addi %select_n3A, %add3A_376 : i32
          %add3A_378 = arith.constant 1 : i32
          %add3A_379 = arith.addi %select_n3A, %add3A_378 : i32
          %jit3A_380 = arith.constant 2 : i32
          %eq3A_381 = arith.constant 0 : i32
          %eq3A_382 = arith.cmpi eq, %jit3A_380, %eq3A_381 : i32
          %jit3A_383 = arith.constant 1 : i32
          %select_n3A_384 = arith.select %eq3A_382, %jit3A_383, %jit3A_380 : i32
          %rem3A_385 = arith.remsi %add3A_379, %select_n3A_384 : i32
          %ne3A_386 = arith.constant 0 : i32
          %ne3A_387 = arith.cmpi ne, %rem3A_385, %ne3A_386 : i32
          %lt3A_388 = arith.constant 0 : i32
          %lt3A_389 = arith.cmpi slt, %rem3A_385, %lt3A_388 : i32
          %lt3A_390 = arith.constant 0 : i32
          %lt3A_391 = arith.cmpi slt, %select_n3A_384, %lt3A_390 : i32
          %ne3A_392 = arith.xori %lt3A_389, %lt3A_391 : i1
          %and3A_393 = arith.andi %ne3A_392, %ne3A_387 : i1
          %add3A_394 = arith.addi %rem3A_385, %select_n3A_384 : i32
          %select_n3A_395 = arith.select %and3A_393, %add3A_394, %rem3A_385 : i32
          %mul3A_396 = arith.constant 8 : i32
          %mul3A_397 = arith.muli %add3A_377, %mul3A_396 : i32
          %mul3A_398 = arith.constant 8 : i32
          %mul3A_399 = arith.muli %add3A_377, %mul3A_398 : i32
          %dma_wait3A_400 = arith.constant 0 : i32
          %dma_wait3A_401 = arith.constant 0 : i32
          %dma_wait3A_402 = tpu.memref_slice %arg7[%select_n3A_395, %dma_wait3A_400, %dma_wait3A_401] : memref<2x8x125xi32, #tpu.memory_space<vmem>> -> memref<1x8x125xi32, #tpu.memory_space<vmem>>
          %dma_wait3A_403 = tpu.memref_squeeze %dma_wait3A_402 : memref<1x8x125xi32, #tpu.memory_space<vmem>> -> memref<8x125xi32, #tpu.memory_space<vmem>>
          %dma_wait3A_404 = arith.constant 0 : i32
          %dma_wait3A_405 = tpu.memref_slice %arg3[%add3A, %mul3A_397, %dma_wait3A_404] : memref<32x80x125xi32, #tpu.memory_space<hbm>> -> memref<1x8x125xi32, #tpu.memory_space<hbm>>
          %dma_wait3A_406 = tpu.memref_squeeze %dma_wait3A_405 : memref<1x8x125xi32, #tpu.memory_space<hbm>> -> memref<8x125xi32, #tpu.memory_space<hbm>>
          %dma_wait3A_407 = arith.constant 0 : i32
          %dma_wait3A_408 = arith.constant 0 : i32
          %dma_wait3A_409 = tpu.memref_slice %arg7[%select_n3A_395, %dma_wait3A_407, %dma_wait3A_408] : memref<2x8x125xi32, #tpu.memory_space<vmem>> -> memref<1x8x125xi32, #tpu.memory_space<vmem>>
          %dma_wait3A_410 = tpu.memref_squeeze %dma_wait3A_409 : memref<1x8x125xi32, #tpu.memory_space<vmem>> -> memref<8x125xi32, #tpu.memory_space<vmem>>
          %dma_wait3A_411 = arith.constant 0 : i32
          %dma_wait3A_412 = tpu.memref_slice %arg3[%add3A, %mul3A_397, %dma_wait3A_411] : memref<32x80x125xi32, #tpu.memory_space<hbm>> -> memref<1x8x125xi32, #tpu.memory_space<hbm>>
          %dma_wait3A_413 = tpu.memref_squeeze %dma_wait3A_412 : memref<1x8x125xi32, #tpu.memory_space<hbm>> -> memref<8x125xi32, #tpu.memory_space<hbm>>
          tpu.wait_dma2 semaphore(%arg13 : memref<!tpu.dma_semaphore, #tpu.memory_space<semaphore_mem>>) src(%dma_wait3A_413 : memref<8x125xi32, #tpu.memory_space<hbm>>) dst(%dma_wait3A_410 : memref<8x125xi32, #tpu.memory_space<vmem>>)
          %dma_wait3A_414 = arith.constant 0 : i32
          %dma_wait3A_415 = arith.constant 0 : i32
          %dma_wait3A_416 = tpu.memref_slice %arg8[%select_n3A_395, %dma_wait3A_414, %dma_wait3A_415] : memref<2x8x125xi32, #tpu.memory_space<vmem>> -> memref<1x8x125xi32, #tpu.memory_space<vmem>>
          %dma_wait3A_417 = tpu.memref_squeeze %dma_wait3A_416 : memref<1x8x125xi32, #tpu.memory_space<vmem>> -> memref<8x125xi32, #tpu.memory_space<vmem>>
          %dma_wait3A_418 = arith.constant 0 : i32
          %dma_wait3A_419 = tpu.memref_slice %arg4[%add3A, %mul3A_399, %dma_wait3A_418] : memref<32x80x125xi32, #tpu.memory_space<hbm>> -> memref<1x8x125xi32, #tpu.memory_space<hbm>>
          %dma_wait3A_420 = tpu.memref_squeeze %dma_wait3A_419 : memref<1x8x125xi32, #tpu.memory_space<hbm>> -> memref<8x125xi32, #tpu.memory_space<hbm>>
          %dma_wait3A_421 = arith.constant 0 : i32
          %dma_wait3A_422 = arith.constant 0 : i32
          %dma_wait3A_423 = tpu.memref_slice %arg8[%select_n3A_395, %dma_wait3A_421, %dma_wait3A_422] : memref<2x8x125xi32, #tpu.memory_space<vmem>> -> memref<1x8x125xi32, #tpu.memory_space<vmem>>
          %dma_wait3A_424 = tpu.memref_squeeze %dma_wait3A_423 : memref<1x8x125xi32, #tpu.memory_space<vmem>> -> memref<8x125xi32, #tpu.memory_space<vmem>>
          %dma_wait3A_425 = arith.constant 0 : i32
          %dma_wait3A_426 = tpu.memref_slice %arg4[%add3A, %mul3A_399, %dma_wait3A_425] : memref<32x80x125xi32, #tpu.memory_space<hbm>> -> memref<1x8x125xi32, #tpu.memory_space<hbm>>
          %dma_wait3A_427 = tpu.memref_squeeze %dma_wait3A_426 : memref<1x8x125xi32, #tpu.memory_space<hbm>> -> memref<8x125xi32, #tpu.memory_space<hbm>>
          tpu.wait_dma2 semaphore(%arg13 : memref<!tpu.dma_semaphore, #tpu.memory_space<semaphore_mem>>) src(%dma_wait3A_427 : memref<8x125xi32, #tpu.memory_space<hbm>>) dst(%dma_wait3A_424 : memref<8x125xi32, #tpu.memory_space<vmem>>)
        } else {
        }
        %add3A_306 = arith.constant 1 : i32
        %add3A_307 = arith.addi %scan3A_125, %add3A_306 : i32
        %jit3A_308 = arith.constant 8 : i32
        %div3A_309 = arith.divsi %add3A_307, %jit3A_308 : i32
        %sign3A_310 = arith.constant 0 : i32
        %sign3A_311 = arith.cmpi sgt, %add3A_307, %sign3A_310 : i32
        %sign3A_312 = arith.extui %sign3A_311 : i1 to i32
        %sign3A_313 = arith.constant 0 : i32
        %sign3A_314 = arith.cmpi slt, %add3A_307, %sign3A_313 : i32
        %sign3A_315 = arith.extui %sign3A_314 : i1 to i32
        %sign3A_316 = arith.subi %sign3A_312, %sign3A_315 : i32
        %sign3A_317 = arith.constant 0 : i32
        %sign3A_318 = arith.cmpi sgt, %jit3A_308, %sign3A_317 : i32
        %sign3A_319 = arith.extui %sign3A_318 : i1 to i32
        %sign3A_320 = arith.constant 0 : i32
        %sign3A_321 = arith.cmpi slt, %jit3A_308, %sign3A_320 : i32
        %sign3A_322 = arith.extui %sign3A_321 : i1 to i32
        %sign3A_323 = arith.subi %sign3A_319, %sign3A_322 : i32
        %ne3A_324 = arith.cmpi ne, %sign3A_316, %sign3A_323 : i32
        %rem3A_325 = arith.remsi %add3A_307, %jit3A_308 : i32
        %ne3A_326 = arith.constant 0 : i32
        %ne3A_327 = arith.cmpi ne, %rem3A_325, %ne3A_326 : i32
        %and3A_328 = arith.andi %ne3A_324, %ne3A_327 : i1
        %sub3A_329 = arith.constant 1 : i32
        %sub3A_330 = arith.subi %div3A_309, %sub3A_329 : i32
        %select_n3A_331 = arith.select %and3A_328, %sub3A_330, %div3A_309 : i32
        %jit3A_332 = arith.constant 2 : i32
        %eq3A_333 = arith.constant 0 : i32
        %eq3A_334 = arith.cmpi eq, %jit3A_332, %eq3A_333 : i32
        %jit3A_335 = arith.constant 1 : i32
        %select_n3A_336 = arith.select %eq3A_334, %jit3A_335, %jit3A_332 : i32
        %rem3A_337 = arith.remsi %select_n3A_331, %select_n3A_336 : i32
        %ne3A_338 = arith.constant 0 : i32
        %ne3A_339 = arith.cmpi ne, %rem3A_337, %ne3A_338 : i32
        %lt3A_340 = arith.constant 0 : i32
        %lt3A_341 = arith.cmpi slt, %rem3A_337, %lt3A_340 : i32
        %lt3A_342 = arith.constant 0 : i32
        %lt3A_343 = arith.cmpi slt, %select_n3A_336, %lt3A_342 : i32
        %ne3A_344 = arith.xori %lt3A_341, %lt3A_343 : i1
        %and3A_345 = arith.andi %ne3A_344, %ne3A_339 : i1
        %add3A_346 = arith.addi %rem3A_337, %select_n3A_336 : i32
        %select_n3A_347 = arith.select %and3A_345, %add3A_346, %rem3A_337 : i32
        %jit3A_348 = arith.constant 8 : i32
        %eq3A_349 = arith.constant 0 : i32
        %eq3A_350 = arith.cmpi eq, %jit3A_348, %eq3A_349 : i32
        %jit3A_351 = arith.constant 1 : i32
        %select_n3A_352 = arith.select %eq3A_350, %jit3A_351, %jit3A_348 : i32
        %rem3A_353 = arith.remsi %add3A_307, %select_n3A_352 : i32
        %ne3A_354 = arith.constant 0 : i32
        %ne3A_355 = arith.cmpi ne, %rem3A_353, %ne3A_354 : i32
        %lt3A_356 = arith.constant 0 : i32
        %lt3A_357 = arith.cmpi slt, %rem3A_353, %lt3A_356 : i32
        %lt3A_358 = arith.constant 0 : i32
        %lt3A_359 = arith.cmpi slt, %select_n3A_352, %lt3A_358 : i32
        %ne3A_360 = arith.xori %lt3A_357, %lt3A_359 : i1
        %and3A_361 = arith.andi %ne3A_360, %ne3A_355 : i1
        %add3A_362 = arith.addi %rem3A_353, %select_n3A_352 : i32
        %select_n3A_363 = arith.select %and3A_361, %add3A_362, %rem3A_353 : i32
        %dma_start3A_364 = arith.constant 0 : i32
        %dma_start3A_365 = arith.constant 0 : i32
        %dma_start3A_366 = tpu.memref_slice %arg9[%sub3A_127, %dma_start3A_364, %dma_start3A_365] : memref<2x125x128xf32, #tpu.memory_space<vmem>> -> memref<1x125x128xf32, #tpu.memory_space<vmem>>
        %dma_start3A_367 = tpu.memref_squeeze %dma_start3A_366 : memref<1x125x128xf32, #tpu.memory_space<vmem>> -> memref<125x128xf32, #tpu.memory_space<vmem>>
        %dma_start3A_368 = arith.constant 0 : i32
        %dma_start3A_369 = tpu.memref_slice %arg7[%select_n3A_347, %select_n3A_363, %dma_start3A_368] : memref<2x8x125xi32, #tpu.memory_space<vmem>> -> memref<1x1x125xi32, #tpu.memory_space<vmem>>
        %dma_start3A_370 = tpu.memref_squeeze %dma_start3A_369 : memref<1x1x125xi32, #tpu.memory_space<vmem>> -> memref<125xi32, #tpu.memory_space<vmem>>
        %dma_start3A_371 = arith.constant 0 : i32
        %dma_start3A_372 = arith.constant 0 : i32
        %dma_start3A_373 = tpu.memref_slice %arg2[%dma_start3A_371, %dma_start3A_372] : memref<10000x128xf32, #tpu.memory_space<hbm>> -> memref<10000x128xf32, #tpu.memory_space<hbm>>
        %dma_start3A_374 = tpu.memref_slice %arg11[%sub3A_127] : memref<2x!tpu.dma_semaphore, #tpu.memory_space<semaphore_mem>> -> memref<1x!tpu.dma_semaphore, #tpu.memory_space<semaphore_mem>>
        %dma_start3A_375 = tpu.memref_squeeze %dma_start3A_374 : memref<1x!tpu.dma_semaphore, #tpu.memory_space<semaphore_mem>> -> memref<!tpu.dma_semaphore, #tpu.memory_space<semaphore_mem>>
        tpu.enqueue_indirect_dma source(%dma_start3A_373 : memref<10000x128xf32, #tpu.memory_space<hbm>>) target(%dma_start3A_367 : memref<125x128xf32, #tpu.memory_space<vmem>>) offsets(%dma_start3A_370 : memref<125xi32, #tpu.memory_space<vmem>>) semaphore(%dma_start3A_375 : memref<!tpu.dma_semaphore, #tpu.memory_space<semaphore_mem>>)
      } else {
      }
      %jit3A_165 = arith.constant 8 : i32
      %div3A_166 = arith.divsi %scan3A_125, %jit3A_165 : i32
      %sign3A_167 = arith.constant 0 : i32
      %sign3A_168 = arith.cmpi sgt, %scan3A_125, %sign3A_167 : i32
      %sign3A_169 = arith.extui %sign3A_168 : i1 to i32
      %sign3A_170 = arith.constant 0 : i32
      %sign3A_171 = arith.cmpi slt, %scan3A_125, %sign3A_170 : i32
      %sign3A_172 = arith.extui %sign3A_171 : i1 to i32
      %sign3A_173 = arith.subi %sign3A_169, %sign3A_172 : i32
      %sign3A_174 = arith.constant 0 : i32
      %sign3A_175 = arith.cmpi sgt, %jit3A_165, %sign3A_174 : i32
      %sign3A_176 = arith.extui %sign3A_175 : i1 to i32
      %sign3A_177 = arith.constant 0 : i32
      %sign3A_178 = arith.cmpi slt, %jit3A_165, %sign3A_177 : i32
      %sign3A_179 = arith.extui %sign3A_178 : i1 to i32
      %sign3A_180 = arith.subi %sign3A_176, %sign3A_179 : i32
      %ne3A_181 = arith.cmpi ne, %sign3A_173, %sign3A_180 : i32
      %rem3A_182 = arith.remsi %scan3A_125, %jit3A_165 : i32
      %ne3A_183 = arith.constant 0 : i32
      %ne3A_184 = arith.cmpi ne, %rem3A_182, %ne3A_183 : i32
      %and3A_185 = arith.andi %ne3A_181, %ne3A_184 : i1
      %sub3A_186 = arith.constant 1 : i32
      %sub3A_187 = arith.subi %div3A_166, %sub3A_186 : i32
      %select_n3A_188 = arith.select %and3A_185, %sub3A_187, %div3A_166 : i32
      %jit3A_189 = arith.constant 2 : i32
      %eq3A_190 = arith.constant 0 : i32
      %eq3A_191 = arith.cmpi eq, %jit3A_189, %eq3A_190 : i32
      %jit3A_192 = arith.constant 1 : i32
      %select_n3A_193 = arith.select %eq3A_191, %jit3A_192, %jit3A_189 : i32
      %rem3A_194 = arith.remsi %select_n3A_188, %select_n3A_193 : i32
      %ne3A_195 = arith.constant 0 : i32
      %ne3A_196 = arith.cmpi ne, %rem3A_194, %ne3A_195 : i32
      %lt3A_197 = arith.constant 0 : i32
      %lt3A_198 = arith.cmpi slt, %rem3A_194, %lt3A_197 : i32
      %lt3A_199 = arith.constant 0 : i32
      %lt3A_200 = arith.cmpi slt, %select_n3A_193, %lt3A_199 : i32
      %ne3A_201 = arith.xori %lt3A_198, %lt3A_200 : i1
      %and3A_202 = arith.andi %ne3A_201, %ne3A_196 : i1
      %add3A_203 = arith.addi %rem3A_194, %select_n3A_193 : i32
      %select_n3A_204 = arith.select %and3A_202, %add3A_203, %rem3A_194 : i32
      %jit3A_205 = arith.constant 8 : i32
      %eq3A_206 = arith.constant 0 : i32
      %eq3A_207 = arith.cmpi eq, %jit3A_205, %eq3A_206 : i32
      %jit3A_208 = arith.constant 1 : i32
      %select_n3A_209 = arith.select %eq3A_207, %jit3A_208, %jit3A_205 : i32
      %rem3A_210 = arith.remsi %scan3A_125, %select_n3A_209 : i32
      %ne3A_211 = arith.constant 0 : i32
      %ne3A_212 = arith.cmpi ne, %rem3A_210, %ne3A_211 : i32
      %lt3A_213 = arith.constant 0 : i32
      %lt3A_214 = arith.cmpi slt, %rem3A_210, %lt3A_213 : i32
      %lt3A_215 = arith.constant 0 : i32
      %lt3A_216 = arith.cmpi slt, %select_n3A_209, %lt3A_215 : i32
      %ne3A_217 = arith.xori %lt3A_214, %lt3A_216 : i1
      %and3A_218 = arith.andi %ne3A_217, %ne3A_212 : i1
      %add3A_219 = arith.addi %rem3A_210, %select_n3A_209 : i32
      %select_n3A_220 = arith.select %and3A_218, %add3A_219, %rem3A_210 : i32
      %dma_wait3A_221 = arith.constant 0 : i32
      %dma_wait3A_222 = arith.constant 0 : i32
      %dma_wait3A_223 = tpu.memref_slice %arg9[%rem3A_126, %dma_wait3A_221, %dma_wait3A_222] : memref<2x125x128xf32, #tpu.memory_space<vmem>> -> memref<1x125x128xf32, #tpu.memory_space<vmem>>
      %dma_wait3A_224 = tpu.memref_squeeze %dma_wait3A_223 : memref<1x125x128xf32, #tpu.memory_space<vmem>> -> memref<125x128xf32, #tpu.memory_space<vmem>>
      %dma_wait3A_225 = arith.constant 0 : i32
      %dma_wait3A_226 = tpu.memref_slice %arg7[%select_n3A_204, %select_n3A_220, %dma_wait3A_225] : memref<2x8x125xi32, #tpu.memory_space<vmem>> -> memref<1x1x125xi32, #tpu.memory_space<vmem>>
      %dma_wait3A_227 = tpu.memref_squeeze %dma_wait3A_226 : memref<1x1x125xi32, #tpu.memory_space<vmem>> -> memref<125xi32, #tpu.memory_space<vmem>>
      %dma_wait3A_228 = arith.constant 0 : i32
      %dma_wait3A_229 = arith.constant 0 : i32
      %dma_wait3A_230 = tpu.memref_slice %arg2[%dma_wait3A_228, %dma_wait3A_229] : memref<10000x128xf32, #tpu.memory_space<hbm>> -> memref<10000x128xf32, #tpu.memory_space<hbm>>
      %dma_wait3A_231 = tpu.memref_slice %arg11[%rem3A_126] : memref<2x!tpu.dma_semaphore, #tpu.memory_space<semaphore_mem>> -> memref<1x!tpu.dma_semaphore, #tpu.memory_space<semaphore_mem>>
      %dma_wait3A_232 = tpu.memref_squeeze %dma_wait3A_231 : memref<1x!tpu.dma_semaphore, #tpu.memory_space<semaphore_mem>> -> memref<!tpu.dma_semaphore, #tpu.memory_space<semaphore_mem>>
      tpu.wait_indirect_dma semaphore(%dma_wait3A_232 : memref<!tpu.dma_semaphore, #tpu.memory_space<semaphore_mem>>) src(%dma_wait3A_230 : memref<10000x128xf32, #tpu.memory_space<hbm>>) dst(%dma_wait3A_224 : memref<125x128xf32, #tpu.memory_space<vmem>>)
      %jit3A_233 = arith.constant 8 : i32
      %div3A_234 = arith.divsi %scan3A_125, %jit3A_233 : i32
      %sign3A_235 = arith.constant 0 : i32
      %sign3A_236 = arith.cmpi sgt, %scan3A_125, %sign3A_235 : i32
      %sign3A_237 = arith.extui %sign3A_236 : i1 to i32
      %sign3A_238 = arith.constant 0 : i32
      %sign3A_239 = arith.cmpi slt, %scan3A_125, %sign3A_238 : i32
      %sign3A_240 = arith.extui %sign3A_239 : i1 to i32
      %sign3A_241 = arith.subi %sign3A_237, %sign3A_240 : i32
      %sign3A_242 = arith.constant 0 : i32
      %sign3A_243 = arith.cmpi sgt, %jit3A_233, %sign3A_242 : i32
      %sign3A_244 = arith.extui %sign3A_243 : i1 to i32
      %sign3A_245 = arith.constant 0 : i32
      %sign3A_246 = arith.cmpi slt, %jit3A_233, %sign3A_245 : i32
      %sign3A_247 = arith.extui %sign3A_246 : i1 to i32
      %sign3A_248 = arith.subi %sign3A_244, %sign3A_247 : i32
      %ne3A_249 = arith.cmpi ne, %sign3A_241, %sign3A_248 : i32
      %rem3A_250 = arith.remsi %scan3A_125, %jit3A_233 : i32
      %ne3A_251 = arith.constant 0 : i32
      %ne3A_252 = arith.cmpi ne, %rem3A_250, %ne3A_251 : i32
      %and3A_253 = arith.andi %ne3A_249, %ne3A_252 : i1
      %sub3A_254 = arith.constant 1 : i32
      %sub3A_255 = arith.subi %div3A_234, %sub3A_254 : i32
      %select_n3A_256 = arith.select %and3A_253, %sub3A_255, %div3A_234 : i32
      %jit3A_257 = arith.constant 2 : i32
      %eq3A_258 = arith.constant 0 : i32
      %eq3A_259 = arith.cmpi eq, %jit3A_257, %eq3A_258 : i32
      %jit3A_260 = arith.constant 1 : i32
      %select_n3A_261 = arith.select %eq3A_259, %jit3A_260, %jit3A_257 : i32
      %rem3A_262 = arith.remsi %select_n3A_256, %select_n3A_261 : i32
      %ne3A_263 = arith.constant 0 : i32
      %ne3A_264 = arith.cmpi ne, %rem3A_262, %ne3A_263 : i32
      %lt3A_265 = arith.constant 0 : i32
      %lt3A_266 = arith.cmpi slt, %rem3A_262, %lt3A_265 : i32
      %lt3A_267 = arith.constant 0 : i32
      %lt3A_268 = arith.cmpi slt, %select_n3A_261, %lt3A_267 : i32
      %ne3A_269 = arith.xori %lt3A_266, %lt3A_268 : i1
      %and3A_270 = arith.andi %ne3A_269, %ne3A_264 : i1
      %add3A_271 = arith.addi %rem3A_262, %select_n3A_261 : i32
      %select_n3A_272 = arith.select %and3A_270, %add3A_271, %rem3A_262 : i32
      %jit3A_273 = arith.constant 8 : i32
      %eq3A_274 = arith.constant 0 : i32
      %eq3A_275 = arith.cmpi eq, %jit3A_273, %eq3A_274 : i32
      %jit3A_276 = arith.constant 1 : i32
      %select_n3A_277 = arith.select %eq3A_275, %jit3A_276, %jit3A_273 : i32
      %rem3A_278 = arith.remsi %scan3A_125, %select_n3A_277 : i32
      %ne3A_279 = arith.constant 0 : i32
      %ne3A_280 = arith.cmpi ne, %rem3A_278, %ne3A_279 : i32
      %lt3A_281 = arith.constant 0 : i32
      %lt3A_282 = arith.cmpi slt, %rem3A_278, %lt3A_281 : i32
      %lt3A_283 = arith.constant 0 : i32
      %lt3A_284 = arith.cmpi slt, %select_n3A_277, %lt3A_283 : i32
      %ne3A_285 = arith.xori %lt3A_282, %lt3A_284 : i1
      %and3A_286 = arith.andi %ne3A_285, %ne3A_280 : i1
      %add3A_287 = arith.addi %rem3A_278, %select_n3A_277 : i32
      %select_n3A_288 = arith.select %and3A_286, %add3A_287, %rem3A_278 : i32
      %dma_start3A_289 = arith.constant 0 : i32
      %dma_start3A_290 = arith.constant 0 : i32
      %dma_start3A_291 = tpu.memref_slice %arg9[%rem3A_126, %dma_start3A_289, %dma_start3A_290] : memref<2x125x128xf32, #tpu.memory_space<vmem>> -> memref<1x125x128xf32, #tpu.memory_space<vmem>>
      %dma_start3A_292 = tpu.memref_squeeze %dma_start3A_291 : memref<1x125x128xf32, #tpu.memory_space<vmem>> -> memref<125x128xf32, #tpu.memory_space<vmem>>
      %dma_start3A_293 = arith.constant 0 : i32
      %dma_start3A_294 = tpu.memref_slice %arg8[%select_n3A_272, %select_n3A_288, %dma_start3A_293] : memref<2x8x125xi32, #tpu.memory_space<vmem>> -> memref<1x1x125xi32, #tpu.memory_space<vmem>>
      %dma_start3A_295 = tpu.memref_squeeze %dma_start3A_294 : memref<1x1x125xi32, #tpu.memory_space<vmem>> -> memref<125xi32, #tpu.memory_space<vmem>>
      %dma_start3A_296 = arith.constant 0 : i32
      %dma_start3A_297 = arith.constant 0 : i32
      %dma_start3A_298 = tpu.memref_slice %arg10[%dma_start3A_296, %dma_start3A_297] : memref<10000x128xf32, #tpu.memory_space<vmem_shared>> -> memref<10000x128xf32, #tpu.memory_space<vmem_shared>>
      %dma_start3A_299 = tpu.memref_slice %arg12[%rem3A_126] : memref<2x!tpu.dma_semaphore, #tpu.memory_space<semaphore_mem>> -> memref<1x!tpu.dma_semaphore, #tpu.memory_space<semaphore_mem>>
      %dma_start3A_300 = tpu.memref_squeeze %dma_start3A_299 : memref<1x!tpu.dma_semaphore, #tpu.memory_space<semaphore_mem>> -> memref<!tpu.dma_semaphore, #tpu.memory_space<semaphore_mem>>
      tpu.enqueue_indirect_dma source(%dma_start3A_292 : memref<125x128xf32, #tpu.memory_space<vmem>>) target(%dma_start3A_298 : memref<10000x128xf32, #tpu.memory_space<vmem_shared>>) offsets(%dma_start3A_295 : memref<125xi32, #tpu.memory_space<vmem>>) semaphore(%dma_start3A_300 : memref<!tpu.dma_semaphore, #tpu.memory_space<semaphore_mem>>) {add = true}
    }
    %scan3A_95 = arith.constant 80 : i32
    %dma_wait3A_96 = arith.constant 1 : i32
    %dma_wait3A_97 = arith.constant 1 : i32
    %dma_wait3A_98 = arith.constant 7 : i32
    %dma_wait3A_99 = arith.constant 1 : i32
    %dma_wait3A_100 = arith.constant 0 : i32
    %dma_wait3A_101 = arith.constant 0 : i32
    %dma_wait3A_102 = tpu.memref_slice %arg9[%dma_wait3A_96, %dma_wait3A_100, %dma_wait3A_101] : memref<2x125x128xf32, #tpu.memory_space<vmem>> -> memref<1x125x128xf32, #tpu.memory_space<vmem>>
    %dma_wait3A_103 = tpu.memref_squeeze %dma_wait3A_102 : memref<1x125x128xf32, #tpu.memory_space<vmem>> -> memref<125x128xf32, #tpu.memory_space<vmem>>
    %dma_wait3A_104 = arith.constant 0 : i32
    %dma_wait3A_105 = tpu.memref_slice %arg8[%dma_wait3A_97, %dma_wait3A_98, %dma_wait3A_104] : memref<2x8x125xi32, #tpu.memory_space<vmem>> -> memref<1x1x125xi32, #tpu.memory_space<vmem>>
    %dma_wait3A_106 = tpu.memref_squeeze %dma_wait3A_105 : memref<1x1x125xi32, #tpu.memory_space<vmem>> -> memref<125xi32, #tpu.memory_space<vmem>>
    %dma_wait3A_107 = arith.constant 0 : i32
    %dma_wait3A_108 = arith.constant 0 : i32
    %dma_wait3A_109 = tpu.memref_slice %arg10[%dma_wait3A_107, %dma_wait3A_108] : memref<10000x128xf32, #tpu.memory_space<vmem_shared>> -> memref<10000x128xf32, #tpu.memory_space<vmem_shared>>
    %dma_wait3A_110 = tpu.memref_slice %arg12[%dma_wait3A_99] : memref<2x!tpu.dma_semaphore, #tpu.memory_space<semaphore_mem>> -> memref<1x!tpu.dma_semaphore, #tpu.memory_space<semaphore_mem>>
    %dma_wait3A_111 = tpu.memref_squeeze %dma_wait3A_110 : memref<1x!tpu.dma_semaphore, #tpu.memory_space<semaphore_mem>> -> memref<!tpu.dma_semaphore, #tpu.memory_space<semaphore_mem>>
    tpu.wait_indirect_dma semaphore(%dma_wait3A_111 : memref<!tpu.dma_semaphore, #tpu.memory_space<semaphore_mem>>) src(%dma_wait3A_103 : memref<125x128xf32, #tpu.memory_space<vmem>>) dst(%dma_wait3A_109 : memref<10000x128xf32, #tpu.memory_space<vmem_shared>>)
    %barrier3A_112 = arith.constant 0 : index
    tpu.barrier barrier_id(%barrier3A_112)
    %mul3A_113 = arith.constant 624 : i32
    %mul3A_114 = arith.muli %arg1, %mul3A_113 : i32
    %lt3A_115 = arith.constant 15 : i32
    %lt3A_116 = arith.cmpi slt, %arg1, %lt3A_115 : i32
    %convert_element_type3A_117 = arith.extui %lt3A_116 : i1 to i32
    %cond3A_118 = arith.constant 0 : i32
    %cond3A_119 = arith.cmpi ne, %convert_element_type3A_117, %cond3A_118 : i32
    scf.if %cond3A_119 {
      "tpu.region"() ({
        %run_scoped3A = tpu.sem_alloc : memref<!tpu.dma_semaphore, #tpu.memory_space<semaphore_mem>>
        %dma_start3A_125 = arith.constant 0 : i32
        %dma_start3A_126 = tpu.memref_slice %arg6[%arg0, %mul3A_114, %dma_start3A_125] : memref<2x10000x128xf32, #tpu.memory_space<hbm>> -> memref<1x624x128xf32, #tpu.memory_space<hbm>>
        %dma_start3A_127 = tpu.memref_squeeze %dma_start3A_126 : memref<1x624x128xf32, #tpu.memory_space<hbm>> -> memref<624x128xf32, #tpu.memory_space<hbm>>
        %dma_start3A_128 = arith.constant 0 : i32
        %dma_start3A_129 = tpu.memref_slice %arg10[%mul3A_114, %dma_start3A_128] : memref<10000x128xf32, #tpu.memory_space<vmem_shared>> -> memref<624x128xf32, #tpu.memory_space<vmem_shared>>
        tpu.enqueue_dma source(%dma_start3A_129 : memref<624x128xf32, #tpu.memory_space<vmem_shared>>) target(%dma_start3A_127 : memref<624x128xf32, #tpu.memory_space<hbm>>) target_semaphore(%run_scoped3A : memref<!tpu.dma_semaphore, #tpu.memory_space<semaphore_mem>>)
        %dma_wait3A_130 = arith.constant 0 : i32
        %dma_wait3A_131 = tpu.memref_slice %arg6[%arg0, %mul3A_114, %dma_wait3A_130] : memref<2x10000x128xf32, #tpu.memory_space<hbm>> -> memref<1x624x128xf32, #tpu.memory_space<hbm>>
        %dma_wait3A_132 = tpu.memref_squeeze %dma_wait3A_131 : memref<1x624x128xf32, #tpu.memory_space<hbm>> -> memref<624x128xf32, #tpu.memory_space<hbm>>
        %dma_wait3A_133 = arith.constant 0 : i32
        %dma_wait3A_134 = tpu.memref_slice %arg10[%mul3A_114, %dma_wait3A_133] : memref<10000x128xf32, #tpu.memory_space<vmem_shared>> -> memref<624x128xf32, #tpu.memory_space<vmem_shared>>
        tpu.wait_dma2 semaphore(%run_scoped3A : memref<!tpu.dma_semaphore, #tpu.memory_space<semaphore_mem>>) src(%dma_wait3A_134 : memref<624x128xf32, #tpu.memory_space<vmem_shared>>) dst(%dma_wait3A_132 : memref<624x128xf32, #tpu.memory_space<hbm>>)
        tpu.yield
      }) : () -> ()
    } else {
    }
    %eq3A_120 = arith.constant 15 : i32
    %eq3A_121 = arith.cmpi eq, %arg1, %eq3A_120 : i32
    %convert_element_type3A_122 = arith.extui %eq3A_121 : i1 to i32
    %cond3A_123 = arith.constant 0 : i32
    %cond3A_124 = arith.cmpi ne, %convert_element_type3A_122, %cond3A_123 : i32
    scf.if %cond3A_124 {
      "tpu.region"() ({
        %run_scoped3A = tpu.sem_alloc : memref<!tpu.dma_semaphore, #tpu.memory_space<semaphore_mem>>
        %dma_start3A_125 = arith.constant 0 : i32
        %dma_start3A_126 = tpu.memref_slice %arg6[%arg0, %mul3A_114, %dma_start3A_125] : memref<2x10000x128xf32, #tpu.memory_space<hbm>> -> memref<1x640x128xf32, #tpu.memory_space<hbm>>
        %dma_start3A_127 = tpu.memref_squeeze %dma_start3A_126 : memref<1x640x128xf32, #tpu.memory_space<hbm>> -> memref<640x128xf32, #tpu.memory_space<hbm>>
        %dma_start3A_128 = arith.constant 0 : i32
        %dma_start3A_129 = tpu.memref_slice %arg10[%mul3A_114, %dma_start3A_128] : memref<10000x128xf32, #tpu.memory_space<vmem_shared>> -> memref<640x128xf32, #tpu.memory_space<vmem_shared>>
        tpu.enqueue_dma source(%dma_start3A_129 : memref<640x128xf32, #tpu.memory_space<vmem_shared>>) target(%dma_start3A_127 : memref<640x128xf32, #tpu.memory_space<hbm>>) target_semaphore(%run_scoped3A : memref<!tpu.dma_semaphore, #tpu.memory_space<semaphore_mem>>)
        %dma_wait3A_130 = arith.constant 0 : i32
        %dma_wait3A_131 = tpu.memref_slice %arg6[%arg0, %mul3A_114, %dma_wait3A_130] : memref<2x10000x128xf32, #tpu.memory_space<hbm>> -> memref<1x640x128xf32, #tpu.memory_space<hbm>>
        %dma_wait3A_132 = tpu.memref_squeeze %dma_wait3A_131 : memref<1x640x128xf32, #tpu.memory_space<hbm>> -> memref<640x128xf32, #tpu.memory_space<hbm>>
        %dma_wait3A_133 = arith.constant 0 : i32
        %dma_wait3A_134 = tpu.memref_slice %arg10[%mul3A_114, %dma_wait3A_133] : memref<10000x128xf32, #tpu.memory_space<vmem_shared>> -> memref<640x128xf32, #tpu.memory_space<vmem_shared>>
        tpu.wait_dma2 semaphore(%run_scoped3A : memref<!tpu.dma_semaphore, #tpu.memory_space<semaphore_mem>>) src(%dma_wait3A_134 : memref<640x128xf32, #tpu.memory_space<vmem_shared>>) dst(%dma_wait3A_132 : memref<640x128xf32, #tpu.memory_space<hbm>>)
        tpu.yield
      }) : () -> ()
    } else {
    }
    return
  }
}

module attributes {stable_mosaic.version = 14 : i64} {
  func.func @_tc1_body(%arg0: i32, %arg1: memref<2000x128xf32, #tpu.memory_space<vmem>>, %arg2: memref<2x2000x128xf32, #tpu.memory_space<vmem>>, %arg3: memref<2x2000x128xf32, #tpu.memory_space<vmem>>, %arg4: memref<128x128xf32, #tpu.memory_space<vmem>>, %arg5: memref<1x128xf32, #tpu.memory_space<vmem>>, %arg6: memref<128x128xf32, #tpu.memory_space<vmem>>, %arg7: memref<2000x128xf32, #tpu.memory_space<vmem>>) attributes {dimension_semantics = [#tpu.dimension_semantics<arbitrary>], iteration_bounds = array<i64: 5>, scalar_prefetch = 0 : i64, scratch_operands = 0 : i64, tpu.core_type = #tpu.core_type<tc>, window_params = [{transform_indices = @transform_0, window_bounds = array<i64: 2000, 128>}, {transform_indices = @transform_1, window_bounds = array<i64: 2, 2000, 128>}, {transform_indices = @transform_2, window_bounds = array<i64: 2, 2000, 128>}, {pipeline_mode = #tpu.pipeline_mode<synchronous>, transform_indices = @transform_3, window_bounds = array<i64: 128, 128>}, {pipeline_mode = #tpu.pipeline_mode<synchronous>, transform_indices = @transform_4, window_bounds = array<i64: 1, 128>}, {pipeline_mode = #tpu.pipeline_mode<synchronous>, transform_indices = @transform_5, window_bounds = array<i64: 128, 128>}, {transform_indices = @transform_6, window_bounds = array<i64: 2000, 128>}]} {
    %get3A = arith.constant 0 : index
    %get3A_0 = arith.constant 0 : index
    %get3A_1 = arith.constant 0 : index
    %get3A_2 = vector.load %arg2[%get3A, %get3A_0, %get3A_1] : memref<2x2000x128xf32, #tpu.memory_space<vmem>>, vector<1x2000x128xf32>
    %get3A_3 = vector.shape_cast %get3A_2 : vector<1x2000x128xf32> to vector<2000x128xf32>
    %get3A_4 = arith.constant 1 : index
    %get3A_5 = arith.constant 0 : index
    %get3A_6 = arith.constant 0 : index
    %get3A_7 = vector.load %arg2[%get3A_4, %get3A_5, %get3A_6] : memref<2x2000x128xf32, #tpu.memory_space<vmem>>, vector<1x2000x128xf32>
    %get3A_8 = vector.shape_cast %get3A_7 : vector<1x2000x128xf32> to vector<2000x128xf32>
    %add3A = arith.addf %get3A_3, %get3A_8 : vector<2000x128xf32>
    %get3A_9 = arith.constant 0 : index
    %get3A_10 = arith.constant 0 : index
    %get3A_11 = arith.constant 0 : index
    %get3A_12 = vector.load %arg3[%get3A_9, %get3A_10, %get3A_11] : memref<2x2000x128xf32, #tpu.memory_space<vmem>>, vector<1x2000x1xf32>
    %get3A_13 = vector.shape_cast %get3A_12 : vector<1x2000x1xf32> to vector<2000x1xf32>
    %get3A_14 = arith.constant 1 : index
    %get3A_15 = arith.constant 0 : index
    %get3A_16 = arith.constant 0 : index
    %get3A_17 = vector.load %arg3[%get3A_14, %get3A_15, %get3A_16] : memref<2x2000x128xf32, #tpu.memory_space<vmem>>, vector<1x2000x1xf32>
    %get3A_18 = vector.shape_cast %get3A_17 : vector<1x2000x1xf32> to vector<2000x1xf32>
    %add3A_19 = arith.addf %get3A_13, %get3A_18 : vector<2000x1xf32>
    %max3A = arith.constant 1.000000e+00 : f32
    %max3A_20 = vector.broadcast %max3A : f32 to vector<2000x1xf32>
    %max3A_21 = arith.maximumf %add3A_19, %max3A_20 : vector<2000x1xf32>
    %div3A = vector.broadcast %max3A_21 : vector<2000x1xf32> to vector<2000x128xf32>
    %div3A_22 = arith.divf %add3A, %div3A : vector<2000x128xf32>
    %get3A_23 = arith.constant 0 : index
    %get3A_24 = arith.constant 0 : index
    %get3A_25 = vector.load %arg4[%get3A_23, %get3A_24] : memref<128x128xf32, #tpu.memory_space<vmem>>, vector<128x128xf32>
    %dot_general3A = arith.constant dense<0.000000e+00> : vector<2000x128xf32>
    %dot_general3A_26 = tpu.matmul %div3A_22, %get3A_25, %dot_general3A {dimension_numbers = #tpu.dot_dimension_numbers<[1], [1], [0], [0], [0, 0, 1, 0], [], []>, transpose_lhs_hint = false} : vector<2000x128xf32>, vector<128x128xf32>, vector<2000x128xf32> -> vector<2000x128xf32>
    %get3A_27 = arith.constant 0 : index
    %get3A_28 = arith.constant 0 : index
    %get3A_29 = vector.load %arg5[%get3A_27, %get3A_28] : memref<1x128xf32, #tpu.memory_space<vmem>>, vector<1x128xf32>
    %add3A_30 = vector.broadcast %get3A_29 : vector<1x128xf32> to vector<2000x128xf32>
    %add3A_31 = arith.addf %dot_general3A_26, %add3A_30 : vector<2000x128xf32>
    %get3A_32 = arith.constant 0 : index
    %get3A_33 = arith.constant 0 : index
    %get3A_34 = vector.load %arg1[%get3A_32, %get3A_33] : memref<2000x128xf32, #tpu.memory_space<vmem>>, vector<2000x128xf32>
    %get3A_35 = arith.constant 0 : index
    %get3A_36 = arith.constant 0 : index
    %get3A_37 = vector.load %arg6[%get3A_35, %get3A_36] : memref<128x128xf32, #tpu.memory_space<vmem>>, vector<128x128xf32>
    %dot_general3A_38 = arith.constant dense<0.000000e+00> : vector<2000x128xf32>
    %dot_general3A_39 = tpu.matmul %get3A_34, %get3A_37, %dot_general3A_38 {dimension_numbers = #tpu.dot_dimension_numbers<[1], [1], [0], [0], [0, 0, 1, 0], [], []>, transpose_lhs_hint = false} : vector<2000x128xf32>, vector<128x128xf32>, vector<2000x128xf32> -> vector<2000x128xf32>
    %add3A_40 = arith.addf %add3A_31, %dot_general3A_39 : vector<2000x128xf32>
    %mul3A = arith.mulf %add3A_40, %add3A_40 : vector<2000x128xf32>
    %reduce_sum3A = arith.constant dense<0.000000e+00> : vector<2000xf32>
    %reduce_sum3A_41 = vector.multi_reduction <add>, %mul3A, %reduce_sum3A [1] : vector<2000x128xf32> to vector<2000xf32>
    %broadcast_in_dim3A = vector.shape_cast %reduce_sum3A_41 : vector<2000xf32> to vector<2000x1xf32>
    %sqrt3A = math.sqrt %broadcast_in_dim3A : vector<2000x1xf32>
    %max3A_42 = arith.constant 9.99999996E-13 : f32
    %max3A_43 = vector.broadcast %max3A_42 : f32 to vector<2000x1xf32>
    %max3A_44 = arith.maximumf %sqrt3A, %max3A_43 : vector<2000x1xf32>
    %div3A_45 = vector.broadcast %max3A_44 : vector<2000x1xf32> to vector<2000x128xf32>
    %div3A_46 = arith.divf %add3A_40, %div3A_45 : vector<2000x128xf32>
    %max3A_47 = arith.constant 0.000000e+00 : f32
    %max3A_48 = vector.broadcast %max3A_47 : f32 to vector<2000x128xf32>
    %max3A_49 = arith.maximumf %div3A_46, %max3A_48 : vector<2000x128xf32>
    %swap3A = arith.constant 0 : index
    %swap3A_50 = arith.constant 0 : index
    %swap3A_51 = vector.load %arg7[%swap3A, %swap3A_50] : memref<2000x128xf32, #tpu.memory_space<vmem>>, vector<2000x128xf32>
    tpu.vector_store %arg7[%swap3A, %swap3A_50], %max3A_49 {strides = array<i32>} : memref<2000x128xf32, #tpu.memory_space<vmem>>, vector<2000x128xf32>,
    return
  }
  func.func @transform_0(%arg0: i32) -> (i32, i32) {
    %c0_i32 = arith.constant 0 : i32
    %c0_i32_0 = arith.constant 0 : i32
    return %arg0, %c0_i32 : i32, i32
  }
  func.func @transform_1(%arg0: i32) -> (i32, i32, i32) {
    %c0_i32 = arith.constant 0 : i32
    %c0_i32_0 = arith.constant 0 : i32
    %c0_i32_1 = arith.constant 0 : i32
    return %c0_i32, %arg0, %c0_i32_0 : i32, i32, i32
  }
  func.func @transform_2(%arg0: i32) -> (i32, i32, i32) {
    %c0_i32 = arith.constant 0 : i32
    %c0_i32_0 = arith.constant 0 : i32
    %c0_i32_1 = arith.constant 0 : i32
    return %c0_i32, %arg0, %c0_i32_0 : i32, i32, i32
  }
  func.func @transform_3(%arg0: i32) -> (i32, i32) {
    %c0_i32 = arith.constant 0 : i32
    %c0_i32_0 = arith.constant 0 : i32
    %c0_i32_1 = arith.constant 0 : i32
    return %c0_i32, %c0_i32_0 : i32, i32
  }
  func.func @transform_4(%arg0: i32) -> (i32, i32) {
    %c0_i32 = arith.constant 0 : i32
    %c0_i32_0 = arith.constant 0 : i32
    %c0_i32_1 = arith.constant 0 : i32
    return %c0_i32, %c0_i32_0 : i32, i32
  }
  func.func @transform_5(%arg0: i32) -> (i32, i32) {
    %c0_i32 = arith.constant 0 : i32
    %c0_i32_0 = arith.constant 0 : i32
    %c0_i32_1 = arith.constant 0 : i32
    return %c0_i32, %c0_i32_0 : i32, i32
  }
  func.func @transform_6(%arg0: i32) -> (i32, i32) {
    %c0_i32 = arith.constant 0 : i32
    %c0_i32_0 = arith.constant 0 : i32
    return %arg0, %c0_i32 : i32, i32
  }
}

module attributes {stable_mosaic.version = 14 : i64} {
  func.func @_tc2_body(%arg0: i32, %arg1: memref<2000x128xf32, #tpu.memory_space<vmem>>, %arg2: memref<2x2000x128xf32, #tpu.memory_space<vmem>>, %arg3: memref<2x2000x128xf32, #tpu.memory_space<vmem>>, %arg4: memref<1x1x2000xi32, #tpu.memory_space<vmem>>, %arg5: memref<256x128xf32, #tpu.memory_space<vmem>>, %arg6: memref<1x256xf32, #tpu.memory_space<vmem>>, %arg7: memref<256x128xf32, #tpu.memory_space<vmem>>, %arg8: memref<1x256xf32, #tpu.memory_space<vmem>>, %arg9: memref<1x1xf32, #tpu.memory_space<vmem>>, %arg10: memref<1x64xf32, #tpu.memory_space<vmem>>, %arg11: memref<64x256xf32, #tpu.memory_space<vmem>>, %arg12: memref<64x1xf32, #tpu.memory_space<vmem>>) attributes {dimension_semantics = [#tpu.dimension_semantics<arbitrary>], iteration_bounds = array<i64: 5>, scalar_prefetch = 0 : i64, scratch_operands = 2 : i64, tpu.core_type = #tpu.core_type<tc>, window_params = [{transform_indices = @transform_0, window_bounds = array<i64: 2000, 128>}, {transform_indices = @transform_1, window_bounds = array<i64: 2, 2000, 128>}, {transform_indices = @transform_2, window_bounds = array<i64: 2, 2000, 128>}, {transform_indices = @transform_3, window_bounds = array<i64: 1, 1, 2000>}, {pipeline_mode = #tpu.pipeline_mode<synchronous>, transform_indices = @transform_4, window_bounds = array<i64: 256, 128>}, {pipeline_mode = #tpu.pipeline_mode<synchronous>, transform_indices = @transform_5, window_bounds = array<i64: 1, 256>}, {pipeline_mode = #tpu.pipeline_mode<synchronous>, transform_indices = @transform_6, window_bounds = array<i64: 256, 128>}, {pipeline_mode = #tpu.pipeline_mode<synchronous>, transform_indices = @transform_7, window_bounds = array<i64: 1, 256>}, {pipeline_mode = #tpu.pipeline_mode<synchronous>, transform_indices = @transform_8, window_bounds = array<i64: 1, 1>}, {pipeline_mode = #tpu.pipeline_mode<synchronous>, transform_indices = @transform_9, window_bounds = array<i64: 1, 64>}]} {
    %eq3A = arith.constant 0 : i32
    %eq3A_0 = arith.cmpi eq, %arg0, %eq3A : i32
    %convert_element_type3A = arith.extui %eq3A_0 : i1 to i32
    %cond3A = arith.constant 0 : i32
    %cond3A_1 = arith.cmpi ne, %convert_element_type3A, %cond3A : i32
    scf.if %cond3A_1 {
      %broadcast_in_dim3A_82 = arith.constant 0.000000e+00 : f32
      %broadcast_in_dim3A_83 = vector.broadcast %broadcast_in_dim3A_82 : f32 to vector<64x256xf32>
      %swap3A_84 = arith.constant 0 : index
      %swap3A_85 = arith.constant 0 : index
      %swap3A_86 = vector.load %arg11[%swap3A_84, %swap3A_85] : memref<64x256xf32, #tpu.memory_space<vmem>>, vector<64x256xf32>
      tpu.vector_store %arg11[%swap3A_84, %swap3A_85], %broadcast_in_dim3A_83 {strides = array<i32>} : memref<64x256xf32, #tpu.memory_space<vmem>>, vector<64x256xf32>,
      %broadcast_in_dim3A_87 = arith.constant 0.000000e+00 : f32
      %broadcast_in_dim3A_88 = vector.broadcast %broadcast_in_dim3A_87 : f32 to vector<64x1xf32>
      %swap3A_89 = arith.constant 0 : index
      %swap3A_90 = arith.constant 0 : index
      %swap3A_91 = vector.load %arg12[%swap3A_89, %swap3A_90] : memref<64x1xf32, #tpu.memory_space<vmem>>, vector<64x1xf32>
      tpu.vector_store %arg12[%swap3A_89, %swap3A_90], %broadcast_in_dim3A_88 {strides = array<i32>} : memref<64x1xf32, #tpu.memory_space<vmem>>, vector<64x1xf32>,
    } else {
    }
    %get3A = arith.constant 0 : index
    %get3A_2 = arith.constant 0 : index
    %get3A_3 = arith.constant 0 : index
    %get3A_4 = vector.load %arg2[%get3A, %get3A_2, %get3A_3] : memref<2x2000x128xf32, #tpu.memory_space<vmem>>, vector<1x2000x128xf32>
    %get3A_5 = vector.shape_cast %get3A_4 : vector<1x2000x128xf32> to vector<2000x128xf32>
    %get3A_6 = arith.constant 1 : index
    %get3A_7 = arith.constant 0 : index
    %get3A_8 = arith.constant 0 : index
    %get3A_9 = vector.load %arg2[%get3A_6, %get3A_7, %get3A_8] : memref<2x2000x128xf32, #tpu.memory_space<vmem>>, vector<1x2000x128xf32>
    %get3A_10 = vector.shape_cast %get3A_9 : vector<1x2000x128xf32> to vector<2000x128xf32>
    %add3A = arith.addf %get3A_5, %get3A_10 : vector<2000x128xf32>
    %get3A_11 = arith.constant 0 : index
    %get3A_12 = arith.constant 0 : index
    %get3A_13 = arith.constant 0 : index
    %get3A_14 = vector.load %arg3[%get3A_11, %get3A_12, %get3A_13] : memref<2x2000x128xf32, #tpu.memory_space<vmem>>, vector<1x2000x1xf32>
    %get3A_15 = vector.shape_cast %get3A_14 : vector<1x2000x1xf32> to vector<2000x1xf32>
    %get3A_16 = arith.constant 1 : index
    %get3A_17 = arith.constant 0 : index
    %get3A_18 = arith.constant 0 : index
    %get3A_19 = vector.load %arg3[%get3A_16, %get3A_17, %get3A_18] : memref<2x2000x128xf32, #tpu.memory_space<vmem>>, vector<1x2000x1xf32>
    %get3A_20 = vector.shape_cast %get3A_19 : vector<1x2000x1xf32> to vector<2000x1xf32>
    %add3A_21 = arith.addf %get3A_15, %get3A_20 : vector<2000x1xf32>
    %max3A = arith.constant 1.000000e+00 : f32
    %max3A_22 = vector.broadcast %max3A : f32 to vector<2000x1xf32>
    %max3A_23 = arith.maximumf %add3A_21, %max3A_22 : vector<2000x1xf32>
    %div3A = vector.broadcast %max3A_23 : vector<2000x1xf32> to vector<2000x128xf32>
    %div3A_24 = arith.divf %add3A, %div3A : vector<2000x128xf32>
    %get3A_25 = arith.constant 0 : index
    %get3A_26 = arith.constant 0 : index
    %get3A_27 = vector.load %arg5[%get3A_25, %get3A_26] : memref<256x128xf32, #tpu.memory_space<vmem>>, vector<256x128xf32>
    %dot_general3A = arith.constant dense<0.000000e+00> : vector<2000x256xf32>
    %dot_general3A_28 = tpu.matmul %div3A_24, %get3A_27, %dot_general3A {dimension_numbers = #tpu.dot_dimension_numbers<[1], [1], [0], [0], [0, 0, 1, 0], [], []>, transpose_lhs_hint = false} : vector<2000x128xf32>, vector<256x128xf32>, vector<2000x256xf32> -> vector<2000x256xf32>
    %get3A_29 = arith.constant 0 : index
    %get3A_30 = arith.constant 0 : index
    %get3A_31 = vector.load %arg6[%get3A_29, %get3A_30] : memref<1x256xf32, #tpu.memory_space<vmem>>, vector<1x256xf32>
    %add3A_32 = vector.broadcast %get3A_31 : vector<1x256xf32> to vector<2000x256xf32>
    %add3A_33 = arith.addf %dot_general3A_28, %add3A_32 : vector<2000x256xf32>
    %get3A_34 = arith.constant 0 : index
    %get3A_35 = arith.constant 0 : index
    %get3A_36 = vector.load %arg1[%get3A_34, %get3A_35] : memref<2000x128xf32, #tpu.memory_space<vmem>>, vector<2000x128xf32>
    %get3A_37 = arith.constant 0 : index
    %get3A_38 = arith.constant 0 : index
    %get3A_39 = vector.load %arg7[%get3A_37, %get3A_38] : memref<256x128xf32, #tpu.memory_space<vmem>>, vector<256x128xf32>
    %dot_general3A_40 = arith.constant dense<0.000000e+00> : vector<2000x256xf32>
    %dot_general3A_41 = tpu.matmul %get3A_36, %get3A_39, %dot_general3A_40 {dimension_numbers = #tpu.dot_dimension_numbers<[1], [1], [0], [0], [0, 0, 1, 0], [], []>, transpose_lhs_hint = false} : vector<2000x128xf32>, vector<256x128xf32>, vector<2000x256xf32> -> vector<2000x256xf32>
    %add3A_42 = arith.addf %add3A_33, %dot_general3A_41 : vector<2000x256xf32>
    %mul3A = arith.mulf %add3A_42, %add3A_42 : vector<2000x256xf32>
    %reduce_sum3A = arith.constant dense<0.000000e+00> : vector<2000xf32>
    %reduce_sum3A_43 = vector.multi_reduction <add>, %mul3A, %reduce_sum3A [1] : vector<2000x256xf32> to vector<2000xf32>
    %broadcast_in_dim3A = vector.shape_cast %reduce_sum3A_43 : vector<2000xf32> to vector<2000x1xf32>
    %sqrt3A = math.sqrt %broadcast_in_dim3A : vector<2000x1xf32>
    %max3A_44 = arith.constant 9.99999996E-13 : f32
    %max3A_45 = vector.broadcast %max3A_44 : f32 to vector<2000x1xf32>
    %max3A_46 = arith.maximumf %sqrt3A, %max3A_45 : vector<2000x1xf32>
    %div3A_47 = vector.broadcast %max3A_46 : vector<2000x1xf32> to vector<2000x256xf32>
    %div3A_48 = arith.divf %add3A_42, %div3A_47 : vector<2000x256xf32>
    %get3A_49 = arith.constant 0 : index
    %get3A_50 = arith.constant 0 : index
    %get3A_51 = arith.constant 0 : index
    %get3A_52 = vector.load %arg4[%get3A_49, %get3A_50, %get3A_51] : memref<1x1x2000xi32, #tpu.memory_space<vmem>>, vector<1x1x2000xi32>
    %get3A_53 = vector.shape_cast %get3A_52 : vector<1x1x2000xi32> to vector<2000xi32>
    %iota3A = tpu.iota {dimensions = array<i32: 0>} : vector<64x2000xi32>
    %broadcast_in_dim3A_54 = vector.shape_cast %get3A_53 : vector<2000xi32> to vector<1x2000xi32>
    %eq3A_55 = vector.broadcast %broadcast_in_dim3A_54 : vector<1x2000xi32> to vector<64x2000xi32>
    %eq3A_56 = arith.cmpi eq, %eq3A_55, %iota3A : vector<64x2000xi32>
    %convert_element_type3A_57 = arith.extui %eq3A_56 : vector<64x2000xi1> to vector<64x2000xi32>
    %convert_element_type3A_58 = arith.sitofp %convert_element_type3A_57 : vector<64x2000xi32> to vector<64x2000xf32>
    %get3A_59 = arith.constant 0 : index
    %get3A_60 = arith.constant 0 : index
    %get3A_61 = vector.load %arg11[%get3A_59, %get3A_60] : memref<64x256xf32, #tpu.memory_space<vmem>>, vector<64x256xf32>
    %dot_general3A_62 = arith.constant dense<0.000000e+00> : vector<64x256xf32>
    %dot_general3A_63 = tpu.matmul %convert_element_type3A_58, %div3A_48, %dot_general3A_62 {dimension_numbers = #tpu.dot_dimension_numbers<[1], [0], [0], [1], [0, 0, 1, 1], [], []>, transpose_lhs_hint = false} : vector<64x2000xf32>, vector<2000x256xf32>, vector<64x256xf32> -> vector<64x256xf32>
    %add3A_64 = arith.addf %get3A_61, %dot_general3A_63 : vector<64x256xf32>
    %swap3A = arith.constant 0 : index
    %swap3A_65 = arith.constant 0 : index
    %swap3A_66 = vector.load %arg11[%swap3A, %swap3A_65] : memref<64x256xf32, #tpu.memory_space<vmem>>, vector<64x256xf32>
    tpu.vector_store %arg11[%swap3A, %swap3A_65], %add3A_64 {strides = array<i32>} : memref<64x256xf32, #tpu.memory_space<vmem>>, vector<64x256xf32>,
    %get3A_67 = arith.constant 0 : index
    %get3A_68 = arith.constant 0 : index
    %get3A_69 = vector.load %arg12[%get3A_67, %get3A_68] : memref<64x1xf32, #tpu.memory_space<vmem>>, vector<64x1xf32>
    %reduce_sum3A_70 = arith.constant dense<0.000000e+00> : vector<64xf32>
    %reduce_sum3A_71 = vector.multi_reduction <add>, %convert_element_type3A_58, %reduce_sum3A_70 [1] : vector<64x2000xf32> to vector<64xf32>
    %broadcast_in_dim3A_72 = vector.shape_cast %reduce_sum3A_71 : vector<64xf32> to vector<64x1xf32>
    %add3A_73 = arith.addf %get3A_69, %broadcast_in_dim3A_72 : vector<64x1xf32>
    %swap3A_74 = arith.constant 0 : index
    %swap3A_75 = arith.constant 0 : index
    %swap3A_76 = vector.load %arg12[%swap3A_74, %swap3A_75] : memref<64x1xf32, #tpu.memory_space<vmem>>, vector<64x1xf32>
    tpu.vector_store %arg12[%swap3A_74, %swap3A_75], %add3A_73 {strides = array<i32>} : memref<64x1xf32, #tpu.memory_space<vmem>>, vector<64x1xf32>,
    %eq3A_77 = arith.constant 4 : i32
    %eq3A_78 = arith.cmpi eq, %arg0, %eq3A_77 : i32
    %convert_element_type3A_79 = arith.extui %eq3A_78 : i1 to i32
    %cond3A_80 = arith.constant 0 : i32
    %cond3A_81 = arith.cmpi ne, %convert_element_type3A_79, %cond3A_80 : i32
    scf.if %cond3A_81 {
      %get3A_82 = arith.constant 0 : index
      %get3A_83 = arith.constant 0 : index
      %get3A_84 = vector.load %arg11[%get3A_82, %get3A_83] : memref<64x256xf32, #tpu.memory_space<vmem>>, vector<64x256xf32>
      %get3A_85 = arith.constant 0 : index
      %get3A_86 = arith.constant 0 : index
      %get3A_87 = vector.load %arg12[%get3A_85, %get3A_86] : memref<64x1xf32, #tpu.memory_space<vmem>>, vector<64x1xf32>
      %max3A_88 = arith.constant 1.000000e+00 : f32
      %max3A_89 = vector.broadcast %max3A_88 : f32 to vector<64x1xf32>
      %max3A_90 = arith.maximumf %get3A_87, %max3A_89 : vector<64x1xf32>
      %div3A_91 = vector.broadcast %max3A_90 : vector<64x1xf32> to vector<64x256xf32>
      %div3A_92 = arith.divf %get3A_84, %div3A_91 : vector<64x256xf32>
      %get3A_93 = arith.constant 0 : index
      %get3A_94 = arith.constant 0 : index
      %get3A_95 = vector.load %arg8[%get3A_93, %get3A_94] : memref<1x256xf32, #tpu.memory_space<vmem>>, vector<1x256xf32>
      %dot_general3A_96 = arith.constant dense<0.000000e+00> : vector<1x64xf32>
      %dot_general3A_97 = tpu.matmul %get3A_95, %div3A_92, %dot_general3A_96 {dimension_numbers = #tpu.dot_dimension_numbers<[1], [1], [0], [0], [0, 0, 1, 0], [], []>, transpose_lhs_hint = false} : vector<1x256xf32>, vector<64x256xf32>, vector<1x64xf32> -> vector<1x64xf32>
      %get3A_98 = arith.constant 0 : index
      %get3A_99 = arith.constant 0 : index
      %get3A_100 = vector.load %arg9[%get3A_98, %get3A_99] : memref<1x1xf32, #tpu.memory_space<vmem>>, vector<1x1xf32>
      %get3A_101 = vector.extract %get3A_100[0, 0] : f32 from vector<1x1xf32>
      %add3A_102 = vector.broadcast %get3A_101 : f32 to vector<1x64xf32>
      %add3A_103 = arith.addf %dot_general3A_97, %add3A_102 : vector<1x64xf32>
      %logistic3A = arith.negf %add3A_103 : vector<1x64xf32>
      %logistic3A_104 = math.exp %logistic3A : vector<1x64xf32>
      %logistic3A_105 = arith.constant 1.000000e+00 : f32
      %logistic3A_106 = vector.broadcast %logistic3A_105 : f32 to vector<1x64xf32>
      %logistic3A_107 = arith.addf %logistic3A_106, %logistic3A_104 : vector<1x64xf32>
      %logistic3A_108 = arith.divf %logistic3A_106, %logistic3A_107 : vector<1x64xf32>
      %swap3A_109 = arith.constant 0 : index
      %swap3A_110 = arith.constant 0 : index
      %swap3A_111 = vector.load %arg10[%swap3A_109, %swap3A_110] : memref<1x64xf32, #tpu.memory_space<vmem>>, vector<1x64xf32>
      tpu.vector_store %arg10[%swap3A_109, %swap3A_110], %logistic3A_108 {strides = array<i32>} : memref<1x64xf32, #tpu.memory_space<vmem>>, vector<1x64xf32>,
    } else {
    }
    return
  }
  func.func @transform_0(%arg0: i32) -> (i32, i32) {
    %c0_i32 = arith.constant 0 : i32
    %c0_i32_0 = arith.constant 0 : i32
    return %arg0, %c0_i32 : i32, i32
  }
  func.func @transform_1(%arg0: i32) -> (i32, i32, i32) {
    %c0_i32 = arith.constant 0 : i32
    %c0_i32_0 = arith.constant 0 : i32
    %c0_i32_1 = arith.constant 0 : i32
    return %c0_i32, %arg0, %c0_i32_0 : i32, i32, i32
  }
  func.func @transform_2(%arg0: i32) -> (i32, i32, i32) {
    %c0_i32 = arith.constant 0 : i32
    %c0_i32_0 = arith.constant 0 : i32
    %c0_i32_1 = arith.constant 0 : i32
    return %c0_i32, %arg0, %c0_i32_0 : i32, i32, i32
  }
  func.func @transform_3(%arg0: i32) -> (i32, i32, i32) {
    %c0_i32 = arith.constant 0 : i32
    %c0_i32_0 = arith.constant 0 : i32
    %c0_i32_1 = arith.constant 0 : i32
    return %arg0, %c0_i32, %c0_i32_0 : i32, i32, i32
  }
  func.func @transform_4(%arg0: i32) -> (i32, i32) {
    %c0_i32 = arith.constant 0 : i32
    %c0_i32_0 = arith.constant 0 : i32
    %c0_i32_1 = arith.constant 0 : i32
    return %c0_i32, %c0_i32_0 : i32, i32
  }
  func.func @transform_5(%arg0: i32) -> (i32, i32) {
    %c0_i32 = arith.constant 0 : i32
    %c0_i32_0 = arith.constant 0 : i32
    %c0_i32_1 = arith.constant 0 : i32
    return %c0_i32, %c0_i32_0 : i32, i32
  }
  func.func @transform_6(%arg0: i32) -> (i32, i32) {
    %c0_i32 = arith.constant 0 : i32
    %c0_i32_0 = arith.constant 0 : i32
    %c0_i32_1 = arith.constant 0 : i32
    return %c0_i32, %c0_i32_0 : i32, i32
  }
  func.func @transform_7(%arg0: i32) -> (i32, i32) {
    %c0_i32 = arith.constant 0 : i32
    %c0_i32_0 = arith.constant 0 : i32
    %c0_i32_1 = arith.constant 0 : i32
    return %c0_i32, %c0_i32_0 : i32, i32
  }
  func.func @transform_8(%arg0: i32) -> (i32, i32) {
    %c0_i32 = arith.constant 0 : i32
    %c0_i32_0 = arith.constant 0 : i32
    %c0_i32_1 = arith.constant 0 : i32
    return %c0_i32, %c0_i32_0 : i32, i32
  }
  func.func @transform_9(%arg0: i32) -> (i32, i32) {
    %c0_i32 = arith.constant 0 : i32
    %c0_i32_0 = arith.constant 0 : i32
    %c0_i32_1 = arith.constant 0 : i32
    return %c0_i32, %c0_i32_0 : i32, i32
  }
}

</mosaic_0001>

<sc_bundles>
// kernel: kernel.10.cloned.1.call-start
scs
__scs_entry_jumppad:
0x0: {  	(pc) =	sbr.rel $0x88, $3  }
0x1: {  	(tag) =	ssettag $0x0;
	lr =	simm.s32 $0x1  }
0x2: {  	[smem:$0x3F96] =	sst lr;
	_ =	strace $0xD0000000  }
0x3: {  	_ = 	snop  }
0x4: {  	_ = 	snop  }
0x5: {  	_ = 	snop  }
0x6: {  	_ = 	snop  }
0x7: {  	_ = 	snop  }
__scs_overlays_trampoline_lowered:
0x8: {  	[smem:$0x3FA5] =	sst s0  }
0x9: {  	[smem:$0x3FA6] =	sst s1  }
0xa: {  	[smem:$0x3FA7] =	sst s2  }
0xb: {  	[smem:$0x3FA8] =	sst s3  }
0xc: {  	[smem:$0x3FA9] =	sst s4  }
0xd: {  	[smem:$0x3FAA] =	sst s5  }
0xe: {  	[smem:$0x3FAB] =	sst s6  }
0xf: {  	[smem:$0x3FAC] =	sst s7  }
0x10: {  	[smem:$0x3FAD] =	sst s8  }
0x11: {  	[smem:$0x3FAE] =	sst s9;
	s0 =	simm.s32 @!p0 $0x0  }
0x12: {  	s1 =	sld [smem:$0x3F94];
	s0 =	simm.s32 @p0 $0x1  }
0x13: {  	[smem:$0x3FAF] =	sst s0;
	s0 =	simm.s32 @!p1 $0x0  }
0x14: {  	s2 =	sld [smem:$0x3F93];
	s0 =	simm.s32 @p1 $0x1  }
0x15: {  	[smem:$0x3FB0] =	sst s0;
	s0 =	simm.s32 @!p2 $0x0  }
0x16: {  	s3 =	sld [smem:$0x3FDB];
	s0 =	simm.s32 @p2 $0x1  }
0x17: {  	s4 =	simm.s32 $0x1BF5;
	[smem:$0x3FB2] =	sst s0  }
0x18: {  	s0 =	sld [smem:$0x3F95];
	_ =	swait.ge [sflag:s4], $0x0  }
0x19: {  	s7 =	sld [smem:$0x3F96]  }
0x1a: {  	s8 =	sadd.s32 $0xFFFFE003, lr  }
0x1b: {  	s9 =	sadd.s32 $0xFFFFFEF7, lr;
	s5 =	simm.s32 $0xFFFFFFFF;
	p2 =	slt.u32 s8, $0xFFFFF086  }
0x1c: {  	p1 =	slt.u32 s9, $0xF7A;
	s5 =	simm.s32 @!p2 $0x0  }
0x1d: {  	s5 =	simm.s32 @p1 $0x1;
	p0 =	seq.s32 s7, s2  }
0x1e: {  	s7 =	smul.u32 @!p0 $0xF7A, s2;
	p2 =	seq.s32 @!p0 s5, $0x0  }
0x1f: {  	s9 =	smul.u32 $0xF7A, s1;
	s8 =	simm.s32 @!p0 $0x1BF5;
	p2 =	por !p2, p0  }
0x20: {  	[sflag:s8] =	ssyncset.s32 @!p0 $0xFFFFF086;
	s6 =	sadd.s32 @!p0 s3, s7;
	s7 =	simm.s32 @!p0 $0x108  }
0x21: {  	s3 =	sadd.s32 s3, s9;
	s6 =	sadd.s32 @!p0 $0x88, s6;
	s7 =	simm.s32 @p2 $0x1082  }
0x22: {  	[simem:s7], [sflag:s8] =	dma.local @!p0 [hbm:s6], $0xF7A  }
0x23: {  	s9 =	sor.u32 $0xD0000000, s2;
	s6 =	simm.s32 $0x108;
	_ =	swait.ge @!p0 [sflag:s8], $0x0  }
0x24: {  	s3 =	sadd.s32 $0x88, s3;
	s6 =	simm.s32 @!p1 $0x1082;
	[sflag:s4] =	ssyncset.s32 $0xFFFFF086  }
0x25: {  	[simem:s6], [sflag:s4] =	dma.local [hbm:s3], $0xF7A  }
0x26: {  	[smem:$0x3F96] =	sst s1;
	(tag) =	ssettag s2;
	_ =	strace s9  }
0x27: {  	s1 =	sld [smem:$0x3FA6]  }
0x28: {  	s2 =	sld [smem:$0x3FA7]  }
0x29: {  	s4 =	sld [smem:$0x3FA9]  }
0x2a: {  	p0 =	seq.s32 s5, $0x0;
	s5 =	sld [smem:$0x3FAA]  }
0x2b: {  	s6 =	sld [smem:$0x3FAB]  }
0x2c: {  	s7 =	sld [smem:$0x3FAC]  }
0x2d: {  	s3 =	simm.s32 $0x108;
	s8 =	sld [smem:$0x3FAD]  }
0x2e: {  	s3 =	simm.s32 @!p0 $0x1082;
	s9 =	sld [smem:$0x3FAE]  }
0x2f: {  	lr =	sadd.s32 s0, s3;
	s0 =	sld [smem:$0x3FA5]  }
0x30: {  	s3 =	sld [smem:$0x3FA8]  }
0x31: {  	[smem:$0x3FB1] =	sst s10  }
0x32: {  	s10 =	sld [smem:$0x3FAF];
	_ =	sdelay $0x3  }
0x33: {  	p0 =	seq.s32 s10, $0x1;
	s10 =	sld [smem:$0x3FB1];
	_ =	sdelay $0x3  }
0x34: {  	[smem:$0x3FB1] =	sst s10  }
0x35: {  	s10 =	sld [smem:$0x3FB0];
	_ =	sdelay $0x3  }
0x36: {  	p1 =	seq.s32 s10, $0x1;
	s10 =	sld [smem:$0x3FB1];
	_ =	sdelay $0x3  }
0x37: {  	[smem:$0x3FB1] =	sst s10  }
0x38: {  	s10 =	sld [smem:$0x3FB2]  }
0x39: {  	_ = 	snop;
	(pc) =	sbr.ind lr, $3  }
0x3a: {  	_ = 	snop  }
0x3b: {  	_ = 	snop  }
0x3c: {  	p2 =	seq.s32 s10, $0x1;
	s10 =	sld [smem:$0x3FB1]  }
0x3d: {  	_ =	shalt  }
0x3e: {  	_ =	shalt  }
0x3f: {  	_ =	shalt  }
0x40: {  	_ =	shalt  }
0x41: {  	_ =	shalt  }
0x42: {  	_ =	shalt  }
0x43: {  	_ =	shalt  }
0x44: {  	_ =	shalt  }
0x45: {  	_ =	shalt  }
0x46: {  	_ =	shalt  }
0x47: {  	_ =	shalt  }
0x48: {  	_ =	shalt  }
0x49: {  	_ =	shalt  }
0x4a: {  	_ =	shalt  }
0x4b: {  	_ =	shalt  }
0x4c: {  	_ =	shalt  }
0x4d: {  	_ =	shalt  }
0x4e: {  	_ =	shalt  }
0x4f: {  	_ =	shalt  }
0x50: {  	_ =	shalt  }
0x51: {  	_ =	shalt  }
0x52: {  	_ =	shalt  }
0x53: {  	_ =	shalt  }
0x54: {  	_ =	shalt  }
0x55: {  	_ =	shalt  }
0x56: {  	_ =	shalt  }
0x57: {  	_ =	shalt  }
0x58: {  	_ =	shalt  }
0x59: {  	_ =	shalt  }
0x5a: {  	_ =	shalt  }
0x5b: {  	_ =	shalt  }
0x5c: {  	_ =	shalt  }
0x5d: {  	_ =	shalt  }
0x5e: {  	_ =	shalt  }
0x5f: {  	_ =	shalt  }
0x60: {  	_ =	shalt  }
0x61: {  	_ =	shalt  }
0x62: {  	_ =	shalt  }
0x63: {  	_ =	shalt  }
0x64: {  	_ =	shalt  }
0x65: {  	_ =	shalt  }
0x66: {  	_ =	shalt  }
0x67: {  	_ =	shalt  }
0x68: {  	_ =	shalt  }
0x69: {  	_ =	shalt  }
0x6a: {  	_ =	shalt  }
0x6b: {  	_ =	shalt  }
0x6c: {  	_ =	shalt  }
0x6d: {  	_ =	shalt  }
0x6e: {  	_ =	shalt  }
0x6f: {  	_ =	shalt  }
0x70: {  	_ =	shalt  }
0x71: {  	_ =	shalt  }
0x72: {  	_ =	shalt  }
0x73: {  	_ =	shalt  }
0x74: {  	_ =	shalt  }
0x75: {  	_ =	shalt  }
0x76: {  	_ =	shalt  }
0x77: {  	_ =	shalt  }
0x78: {  	_ =	shalt  }
0x79: {  	_ =	shalt  }
0x7a: {  	_ =	shalt  }
0x7b: {  	_ =	shalt  }
0x7c: {  	_ =	shalt  }
0x7d: {  	_ =	shalt  }
0x7e: {  	_ =	shalt  }
0x7f: {  	_ =	shalt  }
0x80: {  	_ =	shalt  }
0x81: {  	_ =	shalt  }
0x82: {  	_ =	shalt  }
0x83: {  	_ =	shalt  }
0x84: {  	_ =	shalt  }
0x85: {  	_ =	shalt  }
0x86: {  	_ =	shalt  }
0x87: {  	_ =	shalt  }
.Lfunc_end0:
.L_simem_size_0:
called_computation.1_lowered:
.L_overlay_start_0:
0x88: {  	s2 =	sld [smem:$0x3FD9]  }
0x89: {  	s3 =	sld [smem:$0x3FFE];
	_ =	sdelay $0x1  }
0x8a: {  	s1 =	srdreg.scid  }
0x8b: {  	s0 =	sand.u32 $0x1, s1  }
0x8c: {  	s17 =	sshll.u32 s0, $0xA;
	s2 =	sadd.s32 s3, s2  }
0x8d: {  	s2 =	sadd.s32 s2, s17  }
0x8e: {  	[smem:$0x3FBD] =	sst s2  }
0x8f: {  	_ = 	snop  }
0x90: {  	s2 =	sld [smem:$0x3FC9];
	(tm) =	ssettm $0x1  }
0x91: {  	s18 =	sld [smem:$0x3FFB];
	_ =	sdelay $0x3  }
0x92: {  	_ =	strace s18  }
0x93: {  	s3 =	sld [smem:$0x3FFC];
	_ =	sdelay $0x3  }
0x94: {  	_ =	strace s3  }
0x95: {  	s3 =	sld [smem:$0x3FFD];
	_ =	sdelay $0x3  }
0x96: {  	_ =	strace s3  }
0x97: {  	_ =	strace $0x8FFFFFFF  }
0x98: {  	s19 =	sld [smem:$0x3FDB];
	_ =	sdelay $0x1  }
0x99: {  	s4 =	simm.s32 $_scs_section_size  }
0x9a: {  	s5 =	simm.s32 $_size__tile_overlayer_lowered;
	s6 =	simm.s32 $_tile_overlayer_lowered  }
0x9b: {  	s22 =	simm.s32 $0x1BFF;
	s21 =	sshll.u32 s6, $0x1;
	s3 =	sadd.s32 s4, s19  }
0x9c: {  	s7 =	simm.s32 $0x0;
	s20 =	sshll.u32 s5, $0x1;
	s5 =	sadd.s32 s21, s3  }
0x9d: {  	[timem:s7], [sflag:s22] =	dma.local [hbm:s5], s20  }
0x9e: {  	_ =	swait.ge [sflag:s22], s20  }
0x9f: {  	s4 =	ssub.s32 $0x0, s20;
	[sflag:s22] =	ssyncset.done $0x0  }
0xa0: {  	[sflag:s22] =	ssyncadd.s32 s4;
	_ =	sdelay $0x1  }
0xa1: {  	s23 =	simm.s32 $0x1B8B  }
0xa2: {  	_ =	swait.ge [sflag:s23], $0x1  }
0xa3: {  	[sflag:s23] =	ssyncset.done $0x0  }
0xa4: {  	s25 =	simm.s32 $0x1B8E;
	s24 =	sld [smem:$0x3FFE];
	[sflag:s23] =	ssyncadd.s32 $0xFFFFFFFF  }
0xa5: {  	s26 =	simm.s32 $execute0_lowered;
	[smem:$0x3FD2] =	sst s25  }
0xa6: {  	s5 =	sshll.u32 s26, $0x1;
	_ =	strace $0x80000046;
	[dreg:$0x1] =	wrdreg $0xFFFFFFFF  }
0xa7: {  	s28 =	simm.s32 $_size_execute0_lowered;
	s3 =	sadd.s32 s3, s5;
	[dreg:$0x0] =	wrdreg $0x0  }
0xa8: {  	s5 =	sshll.u32 s28, $0x1;
	[dreg:$0x2] =	wrdreg s3  }
0xa9: {  	[dreg:$0x3] =	wrdreg s5  }
0xaa: {  	[dreg:$0x4] =	wrdreg $0xC0  }
0xab: {  	_ =	task [dreg:s7], $0x5FFFF  }
0xac: {  	[dreg:$0x1] =	wrdreg $0xFFFFFFFF  }
0xad: {  	[dreg:$0x0] =	wrdreg $0x60  }
0xae: {  	[dreg:$0x2] =	wrdreg s2  }
0xaf: {  	[dreg:$0x3] =	wrdreg s24  }
0xb0: {  	[dreg:$0x4] =	wrdreg $0x90000  }
0xb1: {  	[dreg:$0x5] =	wrdreg $0xA  }
0xb2: {  	_ =	task.clear_ibuf [dreg:s7], $0x6FFFF;
	_ =	strace $0x90000046  }
0xb3: {  	s29 =	simm.s32 $0xA;
	_ =	strace $0x80000048  }
0xb4: {  	_ =	swait.ge [sflag:s29], $0x1  }
0xb5: {  	[sflag:s29] =	ssyncadd.s32 $0xFFFFFFFF  }
0xb6: {  	_ =	strace $0x90000048  }
0xb7: {  	_ =	sfence  }
0xb8: {  	s30 =	sld [smem:$0x0];
	_ =	sdelay $0x2  }
0xb9: {  	s31 =	sshll.u32 s1, $0xD;
	s1 =	sshrl.u32 s1, $0x2  }
0xba: {  	s3 =	sand.u32 $0x4000, s31;
	s1 =	sadd.s32 s1, s30  }
0xbb: {  	s0 =	sor.u32 s3, s0;
	s1 =	sshll.u32 s1, $0x11  }
0xbc: {  	s0 =	sor.u32 s1, s0  }
0xbd: {  	s0 =	sadd.s32 $0x8F2B, s0  }
0xbe: {  	[sflag:s0] =	ssyncadd.remote.s32 $0x1  }
0xbf: {  	_ =	sfence.sel $0xFFFF  }
0xc0: {  	[dreg:$0x0] =	wrdreg $0xFFFFFFFF;
	(pc) =	sbr.abs _section_cstart, $3  }
0xc1: {  	[dreg:$0x1] =	wrdreg $0xFFFFFFFF  }
0xc2: {  	_ =	task.clear_ibuf [dreg:s7], $0x2FFFF;
	_ =	strace $0x9FFFFFFF  }
0xc3: {  	(tm) =	ssettm $0x7FFFFFFF  }
tec
execute0_lowered:
.L_overlay_start_1:
0x0: {  	(tag) =	ssettag $0x1  }
0x1: {  	s1 =	rddreg [dreg:$0x0]  }
0x2: {  	s0 =	rddreg [dreg:$0x1]  }
0x3: {  	s2 =	rddreg [dreg:$0x2];
	s3 =	simm.s32 $0x0;
	s4 =	srdreg.scid  }
0x4: {  	s17 =	stileid.u32;
	s19 =	simm.s32 $0x5;
	s20 =	simm.s32 $0x800  }
0x5: {  	s21 =	simm.s32 $0x7D;
	s22 =	simm.s32 $0x1000;
	s28 =	simm.s32 $0x3  }
0x6: {  	s29 =	simm.s32 $0x2;
	s31 =	simm.s32 $0x4;
	[smem:$0x7FF] =	sst s3  }
0x7: {  	s4 =	sand.u32 $0x1, s4;
	s5 =	sadd.s32 $0xC400, s0;
	s9 =	smul.u32 $0x4E000, s17  }
0x8: {  	s6 =	sadd.s32 $0x2400, s0;
	s23 =	smul.u32 $0x13800, s17;
	s16 =	sadd.s32 $0x124800, s2  }
0x9: {  	p0 =	seq.s32 s17, $0xF;
	_ =	strace $0x80000047;
	s7 =	sshll.u32 s4, $0x4  }
0xa: {  	s10 =	ssub.s32 $0x2, s4;
	s4 =	smul.u32 $0x138800, s4;
	s16 =	sshrl.u32 @p0 s16, $0x3  }
0xb: {  	s8 =	sor.u32 s17, s7;
	s7 =	sadd.s32 $0x16400, s0;
	s0 =	sadd.s32 $0x18C00, s0  }
0xc: {  	s11 =	sshrl.u32 s10, $0x1;
	s9 =	sshrl.u32 s9, $0x2;
	s8 =	smul.u32 $0x2800, s8  }
0xd: {  	s13 =	ssub.s32 s10, s11;
	s25 =	sadd.s32 s23, s4;
	s4 =	sshrl.u32 s4, $0x3  }
0xe: {  	s9 =	sadd.s32 s9, s2;
	s11 =	sshrl.u32 s25, $0x3;
	s4 =	sadd.s32 s0, s4  }
0xf: {  	s13 =	smax.u32 s13, $0x1;
	s18 =	sshrl.u32 @!p0 s9, $0x3;
	s14 =	sshrl.u32 s8, $0x3  }
.Ltmp0:
0x10: {  	s0 =	sadd.s32 s0, s11;
	s12 =	sadd.s32 $0x24900, s4;
	(pc) =	sbr.rel .LBB2_1-.Ltmp0, $4  }
0x11: {  	s24 =	sadd.s32 s5, s14;
	s26 =	sadd.s32 s6, s14;
	[dreg:$0x6] =	wrdreg s0  }
0x12: {  	s30 =	sor.u32 $0x80, s14;
	s0 =	sshll.u32 @!p0 s17, $0x6;
	[dreg:$0x4] =	wrdreg s24  }
0x13: {  	[dreg:$0x5] =	wrdreg s26;
	s14 =	sadd.s32 s5, s30;
	s15 =	sadd.s32 s6, s30  }
0x14: {  	s17 =	sor.u32 @!p0 $0x1C06, s0;
	s26 =	simm.s32 $0x5000;
	s0 =	simm.s32 $0x0  }
.LBB2_6:
0x15: {  	_ =	swait.ge [sflag:s28], $0x3E80  }
0x16: {  	[sflag:s28] =	ssyncset.done $0x0  }
0x17: {  	[sflag:s28] =	ssyncadd.s32 $0xFFFFC180  }
0x18: {  	_ =	swait.ge [sflag:s29], $0x3E80  }
0x19: {  	[sflag:s29] =	ssyncset.done $0x0  }
0x1a: {  	s4 =	simm.s32 $0xF80;
	[sflag:s29] =	ssyncadd.s32 $0xFFFFC180  }
0x1b: {  	[spmem:s2] =	stream.indirect.scatter.add.f32 [tilespmem:s26], [sflag:$0x4], $0x80, s4, s21, $0xb8;
	[tilespmem:$0x1C880] =	vst v63  }
0x1c: {  	_ =	swait.ge [sflag:s31], $0x3E80  }
0x1d: {  	[sflag:s31] =	ssyncset.done $0x0  }
0x1e: {  	[sflag:s31] =	ssyncadd.s32 $0xFFFFC180  }
0x1f: {  	s4 =	simm.s32 @p0 $0x1FC6;
	[bflag:$0x0] =	sbarrier.arrive $0xFFFF  }
0x20: {  	[hbm:s12], [sflag:s4] =	dma.local @p0 [spmem:s16], $0x2800  }
0x21: {  	s4 =	simm.s32 @p0 $0x6  }
0x22: {  	_ =	swait.ge @p0 [sflag:s4], $0x2800  }
0x23: {  	s0 =	sadd.s32 $0x1, s0;
	[sflag:s4] =	ssyncset.done @p0 $0x0  }
0x24: {  	p1 =	sne.s32 s0, s13;
	[sflag:s4] =	ssyncadd.s32 @p0 $0xFFFFD800;
	s4 =	rddreg [dreg:$0x6]  }
0x25: {  	[hbm:s4], [sflag:s17] =	dma.local @!p0 [spmem:s18], $0x2700  }
.Ltmp1:
0x26: {  	_ = 	snop;
	(pc) =	sbr.rel @!p1 .LBB2_7-.Ltmp1, $4  }
0x27: {  	s4 =	simm.s32 @!p0 $0x6  }
0x28: {  	_ =	swait.ge @!p0 [sflag:s4], $0x2700  }
0x29: {  	[sflag:s4] =	ssyncset.done @!p0 $0x0  }
0x2a: {  	[sflag:s4] =	ssyncadd.s32 @!p0 $0xFFFFD900  }
.LBB2_1:
0x2b: {  	s4 =	simm.s32 @p0 $0x1FC6  }
0x2c: {  	[spmem:s16], [sflag:s4] =	dma.local @p0 [hbm:s7], $0x2800  }
0x2d: {  	s4 =	simm.s32 @p0 $0x6  }
0x2e: {  	_ =	swait.ge @p0 [sflag:s4], $0x2800  }
0x2f: {  	[sflag:s4] =	ssyncset.done @p0 $0x0  }
0x30: {  	[sflag:s4] =	ssyncadd.s32 @p0 $0xFFFFD800;
	s4 =	simm.s32 @!p0 $0x6  }
0x31: {  	[spmem:s18], [sflag:s17] =	dma.local @!p0 [hbm:s7], $0x2700  }
0x32: {  	_ =	swait.ge @!p0 [sflag:s4], $0x2700  }
0x33: {  	[sflag:s4] =	ssyncset.done @!p0 $0x0  }
0x34: {  	[sflag:s4] =	ssyncadd.s32 @!p0 $0xFFFFD900  }
0x35: {  	[bflag:$0x0] =	sbarrier.arrive $0xFFFF  }
0x36: {  	s11 =	rddreg [dreg:$0x4]  }
0x37: {  	[tilespmem:s3], [sflag:$0x5] =	stream.linear.gather [hbm4b:s11+s3], $0x400, $0x38;
	[tilespmem:$0x1C880] =	vst v63  }
0x38: {  	_ =	swait.ge [sflag:s19], $0x400  }
0x39: {  	[sflag:s19] =	ssyncset.done $0x0  }
0x3a: {  	s23 =	rddreg [dreg:$0x5];
	[sflag:s19] =	ssyncadd.s32 $0xFFFFFC00  }
0x3b: {  	[tilespmem:s20], [sflag:$0x5] =	stream.linear.gather [hbm4b:s23+s3], $0x400, $0x38;
	[tilespmem:$0x1C880] =	vst v63  }
0x3c: {  	_ =	swait.ge [sflag:s19], $0x400  }
0x3d: {  	[sflag:s19] =	ssyncset.done $0x0  }
0x3e: {  	[sflag:s19] =	ssyncadd.s32 $0xFFFFFC00  }
0x3f: {  	[tilespmem:s22], [sflag:$0x1] =	stream.indirect.gather [hbm4b:s1+s21], $0x80, s3, s21, $0xb8;
	[tilespmem:$0x1C880] =	vst v63  }
0x40: {  	s24 =	simm.s32 $0x400  }
0x41: {  	[tilespmem:s24], [sflag:$0x5] =	stream.linear.gather [hbm4b:s14+s3], $0x400, $0x38;
	[tilespmem:$0x1C880] =	vst v63  }
0x42: {  	s25 =	simm.s32 $0xC00  }
0x43: {  	[tilespmem:s25], [sflag:$0x5] =	stream.linear.gather [hbm4b:s15+s3], $0x400, $0x38;
	[tilespmem:$0x1C880] =	vst v63  }
0x44: {  	s30 =	simm.s32 $0x80  }
0x45: {  	[tilespmem:s26], [sflag:$0x2] =	stream.indirect.gather [hbm4b:s1+s21], $0x80, s30, s21, $0xb8;
	[tilespmem:$0x1C880] =	vst v63  }
.Ltmp2:
0x46: {  	s4 =	simm.s32 $0x1;
	(pc) =	sbr.rel .LBB2_2-.Ltmp2, $4  }
0x47: {  	_ =	swait.ge [sflag:s4], $0x3E80  }
0x48: {  	[sflag:s4] =	ssyncset.done $0x0  }
0x49: {  	s23 =	simm.s32 $0x100;
	[sflag:s4] =	ssyncadd.s32 $0xFFFFC180  }
0x4a: {  	[spmem:s2] =	stream.indirect.scatter.add.f32 [tilespmem:s22], [sflag:$0x3], $0x80, s20, s21, $0xb8;
	[tilespmem:$0x1C880] =	vst v63  }
.LBB2_4:
0x4b: {  	p1 =	sne.s32 s9, $0x7  }
0x4c: {  	s9 =	simm.s32 @!p1 $0x5  }
0x4d: {  	_ =	swait.ge @!p1 [sflag:s9], $0x400  }
0x4e: {  	[sflag:s9] =	ssyncset.done @!p1 $0x0  }
0x4f: {  	[sflag:s9] =	ssyncadd.s32 @!p1 $0xFFFFFC00  }
0x50: {  	_ =	swait.ge @!p1 [sflag:s9], $0x400  }
0x51: {  	[sflag:s9] =	ssyncset.done @!p1 $0x0  }
0x52: {  	[sflag:s9] =	ssyncadd.s32 @!p1 $0xFFFFFC00  }
.LBB2_5:
0x53: {  	s9 =	sshll.u32 s25, $0xE;
	s10 =	sadd.s32 $0xFFFFFF80, s23  }
0x54: {  	s11 =	sand.u32 $0x780, s23;
	s25 =	sadd.s32 $0x1, s25;
	s23 =	sadd.s32 $0x80, s23  }
0x55: {  	s30 =	sand.u32 $0x400, s30;
	s9 =	sor.u32 $0x1000, s9;
	p1 =	sne.s32 s23, $0x2800  }
0x56: {  	[tilespmem:s9], [sflag:s25] =	stream.indirect.gather [hbm4b:s1+s21], $0x80, s11, s21, $0xb8;
	[tilespmem:$0x1C880] =	vst v63  }
.Ltmp3:
0x57: {  	s9 =	sand.u32 $0x380, s10;
	s10 =	sadd.s32 $0x1, s24;
	(pc) =	sbr.rel @!p1 .LBB2_6-.Ltmp3, $4  }
0x58: {  	s4 =	sadd.s32 $0x1, s4;
	s25 =	sshll.u32 s24, $0xE;
	_ =	swait.ge [sflag:s10], $0x3E80  }
0x59: {  	s11 =	sor.u32 $0x1000, s25;
	s9 =	sor.u32 s9, s30;
	[sflag:s10] =	ssyncset.done $0x0  }
0x5a: {  	s30 =	sadd.s32 $0x3, s24;
	s9 =	sor.u32 $0x800, s9;
	[sflag:s10] =	ssyncadd.s32 $0xFFFFC180  }
0x5b: {  	[spmem:s2] =	stream.indirect.scatter.add.f32 [tilespmem:s11], [sflag:s30], $0x80, s9, s21, $0xb8;
	[tilespmem:$0x1C880] =	vst v63  }
.LBB2_2:
0x5c: {  	s9 =	sand.u32 $0x7, s4;
	p1 =	sgt.u32 s4, $0x47  }
0x5d: {  	p2 =	sne.s32 @!p1 s9, $0x0  }
0x5e: {  	s24 =	sand.u32 $0x1, s4;
	p1 =	por p1, p2  }
.Ltmp4:
0x5f: {  	s25 =	sxor.u32 $0x1, s24;
	(pc) =	sbr.rel @p1 .LBB2_4-.Ltmp4, $4  }
0x60: {  	s30 =	sadd.s32 $0x3, s25  }
0x61: {  	_ =	swait.ge [sflag:s30], $0x3E80  }
0x62: {  	s10 =	sshrl.u32 s4, $0x3;
	[sflag:s30] =	ssyncset.done $0x0  }
0x63: {  	[sflag:s30] =	ssyncadd.s32 $0xFFFFC180;
	s30 =	sshll.u32 s10, $0xA  }
0x64: {  	s9 =	sadd.s32 $0x400, s30  }
0x65: {  	s10 =	sadd.s32 s8, s9  }
.Ltmp5:
0x66: {  	s10 =	sshrl.u32 s10, $0x3;
	(pc) =	sbr.rel .LBB2_5-.Ltmp5, $4  }
0x67: {  	s9 =	sand.u32 $0x400, s9;
	s11 =	sadd.s32 s5, s10  }
0x68: {  	[tilespmem:s9], [sflag:$0x5] =	stream.linear.gather [hbm4b:s11+s3], $0x400, $0x38;
	[tilespmem:$0x1C880] =	vst v63  }
0x69: {  	s10 =	sadd.s32 s6, s10;
	s9 =	sor.u32 $0x800, s9  }
0x6a: {  	[tilespmem:s9], [sflag:$0x5] =	stream.linear.gather [hbm4b:s10+s3], $0x400, $0x38;
	[tilespmem:$0x1C880] =	vst v63  }
.LBB2_7:
0x6b: {  	_ =	sfence.sel $0x180000  }
0x6c: {  	[bflag:$0x0] =	sbarrier.arrive $0xFFFF  }
0x6d: {  	_ =	strace $0x90000047  }
0x6e: {  	s0 =	stileid.u32;
	[bflag:$0x2] =	sbarrier.arrive $0xFFFF  }
0x6f: {  	p0 =	sne.s32 s0, $0x0;
	s0 =	rddreg [dreg:$0x3]  }
0x70: {  	s0 =	sadd.s32 @!p0 $0x100000, s0  }
0x71: {  	[sflag:s0] =	ssyncadd.tile.s32 @!p0 $0x1;
	_ =	shalt  }
.Lfunc_end2:
_tile_overlayer_lowered:
.L_overlay_start_2:
0x72: {  	(tag) =	ssettag $0x2  }
0x73: {  	s0 =	rddreg [dreg:$0x0];
	s2 =	stileid.u32  }
0x74: {  	s1 =	rddreg [dreg:$0x1];
	p0 =	sne.s32 s2, $0x0  }
0x75: {  	s3 =	rddreg [dreg:$0x2];
	[bflag:$0x3] =	sbarrier.arrive $0xFFFF;
	s2 =	simm.s32 @!p0 $0x1C06  }
0x76: {  	[timem:s3], [sflag:s2] =	dma.local @!p0 [hbm:s0], s1  }
0x77: {  	s0 =	simm.s32 @!p0 $0x6  }
0x78: {  	_ =	swait.ge @!p0 [sflag:s0], s1  }
0x79: {  	s1 =	ssub.s32 @!p0 $0x0, s1;
	[sflag:s0] =	ssyncset.done @!p0 $0x0  }
0x7a: {  	[sflag:s0] =	ssyncadd.s32 @!p0 s1  }
0x7b: {  	[bflag:$0x3] =	sbarrier.arrive $0xFFFF  }
0x7c: {  	_ =	shalt  }

// kernel: kernel.13.cloned.1.call-start
scs
__scs_entry_jumppad:
0x0: {  	(pc) =	sbr.rel $0x88, $3  }
0x1: {  	(tag) =	ssettag $0x0;
	lr =	simm.s32 $0x1  }
0x2: {  	[smem:$0x3F96] =	sst lr;
	_ =	strace $0xD0000000  }
0x3: {  	_ = 	snop  }
0x4: {  	_ = 	snop  }
0x5: {  	_ = 	snop  }
0x6: {  	_ = 	snop  }
0x7: {  	_ = 	snop  }
__scs_overlays_trampoline_lowered:
0x8: {  	[smem:$0x3FA5] =	sst s0  }
0x9: {  	[smem:$0x3FA6] =	sst s1  }
0xa: {  	[smem:$0x3FA7] =	sst s2  }
0xb: {  	[smem:$0x3FA8] =	sst s3  }
0xc: {  	[smem:$0x3FA9] =	sst s4  }
0xd: {  	[smem:$0x3FAA] =	sst s5  }
0xe: {  	[smem:$0x3FAB] =	sst s6  }
0xf: {  	[smem:$0x3FAC] =	sst s7  }
0x10: {  	[smem:$0x3FAD] =	sst s8  }
0x11: {  	[smem:$0x3FAE] =	sst s9;
	s0 =	simm.s32 @!p0 $0x0  }
0x12: {  	s1 =	sld [smem:$0x3F94];
	s0 =	simm.s32 @p0 $0x1  }
0x13: {  	[smem:$0x3FAF] =	sst s0;
	s0 =	simm.s32 @!p1 $0x0  }
0x14: {  	s2 =	sld [smem:$0x3F93];
	s0 =	simm.s32 @p1 $0x1  }
0x15: {  	[smem:$0x3FB0] =	sst s0;
	s0 =	simm.s32 @!p2 $0x0  }
0x16: {  	s3 =	sld [smem:$0x3FDB];
	s0 =	simm.s32 @p2 $0x1  }
0x17: {  	s4 =	simm.s32 $0x1BF5;
	[smem:$0x3FB2] =	sst s0  }
0x18: {  	s0 =	sld [smem:$0x3F95];
	_ =	swait.ge [sflag:s4], $0x0  }
0x19: {  	s7 =	sld [smem:$0x3F96]  }
0x1a: {  	s8 =	sadd.s32 $0xFFFFE003, lr  }
0x1b: {  	s9 =	sadd.s32 $0xFFFFFEF7, lr;
	s5 =	simm.s32 $0xFFFFFFFF;
	p2 =	slt.u32 s8, $0xFFFFF086  }
0x1c: {  	p1 =	slt.u32 s9, $0xF7A;
	s5 =	simm.s32 @!p2 $0x0  }
0x1d: {  	s5 =	simm.s32 @p1 $0x1;
	p0 =	seq.s32 s7, s2  }
0x1e: {  	s7 =	smul.u32 @!p0 $0xF7A, s2;
	p2 =	seq.s32 @!p0 s5, $0x0  }
0x1f: {  	s9 =	smul.u32 $0xF7A, s1;
	s8 =	simm.s32 @!p0 $0x1BF5;
	p2 =	por !p2, p0  }
0x20: {  	[sflag:s8] =	ssyncset.s32 @!p0 $0xFFFFF086;
	s6 =	sadd.s32 @!p0 s3, s7;
	s7 =	simm.s32 @!p0 $0x108  }
0x21: {  	s3 =	sadd.s32 s3, s9;
	s6 =	sadd.s32 @!p0 $0x88, s6;
	s7 =	simm.s32 @p2 $0x1082  }
0x22: {  	[simem:s7], [sflag:s8] =	dma.local @!p0 [hbm:s6], $0xF7A  }
0x23: {  	s9 =	sor.u32 $0xD0000000, s2;
	s6 =	simm.s32 $0x108;
	_ =	swait.ge @!p0 [sflag:s8], $0x0  }
0x24: {  	s3 =	sadd.s32 $0x88, s3;
	s6 =	simm.s32 @!p1 $0x1082;
	[sflag:s4] =	ssyncset.s32 $0xFFFFF086  }
0x25: {  	[simem:s6], [sflag:s4] =	dma.local [hbm:s3], $0xF7A  }
0x26: {  	[smem:$0x3F96] =	sst s1;
	(tag) =	ssettag s2;
	_ =	strace s9  }
0x27: {  	s1 =	sld [smem:$0x3FA6]  }
0x28: {  	s2 =	sld [smem:$0x3FA7]  }
0x29: {  	s4 =	sld [smem:$0x3FA9]  }
0x2a: {  	p0 =	seq.s32 s5, $0x0;
	s5 =	sld [smem:$0x3FAA]  }
0x2b: {  	s6 =	sld [smem:$0x3FAB]  }
0x2c: {  	s7 =	sld [smem:$0x3FAC]  }
0x2d: {  	s3 =	simm.s32 $0x108;
	s8 =	sld [smem:$0x3FAD]  }
0x2e: {  	s3 =	simm.s32 @!p0 $0x1082;
	s9 =	sld [smem:$0x3FAE]  }
0x2f: {  	lr =	sadd.s32 s0, s3;
	s0 =	sld [smem:$0x3FA5]  }
0x30: {  	s3 =	sld [smem:$0x3FA8]  }
0x31: {  	[smem:$0x3FB1] =	sst s10  }
0x32: {  	s10 =	sld [smem:$0x3FAF];
	_ =	sdelay $0x3  }
0x33: {  	p0 =	seq.s32 s10, $0x1;
	s10 =	sld [smem:$0x3FB1];
	_ =	sdelay $0x3  }
0x34: {  	[smem:$0x3FB1] =	sst s10  }
0x35: {  	s10 =	sld [smem:$0x3FB0];
	_ =	sdelay $0x3  }
0x36: {  	p1 =	seq.s32 s10, $0x1;
	s10 =	sld [smem:$0x3FB1];
	_ =	sdelay $0x3  }
0x37: {  	[smem:$0x3FB1] =	sst s10  }
0x38: {  	s10 =	sld [smem:$0x3FB2]  }
0x39: {  	_ = 	snop;
	(pc) =	sbr.ind lr, $3  }
0x3a: {  	_ = 	snop  }
0x3b: {  	_ = 	snop  }
0x3c: {  	p2 =	seq.s32 s10, $0x1;
	s10 =	sld [smem:$0x3FB1]  }
0x3d: {  	_ =	shalt  }
0x3e: {  	_ =	shalt  }
0x3f: {  	_ =	shalt  }
0x40: {  	_ =	shalt  }
0x41: {  	_ =	shalt  }
0x42: {  	_ =	shalt  }
0x43: {  	_ =	shalt  }
0x44: {  	_ =	shalt  }
0x45: {  	_ =	shalt  }
0x46: {  	_ =	shalt  }
0x47: {  	_ =	shalt  }
0x48: {  	_ =	shalt  }
0x49: {  	_ =	shalt  }
0x4a: {  	_ =	shalt  }
0x4b: {  	_ =	shalt  }
0x4c: {  	_ =	shalt  }
0x4d: {  	_ =	shalt  }
0x4e: {  	_ =	shalt  }
0x4f: {  	_ =	shalt  }
0x50: {  	_ =	shalt  }
0x51: {  	_ =	shalt  }
0x52: {  	_ =	shalt  }
0x53: {  	_ =	shalt  }
0x54: {  	_ =	shalt  }
0x55: {  	_ =	shalt  }
0x56: {  	_ =	shalt  }
0x57: {  	_ =	shalt  }
0x58: {  	_ =	shalt  }
0x59: {  	_ =	shalt  }
0x5a: {  	_ =	shalt  }
0x5b: {  	_ =	shalt  }
0x5c: {  	_ =	shalt  }
0x5d: {  	_ =	shalt  }
0x5e: {  	_ =	shalt  }
0x5f: {  	_ =	shalt  }
0x60: {  	_ =	shalt  }
0x61: {  	_ =	shalt  }
0x62: {  	_ =	shalt  }
0x63: {  	_ =	shalt  }
0x64: {  	_ =	shalt  }
0x65: {  	_ =	shalt  }
0x66: {  	_ =	shalt  }
0x67: {  	_ =	shalt  }
0x68: {  	_ =	shalt  }
0x69: {  	_ =	shalt  }
0x6a: {  	_ =	shalt  }
0x6b: {  	_ =	shalt  }
0x6c: {  	_ =	shalt  }
0x6d: {  	_ =	shalt  }
0x6e: {  	_ =	shalt  }
0x6f: {  	_ =	shalt  }
0x70: {  	_ =	shalt  }
0x71: {  	_ =	shalt  }
0x72: {  	_ =	shalt  }
0x73: {  	_ =	shalt  }
0x74: {  	_ =	shalt  }
0x75: {  	_ =	shalt  }
0x76: {  	_ =	shalt  }
0x77: {  	_ =	shalt  }
0x78: {  	_ =	shalt  }
0x79: {  	_ =	shalt  }
0x7a: {  	_ =	shalt  }
0x7b: {  	_ =	shalt  }
0x7c: {  	_ =	shalt  }
0x7d: {  	_ =	shalt  }
0x7e: {  	_ =	shalt  }
0x7f: {  	_ =	shalt  }
0x80: {  	_ =	shalt  }
0x81: {  	_ =	shalt  }
0x82: {  	_ =	shalt  }
0x83: {  	_ =	shalt  }
0x84: {  	_ =	shalt  }
0x85: {  	_ =	shalt  }
0x86: {  	_ =	shalt  }
0x87: {  	_ =	shalt  }
.Lfunc_end0:
.L_simem_size_0:
called_computation.2_lowered:
.L_overlay_start_0:
0x88: {  	s2 =	sld [smem:$0x3FD9]  }
0x89: {  	s3 =	sld [smem:$0x3FFE];
	_ =	sdelay $0x1  }
0x8a: {  	s1 =	srdreg.scid  }
0x8b: {  	s0 =	sand.u32 $0x1, s1  }
0x8c: {  	s16 =	sshll.u32 s0, $0xA;
	s2 =	sadd.s32 s3, s2  }
0x8d: {  	s2 =	sadd.s32 s2, s16  }
0x8e: {  	[smem:$0x3FBD] =	sst s2  }
0x8f: {  	_ = 	snop  }
0x90: {  	(tm) =	ssettm $0x1  }
0x91: {  	s17 =	sld [smem:$0x3FFB];
	_ =	sdelay $0x3  }
0x92: {  	_ =	strace s17  }
0x93: {  	s2 =	sld [smem:$0x3FFC];
	_ =	sdelay $0x3  }
0x94: {  	_ =	strace s2  }
0x95: {  	s2 =	sld [smem:$0x3FFD];
	_ =	sdelay $0x3  }
0x96: {  	_ =	strace s2  }
0x97: {  	_ =	strace $0x8FFFFFFF  }
0x98: {  	s18 =	sld [smem:$0x3FDB];
	_ =	sdelay $0x1  }
0x99: {  	s19 =	simm.s32 $_scs_section_size  }
0x9a: {  	s4 =	simm.s32 $_size__tile_overlayer_lowered;
	s5 =	simm.s32 $_tile_overlayer_lowered  }
0x9b: {  	s22 =	simm.s32 $0x1BFF;
	s21 =	sshll.u32 s5, $0x1;
	s2 =	sadd.s32 s19, s18  }
0x9c: {  	s6 =	simm.s32 $0x0;
	s20 =	sshll.u32 s4, $0x1;
	s4 =	sadd.s32 s21, s2  }
0x9d: {  	[timem:s6], [sflag:s22] =	dma.local [hbm:s4], s20  }
0x9e: {  	_ =	swait.ge [sflag:s22], s20  }
0x9f: {  	s3 =	ssub.s32 $0x0, s20;
	[sflag:s22] =	ssyncset.done $0x0  }
0xa0: {  	[sflag:s22] =	ssyncadd.s32 s3;
	_ =	sdelay $0x1  }
0xa1: {  	s23 =	simm.s32 $0x1B8B  }
0xa2: {  	_ =	swait.ge [sflag:s23], $0x1  }
0xa3: {  	[sflag:s23] =	ssyncset.done $0x0  }
0xa4: {  	s25 =	simm.s32 $0x1B8E;
	s24 =	sld [smem:$0x3FFE];
	[sflag:s23] =	ssyncadd.s32 $0xFFFFFFFF  }
0xa5: {  	s26 =	simm.s32 $execute0_lowered;
	[smem:$0x3FD2] =	sst s25  }
0xa6: {  	s4 =	sshll.u32 s26, $0x1;
	_ =	strace $0x8000004C;
	[dreg:$0x1] =	wrdreg $0xFFFFFFFF  }
0xa7: {  	s28 =	simm.s32 $_size_execute0_lowered;
	s2 =	sadd.s32 s2, s4;
	[dreg:$0x0] =	wrdreg $0x0  }
0xa8: {  	s4 =	sshll.u32 s28, $0x1;
	[dreg:$0x2] =	wrdreg s2  }
0xa9: {  	[dreg:$0x3] =	wrdreg s4  }
0xaa: {  	[dreg:$0x4] =	wrdreg $0xC0  }
0xab: {  	_ =	task [dreg:s6], $0x5FFFF  }
0xac: {  	[dreg:$0x1] =	wrdreg $0xFFFFFFFF  }
0xad: {  	[dreg:$0x0] =	wrdreg $0x60  }
0xae: {  	[dreg:$0x2] =	wrdreg s24  }
0xaf: {  	[dreg:$0x3] =	wrdreg $0x90000  }
0xb0: {  	[dreg:$0x4] =	wrdreg $0x9  }
0xb1: {  	_ =	task.clear_ibuf [dreg:s6], $0x5FFFF;
	_ =	strace $0x9000004C  }
0xb2: {  	s29 =	simm.s32 $0x9;
	_ =	strace $0x8000004E  }
0xb3: {  	_ =	swait.ge [sflag:s29], $0x1  }
0xb4: {  	[sflag:s29] =	ssyncadd.s32 $0xFFFFFFFF  }
0xb5: {  	_ =	strace $0x9000004E  }
0xb6: {  	_ =	sfence  }
0xb7: {  	s30 =	sld [smem:$0x0];
	_ =	sdelay $0x2  }
0xb8: {  	s31 =	sshll.u32 s1, $0xD;
	s1 =	sshrl.u32 s1, $0x2  }
0xb9: {  	s3 =	sand.u32 $0x4000, s31;
	s1 =	sadd.s32 s1, s30  }
0xba: {  	s0 =	sor.u32 s3, s0;
	s1 =	sshll.u32 s1, $0x11  }
0xbb: {  	s0 =	sor.u32 s1, s0  }
0xbc: {  	s0 =	sadd.s32 $0x8F2B, s0  }
0xbd: {  	[sflag:s0] =	ssyncadd.remote.s32 $0x1  }
0xbe: {  	_ =	sfence.sel $0xFFFF  }
0xbf: {  	[dreg:$0x0] =	wrdreg $0xFFFFFFFF;
	(pc) =	sbr.abs _section_cstart, $3  }
0xc0: {  	[dreg:$0x1] =	wrdreg $0xFFFFFFFF  }
0xc1: {  	_ =	task.clear_ibuf [dreg:s6], $0x2FFFF;
	_ =	strace $0x9FFFFFFF  }
0xc2: {  	(tm) =	ssettm $0x7FFFFFFF  }
0xc3: {  	_ =	shalt  }
tec
execute0_lowered:
.L_overlay_start_1:
0x0: {  	(tag) =	ssettag $0x1  }
0x1: {  	s0 =	rddreg [dreg:$0x0]  }
0x2: {  	s1 =	rddreg [dreg:$0x1]  }
0x3: {  	s2 =	simm.s32 $0x0;
	s3 =	srdreg.scid;
	s17 =	stileid.u32  }
0x4: {  	s19 =	simm.s32 $0x5;
	s20 =	simm.s32 $0x800;
	s21 =	simm.s32 $0x7D  }
0x5: {  	s22 =	simm.s32 $0x1000;
	s28 =	simm.s32 $0x3;
	s29 =	simm.s32 $0x2  }
0x6: {  	s31 =	simm.s32 $0x4;
	[smem:$0x7FF] =	sst s2;
	s4 =	sadd.s32 $0x18C00, s0  }
0x7: {  	s3 =	sand.u32 $0x1, s3;
	s5 =	sadd.s32 $0xC400, s0;
	s9 =	smul.u32 $0x4E000, s17  }
0x8: {  	s6 =	sadd.s32 $0x2400, s0;
	s23 =	smul.u32 $0x13800, s17;
	s16 =	sadd.s32 $0x124800, s1  }
0x9: {  	p0 =	seq.s32 s17, $0xF;
	_ =	strace $0x8000004D;
	s7 =	sshll.u32 s3, $0x4  }
0xa: {  	s10 =	ssub.s32 $0x2, s3;
	s3 =	smul.u32 $0x138800, s3;
	s16 =	sshrl.u32 @p0 s16, $0x3  }
0xb: {  	s8 =	sor.u32 s17, s7;
	s7 =	sadd.s32 $0x16400, s0;
	s0 =	sadd.s32 $0xB5800, s0  }
0xc: {  	s11 =	sshrl.u32 s10, $0x1;
	s9 =	sshrl.u32 s9, $0x2;
	s8 =	smul.u32 $0x2800, s8  }
0xd: {  	s13 =	ssub.s32 s10, s11;
	s25 =	sadd.s32 s23, s3;
	s3 =	sshrl.u32 s3, $0x3  }
0xe: {  	s9 =	sadd.s32 s9, s1;
	s11 =	sshrl.u32 s25, $0x3;
	s3 =	sadd.s32 s0, s3  }
0xf: {  	s13 =	smax.u32 s13, $0x1;
	s18 =	sshrl.u32 @!p0 s9, $0x3;
	s14 =	sshrl.u32 s8, $0x3  }
.Ltmp0:
0x10: {  	s0 =	sadd.s32 s0, s11;
	s12 =	sadd.s32 $0x24900, s3;
	(pc) =	sbr.rel .LBB2_1-.Ltmp0, $4  }
0x11: {  	s24 =	sadd.s32 s5, s14;
	s26 =	sadd.s32 s6, s14;
	[dreg:$0x5] =	wrdreg s0  }
0x12: {  	s30 =	sor.u32 $0x80, s14;
	s0 =	sshll.u32 @!p0 s17, $0x6;
	[dreg:$0x3] =	wrdreg s24  }
0x13: {  	[dreg:$0x4] =	wrdreg s26;
	s14 =	sadd.s32 s5, s30;
	s15 =	sadd.s32 s6, s30  }
0x14: {  	s17 =	sor.u32 @!p0 $0x1C06, s0;
	s26 =	simm.s32 $0x5000;
	s0 =	simm.s32 $0x0  }
.LBB2_6:
0x15: {  	_ =	swait.ge [sflag:s28], $0x3E80  }
0x16: {  	[sflag:s28] =	ssyncset.done $0x0  }
0x17: {  	[sflag:s28] =	ssyncadd.s32 $0xFFFFC180  }
0x18: {  	_ =	swait.ge [sflag:s29], $0x3E80  }
0x19: {  	[sflag:s29] =	ssyncset.done $0x0  }
0x1a: {  	s3 =	simm.s32 $0xF80;
	[sflag:s29] =	ssyncadd.s32 $0xFFFFC180  }
0x1b: {  	[spmem:s1] =	stream.indirect.scatter.add.f32 [tilespmem:s26], [sflag:$0x4], $0x80, s3, s21, $0xb8;
	[tilespmem:$0x1C880] =	vst v63  }
0x1c: {  	_ =	swait.ge [sflag:s31], $0x3E80  }
0x1d: {  	[sflag:s31] =	ssyncset.done $0x0  }
0x1e: {  	[sflag:s31] =	ssyncadd.s32 $0xFFFFC180  }
0x1f: {  	s3 =	simm.s32 @p0 $0x1FC6;
	[bflag:$0x0] =	sbarrier.arrive $0xFFFF  }
0x20: {  	[hbm:s12], [sflag:s3] =	dma.local @p0 [spmem:s16], $0x2800  }
0x21: {  	s3 =	simm.s32 @p0 $0x6  }
0x22: {  	_ =	swait.ge @p0 [sflag:s3], $0x2800  }
0x23: {  	s0 =	sadd.s32 $0x1, s0;
	[sflag:s3] =	ssyncset.done @p0 $0x0  }
0x24: {  	p1 =	sne.s32 s0, s13;
	[sflag:s3] =	ssyncadd.s32 @p0 $0xFFFFD800;
	s3 =	rddreg [dreg:$0x5]  }
0x25: {  	[hbm:s3], [sflag:s17] =	dma.local @!p0 [spmem:s18], $0x2700  }
.Ltmp1:
0x26: {  	_ = 	snop;
	(pc) =	sbr.rel @!p1 .LBB2_7-.Ltmp1, $4  }
0x27: {  	s3 =	simm.s32 @!p0 $0x6  }
0x28: {  	_ =	swait.ge @!p0 [sflag:s3], $0x2700  }
0x29: {  	[sflag:s3] =	ssyncset.done @!p0 $0x0  }
0x2a: {  	[sflag:s3] =	ssyncadd.s32 @!p0 $0xFFFFD900  }
.LBB2_1:
0x2b: {  	s3 =	simm.s32 @p0 $0x1FC6  }
0x2c: {  	[spmem:s16], [sflag:s3] =	dma.local @p0 [hbm:s7], $0x2800  }
0x2d: {  	s3 =	simm.s32 @p0 $0x6  }
0x2e: {  	_ =	swait.ge @p0 [sflag:s3], $0x2800  }
0x2f: {  	[sflag:s3] =	ssyncset.done @p0 $0x0  }
0x30: {  	[sflag:s3] =	ssyncadd.s32 @p0 $0xFFFFD800;
	s3 =	simm.s32 @!p0 $0x6  }
0x31: {  	[spmem:s18], [sflag:s17] =	dma.local @!p0 [hbm:s7], $0x2700  }
0x32: {  	_ =	swait.ge @!p0 [sflag:s3], $0x2700  }
0x33: {  	[sflag:s3] =	ssyncset.done @!p0 $0x0  }
0x34: {  	[sflag:s3] =	ssyncadd.s32 @!p0 $0xFFFFD900  }
0x35: {  	[bflag:$0x0] =	sbarrier.arrive $0xFFFF  }
0x36: {  	s11 =	rddreg [dreg:$0x3]  }
0x37: {  	[tilespmem:s2], [sflag:$0x5] =	stream.linear.gather [hbm4b:s11+s2], $0x400, $0x38;
	[tilespmem:$0x1C880] =	vst v63  }
0x38: {  	_ =	swait.ge [sflag:s19], $0x400  }
0x39: {  	[sflag:s19] =	ssyncset.done $0x0  }
0x3a: {  	s23 =	rddreg [dreg:$0x4];
	[sflag:s19] =	ssyncadd.s32 $0xFFFFFC00  }
0x3b: {  	[tilespmem:s20], [sflag:$0x5] =	stream.linear.gather [hbm4b:s23+s2], $0x400, $0x38;
	[tilespmem:$0x1C880] =	vst v63  }
0x3c: {  	_ =	swait.ge [sflag:s19], $0x400  }
0x3d: {  	[sflag:s19] =	ssyncset.done $0x0  }
0x3e: {  	[sflag:s19] =	ssyncadd.s32 $0xFFFFFC00  }
0x3f: {  	[tilespmem:s22], [sflag:$0x1] =	stream.indirect.gather [hbm4b:s4+s21], $0x80, s2, s21, $0xb8;
	[tilespmem:$0x1C880] =	vst v63  }
0x40: {  	s24 =	simm.s32 $0x400  }
0x41: {  	[tilespmem:s24], [sflag:$0x5] =	stream.linear.gather [hbm4b:s14+s2], $0x400, $0x38;
	[tilespmem:$0x1C880] =	vst v63  }
0x42: {  	s25 =	simm.s32 $0xC00  }
0x43: {  	[tilespmem:s25], [sflag:$0x5] =	stream.linear.gather [hbm4b:s15+s2], $0x400, $0x38;
	[tilespmem:$0x1C880] =	vst v63  }
0x44: {  	s30 =	simm.s32 $0x80  }
0x45: {  	[tilespmem:s26], [sflag:$0x2] =	stream.indirect.gather [hbm4b:s4+s21], $0x80, s30, s21, $0xb8;
	[tilespmem:$0x1C880] =	vst v63  }
.Ltmp2:
0x46: {  	s3 =	simm.s32 $0x1;
	(pc) =	sbr.rel .LBB2_2-.Ltmp2, $4  }
0x47: {  	_ =	swait.ge [sflag:s3], $0x3E80  }
0x48: {  	[sflag:s3] =	ssyncset.done $0x0  }
0x49: {  	s23 =	simm.s32 $0x100;
	[sflag:s3] =	ssyncadd.s32 $0xFFFFC180  }
0x4a: {  	[spmem:s1] =	stream.indirect.scatter.add.f32 [tilespmem:s22], [sflag:$0x3], $0x80, s20, s21, $0xb8;
	[tilespmem:$0x1C880] =	vst v63  }
.LBB2_4:
0x4b: {  	p1 =	sne.s32 s9, $0x7  }
0x4c: {  	s9 =	simm.s32 @!p1 $0x5  }
0x4d: {  	_ =	swait.ge @!p1 [sflag:s9], $0x400  }
0x4e: {  	[sflag:s9] =	ssyncset.done @!p1 $0x0  }
0x4f: {  	[sflag:s9] =	ssyncadd.s32 @!p1 $0xFFFFFC00  }
0x50: {  	_ =	swait.ge @!p1 [sflag:s9], $0x400  }
0x51: {  	[sflag:s9] =	ssyncset.done @!p1 $0x0  }
0x52: {  	[sflag:s9] =	ssyncadd.s32 @!p1 $0xFFFFFC00  }
.LBB2_5:
0x53: {  	s9 =	sshll.u32 s25, $0xE;
	s10 =	sadd.s32 $0xFFFFFF80, s23  }
0x54: {  	s11 =	sand.u32 $0x780, s23;
	s25 =	sadd.s32 $0x1, s25;
	s23 =	sadd.s32 $0x80, s23  }
0x55: {  	s30 =	sand.u32 $0x400, s30;
	s9 =	sor.u32 $0x1000, s9;
	p1 =	sne.s32 s23, $0x2800  }
0x56: {  	[tilespmem:s9], [sflag:s25] =	stream.indirect.gather [hbm4b:s4+s21], $0x80, s11, s21, $0xb8;
	[tilespmem:$0x1C880] =	vst v63  }
.Ltmp3:
0x57: {  	s9 =	sand.u32 $0x380, s10;
	s10 =	sadd.s32 $0x1, s24;
	(pc) =	sbr.rel @!p1 .LBB2_6-.Ltmp3, $4  }
0x58: {  	s3 =	sadd.s32 $0x1, s3;
	s25 =	sshll.u32 s24, $0xE;
	_ =	swait.ge [sflag:s10], $0x3E80  }
0x59: {  	s11 =	sor.u32 $0x1000, s25;
	s9 =	sor.u32 s9, s30;
	[sflag:s10] =	ssyncset.done $0x0  }
0x5a: {  	s30 =	sadd.s32 $0x3, s24;
	s9 =	sor.u32 $0x800, s9;
	[sflag:s10] =	ssyncadd.s32 $0xFFFFC180  }
0x5b: {  	[spmem:s1] =	stream.indirect.scatter.add.f32 [tilespmem:s11], [sflag:s30], $0x80, s9, s21, $0xb8;
	[tilespmem:$0x1C880] =	vst v63  }
.LBB2_2:
0x5c: {  	s9 =	sand.u32 $0x7, s3;
	p1 =	sgt.u32 s3, $0x47  }
0x5d: {  	p2 =	sne.s32 @!p1 s9, $0x0  }
0x5e: {  	s24 =	sand.u32 $0x1, s3;
	p1 =	por p1, p2  }
.Ltmp4:
0x5f: {  	s25 =	sxor.u32 $0x1, s24;
	(pc) =	sbr.rel @p1 .LBB2_4-.Ltmp4, $4  }
0x60: {  	s30 =	sadd.s32 $0x3, s25  }
0x61: {  	_ =	swait.ge [sflag:s30], $0x3E80  }
0x62: {  	s10 =	sshrl.u32 s3, $0x3;
	[sflag:s30] =	ssyncset.done $0x0  }
0x63: {  	[sflag:s30] =	ssyncadd.s32 $0xFFFFC180;
	s30 =	sshll.u32 s10, $0xA  }
0x64: {  	s9 =	sadd.s32 $0x400, s30  }
0x65: {  	s10 =	sadd.s32 s8, s9  }
.Ltmp5:
0x66: {  	s10 =	sshrl.u32 s10, $0x3;
	(pc) =	sbr.rel .LBB2_5-.Ltmp5, $4  }
0x67: {  	s9 =	sand.u32 $0x400, s9;
	s11 =	sadd.s32 s5, s10  }
0x68: {  	[tilespmem:s9], [sflag:$0x5] =	stream.linear.gather [hbm4b:s11+s2], $0x400, $0x38;
	[tilespmem:$0x1C880] =	vst v63  }
0x69: {  	s10 =	sadd.s32 s6, s10;
	s9 =	sor.u32 $0x800, s9  }
0x6a: {  	[tilespmem:s9], [sflag:$0x5] =	stream.linear.gather [hbm4b:s10+s2], $0x400, $0x38;
	[tilespmem:$0x1C880] =	vst v63  }
.LBB2_7:
0x6b: {  	_ =	sfence.sel $0x180000  }
0x6c: {  	[bflag:$0x0] =	sbarrier.arrive $0xFFFF  }
0x6d: {  	_ =	strace $0x9000004D  }
0x6e: {  	s0 =	stileid.u32;
	[bflag:$0x2] =	sbarrier.arrive $0xFFFF  }
0x6f: {  	p0 =	sne.s32 s0, $0x0;
	s0 =	rddreg [dreg:$0x2]  }
0x70: {  	s0 =	sadd.s32 @!p0 $0x100000, s0  }
0x71: {  	[sflag:s0] =	ssyncadd.tile.s32 @!p0 $0x1;
	_ =	shalt  }
.Lfunc_end2:
_tile_overlayer_lowered:
.L_overlay_start_2:
0x72: {  	(tag) =	ssettag $0x2  }
0x73: {  	s0 =	rddreg [dreg:$0x0];
	s2 =	stileid.u32  }
0x74: {  	s1 =	rddreg [dreg:$0x1];
	p0 =	sne.s32 s2, $0x0  }
0x75: {  	s3 =	rddreg [dreg:$0x2];
	[bflag:$0x3] =	sbarrier.arrive $0xFFFF;
	s2 =	simm.s32 @!p0 $0x1C06  }
0x76: {  	[timem:s3], [sflag:s2] =	dma.local @!p0 [hbm:s0], s1  }
0x77: {  	s0 =	simm.s32 @!p0 $0x6  }
0x78: {  	_ =	swait.ge @!p0 [sflag:s0], s1  }
0x79: {  	s1 =	ssub.s32 @!p0 $0x0, s1;
	[sflag:s0] =	ssyncset.done @!p0 $0x0  }
0x7a: {  	[sflag:s0] =	ssyncadd.s32 @!p0 s1  }
0x7b: {  	[bflag:$0x3] =	sbarrier.arrive $0xFFFF  }
0x7c: {  	_ =	shalt  }

// kernel: kernel.7.cloned.1.call-start
scs
__scs_entry_jumppad:
0x0: {  	(pc) =	sbr.rel $0x88, $3  }
0x1: {  	(tag) =	ssettag $0x0;
	lr =	simm.s32 $0x1  }
0x2: {  	[smem:$0x3F96] =	sst lr;
	_ =	strace $0xD0000000  }
0x3: {  	_ = 	snop  }
0x4: {  	_ = 	snop  }
0x5: {  	_ = 	snop  }
0x6: {  	_ = 	snop  }
0x7: {  	_ = 	snop  }
__scs_overlays_trampoline_lowered:
0x8: {  	[smem:$0x3FA5] =	sst s0  }
0x9: {  	[smem:$0x3FA6] =	sst s1  }
0xa: {  	[smem:$0x3FA7] =	sst s2  }
0xb: {  	[smem:$0x3FA8] =	sst s3  }
0xc: {  	[smem:$0x3FA9] =	sst s4  }
0xd: {  	[smem:$0x3FAA] =	sst s5  }
0xe: {  	[smem:$0x3FAB] =	sst s6  }
0xf: {  	[smem:$0x3FAC] =	sst s7  }
0x10: {  	[smem:$0x3FAD] =	sst s8  }
0x11: {  	[smem:$0x3FAE] =	sst s9;
	s0 =	simm.s32 @!p0 $0x0  }
0x12: {  	s1 =	sld [smem:$0x3F94];
	s0 =	simm.s32 @p0 $0x1  }
0x13: {  	[smem:$0x3FAF] =	sst s0;
	s0 =	simm.s32 @!p1 $0x0  }
0x14: {  	s2 =	sld [smem:$0x3F93];
	s0 =	simm.s32 @p1 $0x1  }
0x15: {  	[smem:$0x3FB0] =	sst s0;
	s0 =	simm.s32 @!p2 $0x0  }
0x16: {  	s3 =	sld [smem:$0x3FDB];
	s0 =	simm.s32 @p2 $0x1  }
0x17: {  	s4 =	simm.s32 $0x1BF5;
	[smem:$0x3FB2] =	sst s0  }
0x18: {  	s0 =	sld [smem:$0x3F95];
	_ =	swait.ge [sflag:s4], $0x0  }
0x19: {  	s7 =	sld [smem:$0x3F96]  }
0x1a: {  	s8 =	sadd.s32 $0xFFFFE003, lr  }
0x1b: {  	s9 =	sadd.s32 $0xFFFFFEF7, lr;
	s5 =	simm.s32 $0xFFFFFFFF;
	p2 =	slt.u32 s8, $0xFFFFF086  }
0x1c: {  	p1 =	slt.u32 s9, $0xF7A;
	s5 =	simm.s32 @!p2 $0x0  }
0x1d: {  	s5 =	simm.s32 @p1 $0x1;
	p0 =	seq.s32 s7, s2  }
0x1e: {  	s7 =	smul.u32 @!p0 $0xF7A, s2;
	p2 =	seq.s32 @!p0 s5, $0x0  }
0x1f: {  	s9 =	smul.u32 $0xF7A, s1;
	s8 =	simm.s32 @!p0 $0x1BF5;
	p2 =	por !p2, p0  }
0x20: {  	[sflag:s8] =	ssyncset.s32 @!p0 $0xFFFFF086;
	s6 =	sadd.s32 @!p0 s3, s7;
	s7 =	simm.s32 @!p0 $0x108  }
0x21: {  	s3 =	sadd.s32 s3, s9;
	s6 =	sadd.s32 @!p0 $0x88, s6;
	s7 =	simm.s32 @p2 $0x1082  }
0x22: {  	[simem:s7], [sflag:s8] =	dma.local @!p0 [hbm:s6], $0xF7A  }
0x23: {  	s9 =	sor.u32 $0xD0000000, s2;
	s6 =	simm.s32 $0x108;
	_ =	swait.ge @!p0 [sflag:s8], $0x0  }
0x24: {  	s3 =	sadd.s32 $0x88, s3;
	s6 =	simm.s32 @!p1 $0x1082;
	[sflag:s4] =	ssyncset.s32 $0xFFFFF086  }
0x25: {  	[simem:s6], [sflag:s4] =	dma.local [hbm:s3], $0xF7A  }
0x26: {  	[smem:$0x3F96] =	sst s1;
	(tag) =	ssettag s2;
	_ =	strace s9  }
0x27: {  	s1 =	sld [smem:$0x3FA6]  }
0x28: {  	s2 =	sld [smem:$0x3FA7]  }
0x29: {  	s4 =	sld [smem:$0x3FA9]  }
0x2a: {  	p0 =	seq.s32 s5, $0x0;
	s5 =	sld [smem:$0x3FAA]  }
0x2b: {  	s6 =	sld [smem:$0x3FAB]  }
0x2c: {  	s7 =	sld [smem:$0x3FAC]  }
0x2d: {  	s3 =	simm.s32 $0x108;
	s8 =	sld [smem:$0x3FAD]  }
0x2e: {  	s3 =	simm.s32 @!p0 $0x1082;
	s9 =	sld [smem:$0x3FAE]  }
0x2f: {  	lr =	sadd.s32 s0, s3;
	s0 =	sld [smem:$0x3FA5]  }
0x30: {  	s3 =	sld [smem:$0x3FA8]  }
0x31: {  	[smem:$0x3FB1] =	sst s10  }
0x32: {  	s10 =	sld [smem:$0x3FAF];
	_ =	sdelay $0x3  }
0x33: {  	p0 =	seq.s32 s10, $0x1;
	s10 =	sld [smem:$0x3FB1];
	_ =	sdelay $0x3  }
0x34: {  	[smem:$0x3FB1] =	sst s10  }
0x35: {  	s10 =	sld [smem:$0x3FB0];
	_ =	sdelay $0x3  }
0x36: {  	p1 =	seq.s32 s10, $0x1;
	s10 =	sld [smem:$0x3FB1];
	_ =	sdelay $0x3  }
0x37: {  	[smem:$0x3FB1] =	sst s10  }
0x38: {  	s10 =	sld [smem:$0x3FB2]  }
0x39: {  	_ = 	snop;
	(pc) =	sbr.ind lr, $3  }
0x3a: {  	_ = 	snop  }
0x3b: {  	_ = 	snop  }
0x3c: {  	p2 =	seq.s32 s10, $0x1;
	s10 =	sld [smem:$0x3FB1]  }
0x3d: {  	_ =	shalt  }
0x3e: {  	_ =	shalt  }
0x3f: {  	_ =	shalt  }
0x40: {  	_ =	shalt  }
0x41: {  	_ =	shalt  }
0x42: {  	_ =	shalt  }
0x43: {  	_ =	shalt  }
0x44: {  	_ =	shalt  }
0x45: {  	_ =	shalt  }
0x46: {  	_ =	shalt  }
0x47: {  	_ =	shalt  }
0x48: {  	_ =	shalt  }
0x49: {  	_ =	shalt  }
0x4a: {  	_ =	shalt  }
0x4b: {  	_ =	shalt  }
0x4c: {  	_ =	shalt  }
0x4d: {  	_ =	shalt  }
0x4e: {  	_ =	shalt  }
0x4f: {  	_ =	shalt  }
0x50: {  	_ =	shalt  }
0x51: {  	_ =	shalt  }
0x52: {  	_ =	shalt  }
0x53: {  	_ =	shalt  }
0x54: {  	_ =	shalt  }
0x55: {  	_ =	shalt  }
0x56: {  	_ =	shalt  }
0x57: {  	_ =	shalt  }
0x58: {  	_ =	shalt  }
0x59: {  	_ =	shalt  }
0x5a: {  	_ =	shalt  }
0x5b: {  	_ =	shalt  }
0x5c: {  	_ =	shalt  }
0x5d: {  	_ =	shalt  }
0x5e: {  	_ =	shalt  }
0x5f: {  	_ =	shalt  }
0x60: {  	_ =	shalt  }
0x61: {  	_ =	shalt  }
0x62: {  	_ =	shalt  }
0x63: {  	_ =	shalt  }
0x64: {  	_ =	shalt  }
0x65: {  	_ =	shalt  }
0x66: {  	_ =	shalt  }
0x67: {  	_ =	shalt  }
0x68: {  	_ =	shalt  }
0x69: {  	_ =	shalt  }
0x6a: {  	_ =	shalt  }
0x6b: {  	_ =	shalt  }
0x6c: {  	_ =	shalt  }
0x6d: {  	_ =	shalt  }
0x6e: {  	_ =	shalt  }
0x6f: {  	_ =	shalt  }
0x70: {  	_ =	shalt  }
0x71: {  	_ =	shalt  }
0x72: {  	_ =	shalt  }
0x73: {  	_ =	shalt  }
0x74: {  	_ =	shalt  }
0x75: {  	_ =	shalt  }
0x76: {  	_ =	shalt  }
0x77: {  	_ =	shalt  }
0x78: {  	_ =	shalt  }
0x79: {  	_ =	shalt  }
0x7a: {  	_ =	shalt  }
0x7b: {  	_ =	shalt  }
0x7c: {  	_ =	shalt  }
0x7d: {  	_ =	shalt  }
0x7e: {  	_ =	shalt  }
0x7f: {  	_ =	shalt  }
0x80: {  	_ =	shalt  }
0x81: {  	_ =	shalt  }
0x82: {  	_ =	shalt  }
0x83: {  	_ =	shalt  }
0x84: {  	_ =	shalt  }
0x85: {  	_ =	shalt  }
0x86: {  	_ =	shalt  }
0x87: {  	_ =	shalt  }
.Lfunc_end0:
.L_simem_size_0:
called_computation_lowered:
.L_overlay_start_0:
0x88: {  	s2 =	sld [smem:$0x3FD9]  }
0x89: {  	s3 =	sld [smem:$0x3FFE];
	_ =	sdelay $0x1  }
0x8a: {  	s1 =	srdreg.scid  }
0x8b: {  	s0 =	sand.u32 $0x1, s1  }
0x8c: {  	s17 =	sshll.u32 s0, $0xA;
	s2 =	sadd.s32 s3, s2  }
0x8d: {  	s2 =	sadd.s32 s2, s17  }
0x8e: {  	[smem:$0x3FBD] =	sst s2  }
0x8f: {  	_ = 	snop  }
0x90: {  	(tm) =	ssettm $0x1  }
0x91: {  	s18 =	sld [smem:$0x3FFB];
	_ =	sdelay $0x3  }
0x92: {  	_ =	strace s18  }
0x93: {  	s2 =	sld [smem:$0x3FFC];
	_ =	sdelay $0x3  }
0x94: {  	_ =	strace s2  }
0x95: {  	s2 =	sld [smem:$0x3FFD];
	_ =	sdelay $0x3  }
0x96: {  	_ =	strace s2  }
0x97: {  	_ =	strace $0x8FFFFFFF  }
0x98: {  	s19 =	sld [smem:$0x3FDB];
	_ =	sdelay $0x1  }
0x99: {  	s20 =	simm.s32 $_scs_section_size  }
0x9a: {  	s4 =	simm.s32 $_size__tile_overlayer_lowered;
	s5 =	simm.s32 $_tile_overlayer_lowered  }
0x9b: {  	s6 =	simm.s32 $0x1BFF;
	s21 =	sshll.u32 s5, $0x1;
	s3 =	sadd.s32 s20, s19  }
0x9c: {  	s22 =	simm.s32 $0x0;
	s4 =	sshll.u32 s4, $0x1;
	s5 =	sadd.s32 s21, s3  }
0x9d: {  	[timem:s22], [sflag:s6] =	dma.local [hbm:s5], s4  }
0x9e: {  	_ =	swait.ge [sflag:s6], s4  }
0x9f: {  	s4 =	ssub.s32 $0x0, s4;
	[sflag:s6] =	ssyncset.done $0x0  }
0xa0: {  	[sflag:s6] =	ssyncadd.s32 s4;
	_ =	sdelay $0x1  }
0xa1: {  	s23 =	simm.s32 $0x1B8B  }
0xa2: {  	_ =	swait.ge [sflag:s23], $0x1  }
0xa3: {  	[sflag:s23] =	ssyncset.done $0x0  }
0xa4: {  	[sflag:s23] =	ssyncadd.s32 $0xFFFFFFFF  }
0xa5: {  	s4 =	sld [smem:$0x0]  }
0xa6: {  	s5 =	sand.u32 $0xFFFFFFFE, s1  }
0xa7: {  	p0 =	sne.s32 s1, s5  }
0xa8: {  	s5 =	sshll.u32 @p0 s5, $0xE  }
0xa9: {  	s5 =	sadd.s32 @p0 $0x11B8D, s5;
	s6 =	sshll.u32 @p0 s4, $0x11  }
0xaa: {  	s5 =	sor.u32 @p0 s6, s5  }
0xab: {  	[sflag:s5] =	ssyncadd.remote.s32 @p0 $0x1;
	_ =	sdelay $0x1  }
0xac: {  	s5 =	simm.s32 @p0 $0x1B8D  }
0xad: {  	_ =	swait.eq @p0 [sflag:s5], $0x1  }
0xae: {  	[sflag:s5] =	ssyncadd.s32 @p0 $0xFFFFFFFF  }
0xaf: {  	s6 =	sshll.u32 @!p0 s1, $0xE  }
0xb0: {  	s6 =	sor.u32 @!p0 $0x4000, s6;
	s5 =	simm.s32 @!p0 $0x1B8D  }
0xb1: {  	s4 =	sshll.u32 @!p0 s4, $0x11;
	s6 =	sadd.s32 @!p0 $0x11B8D, s6;
	_ =	swait.eq @!p0 [sflag:s5], $0x1  }
0xb2: {  	s4 =	sor.u32 @!p0 s4, s6;
	[sflag:s5] =	ssyncadd.s32 @!p0 $0xFFFFFFFF  }
0xb3: {  	s25 =	simm.s32 $0x1B8E;
	s24 =	sld [smem:$0x3FFE];
	[sflag:s4] =	ssyncadd.remote.s32 @!p0 $0x1  }
0xb4: {  	s26 =	simm.s32 $execute0_lowered;
	[smem:$0x3FD2] =	sst s25  }
0xb5: {  	s5 =	sshll.u32 s26, $0x1;
	_ =	strace $0x80000049;
	[dreg:$0x1] =	wrdreg $0xFFFFFFFF  }
0xb6: {  	s28 =	simm.s32 $_size_execute0_lowered;
	s3 =	sadd.s32 s3, s5;
	[dreg:$0x0] =	wrdreg $0x0  }
0xb7: {  	s5 =	sshll.u32 s28, $0x1;
	[dreg:$0x2] =	wrdreg s3  }
0xb8: {  	[dreg:$0x3] =	wrdreg s5  }
0xb9: {  	[dreg:$0x4] =	wrdreg $0xC0  }
0xba: {  	_ =	task [dreg:s22], $0x5FFFF  }
0xbb: {  	[dreg:$0x1] =	wrdreg $0xFFFFFFFF  }
0xbc: {  	[dreg:$0x0] =	wrdreg $0x60  }
0xbd: {  	[dreg:$0x2] =	wrdreg s24  }
0xbe: {  	[dreg:$0x3] =	wrdreg $0x48000  }
0xbf: {  	[dreg:$0x4] =	wrdreg $0x9  }
0xc0: {  	_ =	task.clear_ibuf [dreg:s22], $0x5FFFF;
	_ =	strace $0x90000049  }
0xc1: {  	s29 =	simm.s32 $0x9;
	_ =	strace $0x8000004B  }
0xc2: {  	_ =	swait.ge [sflag:s29], $0x1  }
0xc3: {  	[sflag:s29] =	ssyncadd.s32 $0xFFFFFFFF  }
0xc4: {  	_ =	strace $0x9000004B  }
0xc5: {  	_ =	sfence  }
0xc6: {  	s30 =	sld [smem:$0x0];
	_ =	sdelay $0x2  }
0xc7: {  	s31 =	sshll.u32 s1, $0xD;
	s1 =	sshrl.u32 s1, $0x2  }
0xc8: {  	s4 =	sand.u32 $0x4000, s31;
	s1 =	sadd.s32 s1, s30  }
0xc9: {  	s0 =	sor.u32 s4, s0;
	s1 =	sshll.u32 s1, $0x11  }
0xca: {  	s0 =	sor.u32 s1, s0  }
0xcb: {  	s0 =	sadd.s32 $0x8F2B, s0  }
0xcc: {  	[sflag:s0] =	ssyncadd.remote.s32 $0x1  }
0xcd: {  	_ =	sfence.sel $0xFFFF  }
0xce: {  	[dreg:$0x0] =	wrdreg $0xFFFFFFFF;
	(pc) =	sbr.abs _section_cstart, $3  }
0xcf: {  	[dreg:$0x1] =	wrdreg $0xFFFFFFFF  }
0xd0: {  	_ =	task.clear_ibuf [dreg:s22], $0x2FFFF;
	_ =	strace $0x9FFFFFFF  }
0xd1: {  	(tm) =	ssettm $0x7FFFFFFF  }
tec
execute0_lowered:
.L_overlay_start_1:
0x0: {  	(tag) =	ssettag $0x1  }
0x1: {  	s7 =	rddreg [dreg:$0x0]  }
0x2: {  	s1 =	rddreg [dreg:$0x1]  }
0x3: {  	s0 =	rddreg [dreg:$0x2]  }
0x4: {  	s2 =	simm.s32 $0x0;
	s8 =	srdreg.scid;
	s3 =	stileid.u32  }
0x5: {  	s18 =	simm.s32 $0x3;
	s19 =	simm.s32 $0x400;
	s20 =	simm.s32 $0x7D  }
0x6: {  	s21 =	simm.s32 $0x2;
	s22 =	simm.s32 $0x0;
	[smem:$0x7FF] =	sst s2  }
0x7: {  	s4 =	sadd.s32 $0x2400, s7;
	s5 =	sadd.s32 $0x66E00, s7;
	s6 =	sadd.s32 $0x16400, s7  }
0x8: {  	s10 =	sadd.s32 $0x67600, s7;
	s25 =	sand.u32 $0x1, s8;
	s26 =	smul.u32 $0x4E000, s3  }
0x9: {  	s13 =	smul.u32 $0x13800, s3;
	s15 =	sadd.s32 $0x124800, s1;
	p0 =	seq.s32 s3, $0xF  }
0xa: {  	_ =	strace $0x8000004A;
	s9 =	ssub.s32 $0x2, s25;
	s11 =	sshll.u32 s25, $0x4  }
0xb: {  	s12 =	smul.u32 $0x138800, s25;
	s16 =	sshll.u32 @!p0 s3, $0x6;
	s15 =	sshrl.u32 @p0 s15, $0x3  }
0xc: {  	s28 =	sshrl.u32 s9, $0x1;
	s11 =	sor.u32 s3, s11;
	s8 =	sshrl.u32 s26, $0x2  }
0xd: {  	s16 =	sor.u32 @!p0 $0x1C04, s16;
	s14 =	ssub.s32 s9, s28;
	s7 =	smul.u32 $0x2800, s11  }
.Ltmp0:
0xe: {  	s17 =	sadd.s32 s8, s1;
	s29 =	sadd.s32 s13, s12;
	(pc) =	sbr.rel .LBB2_1-.Ltmp0, $4  }
0xf: {  	s12 =	sshrl.u32 s12, $0x3;
	s13 =	simm.s32 $0x800;
	s31 =	sshrl.u32 s29, $0x3  }
0x10: {  	s11 =	smax.u32 s14, $0x1;
	s14 =	simm.s32 $0x4;
	s30 =	sshrl.u32 s7, $0x3  }
0x11: {  	s9 =	sadd.s32 s10, s31;
	s10 =	sadd.s32 s10, s12;
	s8 =	sadd.s32 s4, s30  }
0x12: {  	s17 =	sshrl.u32 @!p0 s17, $0x3;
	s10 =	sadd.s32 $0x24900, s10;
	s12 =	sadd.s32 $0x80, s8  }
.LBB2_6:
0x13: {  	_ =	swait.ge [sflag:s21], $0x3E80  }
0x14: {  	[sflag:s21] =	ssyncset.done $0x0  }
0x15: {  	[sflag:s21] =	ssyncadd.s32 $0xFFFFC180  }
0x16: {  	s23 =	simm.s32 @p0 $0x1FC4;
	[bflag:$0x0] =	sbarrier.arrive $0xFFFF  }
0x17: {  	[hbm:s10], [sflag:s23] =	dma.local @p0 [spmem:s15], $0x2800  }
0x18: {  	s23 =	simm.s32 @p0 $0x4  }
0x19: {  	s22 =	sadd.s32 $0x1, s22;
	_ =	swait.ge @p0 [sflag:s23], $0x2800  }
0x1a: {  	p1 =	sne.s32 s22, s11;
	[sflag:s23] =	ssyncset.done @p0 $0x0  }
.Ltmp1:
0x1b: {  	[sflag:s23] =	ssyncadd.s32 @p0 $0xFFFFD800;
	s23 =	simm.s32 @!p0 $0x4;
	(pc) =	sbr.rel @!p1 .LBB2_7-.Ltmp1, $4  }
0x1c: {  	[hbm:s9], [sflag:s16] =	dma.local @!p0 [spmem:s17], $0x2700  }
0x1d: {  	_ =	swait.ge @!p0 [sflag:s23], $0x2700  }
0x1e: {  	[sflag:s23] =	ssyncset.done @!p0 $0x0  }
0x1f: {  	[sflag:s23] =	ssyncadd.s32 @!p0 $0xFFFFD900  }
.LBB2_1:
0x20: {  	[tilespmem:s13], [sflag:$0x4] =	stream.linear.gather [hbm4b:s5+s2], $0x3E80, $0x38;
	[tilespmem:$0x18080] =	vst v63  }
0x21: {  	_ =	swait.ge [sflag:s14], $0x3E80  }
0x22: {  	[sflag:s14] =	ssyncset.done $0x0  }
0x23: {  	s23 =	simm.s32 @p0 $0x1FC4;
	[sflag:s14] =	ssyncadd.s32 $0xFFFFC180  }
0x24: {  	[spmem:s15], [sflag:s23] =	dma.local @p0 [hbm:s6], $0x2800  }
0x25: {  	s23 =	simm.s32 @p0 $0x4  }
0x26: {  	_ =	swait.ge @p0 [sflag:s23], $0x2800  }
0x27: {  	[sflag:s23] =	ssyncset.done @p0 $0x0  }
0x28: {  	[sflag:s23] =	ssyncadd.s32 @p0 $0xFFFFD800;
	s23 =	simm.s32 @!p0 $0x4  }
0x29: {  	[spmem:s17], [sflag:s16] =	dma.local @!p0 [hbm:s6], $0x2700  }
0x2a: {  	_ =	swait.ge @!p0 [sflag:s23], $0x2700  }
0x2b: {  	[sflag:s23] =	ssyncset.done @!p0 $0x0  }
0x2c: {  	[sflag:s23] =	ssyncadd.s32 @!p0 $0xFFFFD900  }
0x2d: {  	[bflag:$0x0] =	sbarrier.arrive $0xFFFF  }
0x2e: {  	[tilespmem:s2], [sflag:$0x3] =	stream.linear.gather [hbm4b:s8+s2], $0x400, $0x38;
	[tilespmem:$0x18080] =	vst v63  }
0x2f: {  	_ =	swait.ge [sflag:s18], $0x400  }
.Ltmp2:
0x30: {  	[sflag:s18] =	ssyncset.done $0x0;
	(pc) =	sbr.rel .LBB2_2-.Ltmp2, $4  }
0x31: {  	[sflag:s18] =	ssyncadd.s32 $0xFFFFFC00  }
0x32: {  	[tilespmem:s19], [sflag:$0x3] =	stream.linear.gather [hbm4b:s12+s2], $0x400, $0x38;
	[tilespmem:$0x18080] =	vst v63  }
0x33: {  	s24 =	simm.s32 $0x80;
	s23 =	simm.s32 $0x1  }
0x34: {  	[spmem:s1] =	stream.indirect.scatter.add.f32 [tilespmem:s13], [sflag:$0x1], $0x80, s2, s20, $0xb8;
	[tilespmem:$0x18080] =	vst v63  }
.LBB2_4:
0x35: {  	p2 =	sne.s32 @!p1 s28, $0x7  }
0x36: {  	p1 =	por p2, p1  }
0x37: {  	s28 =	simm.s32 @!p1 $0x3  }
0x38: {  	_ =	swait.ge @!p1 [sflag:s28], $0x400  }
0x39: {  	[sflag:s28] =	ssyncset.done @!p1 $0x0  }
0x3a: {  	[sflag:s28] =	ssyncadd.s32 @!p1 $0xFFFFFC00  }
.LBB2_5:
0x3b: {  	s28 =	sand.u32 $0x380, s24;
	s24 =	sadd.s32 $0x80, s24  }
0x3c: {  	p1 =	sne.s32 s24, $0x2800  }
.Ltmp3:
0x3d: {  	_ = 	snop;
	(pc) =	sbr.rel @!p1 .LBB2_6-.Ltmp3, $4  }
0x3e: {  	_ = 	snop  }
0x3f: {  	s26 =	sand.u32 $0x400, s26  }
0x40: {  	s25 =	sadd.s32 $0x1, s25;
	s23 =	sadd.s32 $0x1, s23;
	s26 =	sor.u32 s28, s26  }
0x41: {  	[spmem:s1] =	stream.indirect.scatter.add.f32 [tilespmem:s13], [sflag:s25], $0x80, s26, s20, $0xb8;
	[tilespmem:$0x18080] =	vst v63  }
.LBB2_2:
0x42: {  	s28 =	sand.u32 $0x7, s23;
	p1 =	sgt.u32 s23, $0x47  }
0x43: {  	p2 =	sne.s32 @!p1 s28, $0x0  }
0x44: {  	s25 =	sand.u32 $0x1, s23;
	p2 =	por p1, p2  }
.Ltmp4:
0x45: {  	s26 =	sxor.u32 $0x1, s25;
	(pc) =	sbr.rel @p2 .LBB2_4-.Ltmp4, $4  }
0x46: {  	s26 =	sadd.s32 $0x1, s26  }
0x47: {  	_ =	swait.ge [sflag:s26], $0x3E80  }
0x48: {  	s29 =	sshrl.u32 s23, $0x3;
	[sflag:s26] =	ssyncset.done $0x0  }
0x49: {  	[sflag:s26] =	ssyncadd.s32 $0xFFFFC180;
	s26 =	sshll.u32 s29, $0xA  }
.Ltmp5:
0x4a: {  	s28 =	sadd.s32 $0x400, s26;
	(pc) =	sbr.rel .LBB2_5-.Ltmp5, $4  }
0x4b: {  	s29 =	sadd.s32 s7, s28  }
0x4c: {  	s29 =	sshrl.u32 s29, $0x3  }
0x4d: {  	s28 =	sand.u32 $0x400, s28;
	s29 =	sadd.s32 s4, s29  }
0x4e: {  	[tilespmem:s28], [sflag:$0x3] =	stream.linear.gather [hbm4b:s29+s2], $0x400, $0x38;
	[tilespmem:$0x18080] =	vst v63  }
.LBB2_7:
0x4f: {  	_ =	sfence.sel $0x180000  }
0x50: {  	[bflag:$0x0] =	sbarrier.arrive $0xFFFF  }
0x51: {  	p0 =	sne.s32 s3, $0x0;
	_ =	strace $0x9000004A  }
0x52: {  	s0 =	sadd.s32 @!p0 $0x100000, s0;
	[bflag:$0x2] =	sbarrier.arrive $0xFFFF  }
0x53: {  	[sflag:s0] =	ssyncadd.tile.s32 @!p0 $0x1;
	_ =	shalt  }
.Lfunc_end2:
_tile_overlayer_lowered:
.L_overlay_start_2:
0x54: {  	(tag) =	ssettag $0x2  }
0x55: {  	s0 =	rddreg [dreg:$0x0];
	s2 =	stileid.u32  }
0x56: {  	s1 =	rddreg [dreg:$0x1];
	p0 =	sne.s32 s2, $0x0  }
0x57: {  	s3 =	rddreg [dreg:$0x2];
	[bflag:$0x3] =	sbarrier.arrive $0xFFFF;
	s2 =	simm.s32 @!p0 $0x1C04  }
0x58: {  	[timem:s3], [sflag:s2] =	dma.local @!p0 [hbm:s0], s1  }
0x59: {  	s0 =	simm.s32 @!p0 $0x4  }
0x5a: {  	_ =	swait.ge @!p0 [sflag:s0], s1  }
0x5b: {  	s1 =	ssub.s32 @!p0 $0x0, s1;
	[sflag:s0] =	ssyncset.done @!p0 $0x0  }
0x5c: {  	[sflag:s0] =	ssyncadd.s32 @!p0 s1  }
0x5d: {  	[bflag:$0x3] =	sbarrier.arrive $0xFFFF  }
0x5e: {  	_ =	shalt  }

</sc_bundles>
